<compile_context>
chip_gen: v7x
topology: tpu7x:2x2x1
jax: 0.10.2.dev20260603
libtpu: 0.0.44.dev20260713+nightly
codegen_flags: <defaults>
</compile_context>

<pallas_src>
import functools
import math

import jax
import jax.numpy as jnp
from jax import lax
from jax.experimental import pallas as pl
from jax.experimental.pallas import tpu as pltpu, tpu_sc as plsc

N = 10000
E = 320000
D = 128
HOPS = 3
HEADS = 4
DH = D // HEADS

NC = 2
NS = 16
NW = NC * NS
CHUNK = 128
E_PAD = ((E + NW * CHUNK - 1) // (NW * CHUNK)) * (NW * CHUNK)
EW = E_PAD // NW
NCH = EW // CHUNK
N_PAD = ((N + NC * NS * 8 - 1) // 128) * 128
RPT = N_PAD // NS
TOTCH = E_PAD // CHUNK
NCH_FAST = 97
NCH_SLOW = TOTCH // NS - NCH_FAST


def _sc_degree_body(dst_hbm, zeros_hbm, deg_hbm, dstv, ones_v, acc):
    c = lax.axis_index("c")
    s = lax.axis_index("s")
    wid = s * NC + c
    for j in range(CHUNK // 16):
        ones_v[pl.ds(16 * j, 16)] = jnp.ones((16,), jnp.float32)
    pltpu.sync_copy(zeros_hbm.at[pl.ds(s * RPT, RPT)], acc.at[pl.ds(s * RPT, RPT)])
    plsc.subcore_barrier()

    def body(i, carry):
        base = wid * EW + i * CHUNK
        pltpu.sync_copy(dst_hbm.at[pl.ds(base, CHUNK)], dstv)
        pltpu.sync_copy(ones_v, acc.at[dstv], add=True)
        return carry

    lax.fori_loop(0, NCH, body, 0)
    plsc.subcore_barrier()
    pltpu.sync_copy(acc.at[pl.ds(s * RPT, RPT)], deg_hbm.at[c, pl.ds(s * RPT, RPT)])


def _sc_gather_scatter_body(src_hbm, dst_hbm, table_hbm, zeros_hbm, out_hbm,
                            srcv, dstv, rows, acc, sem):
    c = lax.axis_index("c")
    s = lax.axis_index("s")
    base_chunk = jnp.where(c == 0, s * NCH_FAST,
                           NS * NCH_FAST + s * NCH_SLOW)
    nch = jnp.where(c == 0, NCH_FAST, NCH_SLOW)
    pltpu.sync_copy(zeros_hbm.at[pl.ds(s * RPT, RPT)], acc.at[pl.ds(s * RPT, RPT)])
    plsc.subcore_barrier()

    def body(i, carry):
        base = (base_chunk + i) * CHUNK
        pltpu.sync_copy(src_hbm.at[pl.ds(base, CHUNK)], srcv)
        pltpu.sync_copy(dst_hbm.at[pl.ds(base, CHUNK)], dstv)
        pltpu.async_copy(table_hbm.at[srcv], rows, sem).wait()
        pltpu.sync_copy(rows, acc.at[dstv], add=True)
        return carry

    lax.fori_loop(0, nch, body, 0)
    plsc.subcore_barrier()
    pltpu.sync_copy(acc.at[pl.ds(s * RPT, RPT)],
                    out_hbm.at[c, pl.ds(s * RPT, RPT)])


@functools.lru_cache(maxsize=1)
def _build_sc_kernels():
    mesh = plsc.VectorSubcoreMesh(core_axis_name="c", subcore_axis_name="s",
                                  num_cores=NC, num_subcores=NS)
    deg = pl.kernel(
        _sc_degree_body,
        out_type=jax.ShapeDtypeStruct((NC, N_PAD), jnp.float32),
        mesh=mesh,
        scratch_types=[
            pltpu.VMEM((CHUNK,), jnp.int32),
            pltpu.VMEM((CHUNK,), jnp.float32),
            pltpu.VMEM_SHARED((N_PAD,), jnp.float32),
        ],
    )
    agg = pl.kernel(
        _sc_gather_scatter_body,
        out_type=jax.ShapeDtypeStruct((NC, N_PAD, D), jnp.float32),
        mesh=mesh,
        scratch_types=[
            pltpu.VMEM((CHUNK,), jnp.int32),
            pltpu.VMEM((CHUNK,), jnp.int32),
            pltpu.VMEM((CHUNK, D), jnp.float32),
            pltpu.VMEM_SHARED((N_PAD, D), jnp.float32),
            pltpu.SemaphoreType.DMA,
        ],
    )
    return deg, agg


def _sc_degree(dst_p, zeros1d):
    return _build_sc_kernels()[0](dst_p, zeros1d)


def _sc_gather_scatter(src_p, dst_p, table, zeros2d):
    return _build_sc_kernels()[1](src_p, dst_p, table, zeros2d)



BLK = 2000


def _prep_body(degT_ref, x_ref, w_ref, dis_ref, hs_ref):
    d = degT_ref[:, 0:1] + degT_ref[:, 1:2]
    dis = jnp.where(d > 0, lax.rsqrt(jnp.maximum(d, 1e-12)), 0.0)
    dis_ref[...] = dis
    hs_ref[...] = jnp.dot(x_ref[...], w_ref[...],
                          preferred_element_type=jnp.float32) * dis


def _hop_body(x_ref, hprev_ref, p0_ref, p1_ref, dis_ref, b_ref,
              wgt_ref, wgb_ref, bg_ref, wn_ref, feat_ref, hs_ref):
    dis = dis_ref[...]
    hh = dis * (p0_ref[...] + p1_ref[...]) + b_ref[...]
    g = jax.nn.sigmoid(
        jnp.dot(x_ref[...], wgt_ref[...], preferred_element_type=jnp.float32)
        + jnp.dot(hh, wgb_ref[...], preferred_element_type=jnp.float32)
        + bg_ref[...])
    f = g * hh + (1.0 - g) * hprev_ref[...]
    feat_ref[...] = f
    hs_ref[...] = jnp.dot(f, wn_ref[...],
                          preferred_element_type=jnp.float32) * dis


def _last_body(x_ref, f0_ref, f1_ref, p0_ref, p1_ref, dis_ref, b_ref,
               wgt_ref, wgb_ref, bg_ref,
               wq_ref, bq_ref, wk_ref, bk_ref,
               wa0_ref, wa1_ref, wa2_ref, ba_ref, gam_ref, bet_ref,
               feat_ref, out_ref, attw_ref):
    dis = dis_ref[...]
    hh = dis * (p0_ref[...] + p1_ref[...]) + b_ref[...]
    g = jax.nn.sigmoid(
        jnp.dot(x_ref[...], wgt_ref[...], preferred_element_type=jnp.float32)
        + jnp.dot(hh, wgb_ref[...], preferred_element_type=jnp.float32)
        + bg_ref[...])
    f2 = g * hh + (1.0 - g) * f1_ref[...]
    feat_ref[...] = f2

    feats = (f0_ref[...], f1_ref[...], f2)
    wq = wq_ref[...]
    wk = wk_ref[...]
    qs = [jnp.dot(f, wq, preferred_element_type=jnp.float32) + bq_ref[...]
          for f in feats]
    ks = [jnp.dot(f, wk, preferred_element_type=jnp.float32) + bk_ref[...]
          for f in feats]
    scale = 1.0 / math.sqrt(DH)
    scores = []
    for l in range(HOPS):
        row = []
        for m in range(HOPS):
            p = qs[l] * ks[m]
            row.append([jnp.sum(p[:, h * DH:(h + 1) * DH], axis=1,
                                keepdims=True) * scale
                        for h in range(HEADS)])
        scores.append(row)
    attw_cols = []
    for l in range(HOPS):
        wsum = [0.0, 0.0, 0.0]
        for h in range(HEADS):
            s0, s1, s2 = scores[l][0][h], scores[l][1][h], scores[l][2][h]
            mx = jnp.maximum(jnp.maximum(s0, s1), s2)
            e0 = jnp.exp(s0 - mx)
            e1 = jnp.exp(s1 - mx)
            e2 = jnp.exp(s2 - mx)
            tot = e0 + e1 + e2
            wsum[0] += e0 / tot
            wsum[1] += e1 / tot
            wsum[2] += e2 / tot
        for m in range(HOPS):
            attw_cols.append(wsum[m] * (1.0 / HEADS))
    attw_ref[...] = jnp.concatenate(attw_cols, axis=1)

    z = (jnp.dot(feats[0], wa0_ref[...], preferred_element_type=jnp.float32)
         + jnp.dot(feats[1], wa1_ref[...], preferred_element_type=jnp.float32)
         + jnp.dot(feats[2], wa2_ref[...], preferred_element_type=jnp.float32)
         + ba_ref[...])
    mu = jnp.mean(z, axis=1, keepdims=True)
    zc = z - mu
    var = jnp.mean(zc * zc, axis=1, keepdims=True)
    ln = zc * lax.rsqrt(var + 1e-5) * gam_ref[...] + bet_ref[...]
    out_ref[...] = jnp.maximum(ln, 0.0)


def _row_spec(width):
    return pl.BlockSpec((BLK, width), lambda i: (i, 0))


def _full_spec(r, cols=D):
    return pl.BlockSpec((r, cols), lambda i: (0, 0))


_GRID = (N // BLK,)

_tc_prep = pl.pallas_call(
    _prep_body,
    grid=_GRID,
    in_specs=[_row_spec(2), _row_spec(D), _full_spec(D)],
    out_specs=[_row_spec(1), _row_spec(D)],
    out_shape=[jax.ShapeDtypeStruct((N, 1), jnp.float32),
               jax.ShapeDtypeStruct((N, D), jnp.float32)],
)

_tc_hop = pl.pallas_call(
    _hop_body,
    grid=_GRID,
    in_specs=[_row_spec(D), _row_spec(D), _row_spec(D), _row_spec(D),
              _row_spec(1), _full_spec(1), _full_spec(D), _full_spec(D),
              _full_spec(1), _full_spec(D)],
    out_specs=[_row_spec(D), _row_spec(D)],
    out_shape=[jax.ShapeDtypeStruct((N, D), jnp.float32),
               jax.ShapeDtypeStruct((N, D), jnp.float32)],
)

_tc_last = pl.pallas_call(
    _last_body,
    grid=_GRID,
    in_specs=[_row_spec(D), _row_spec(D), _row_spec(D), _row_spec(D),
              _row_spec(D), _row_spec(1), _full_spec(1), _full_spec(D),
              _full_spec(D), _full_spec(1),
              _full_spec(D), _full_spec(1), _full_spec(D), _full_spec(1),
              _full_spec(D), _full_spec(D), _full_spec(D), _full_spec(1),
              _full_spec(1), _full_spec(1)],
    out_specs=[_row_spec(D), _row_spec(D), _row_spec(HOPS * HOPS)],
    out_shape=[jax.ShapeDtypeStruct((N, D), jnp.float32),
               jax.ShapeDtypeStruct((N, D), jnp.float32),
               jax.ShapeDtypeStruct((N, HOPS * HOPS), jnp.float32)],
)



@jax.jit
def kernel(x, edge_index, W0, b0, Wg0, bg0, W1, b1, Wg1, bg1, W2, b2, Wg2, bg2,
           Wq, Wk, Wv, Wo, bq, bk, bv, bo, Wa, ba, gamma, beta):
    src = edge_index[0]
    dst = edge_index[1]
    pad = E_PAD - E
    src_p = jnp.concatenate([src, jnp.zeros((pad,), jnp.int32)])
    dst_p = jnp.concatenate([dst, jnp.full((pad,), N, jnp.int32)])

    zeros2d = jnp.zeros((N_PAD, D), jnp.float32)
    zeros1d = jnp.zeros((N_PAD,), jnp.float32)

    deg_parts = _sc_degree(dst_p, zeros1d)
    degT = deg_parts[:, :N].T

    row1 = lambda v: v.reshape(1, D)
    Wg_tops = [Wg0[:D], Wg1[:D], Wg2[:D]]
    Wg_bots = [Wg0[D:], Wg1[D:], Wg2[D:]]
    bs = [b0, b1, b2]
    bgs = [bg0, bg1, bg2]
    Ws = [W0, W1, W2]

    dis, hs = _tc_prep(degT, x, W0)

    parts = _sc_gather_scatter(src_p, dst_p, hs, zeros2d)
    f0, hs = _tc_hop(x, x, parts[0, :N], parts[1, :N], dis,
                     row1(bs[0]), Wg_tops[0], Wg_bots[0], row1(bgs[0]), Ws[1])
    parts = _sc_gather_scatter(src_p, dst_p, hs, zeros2d)
    f1, hs = _tc_hop(x, f0, parts[0, :N], parts[1, :N], dis,
                     row1(bs[1]), Wg_tops[1], Wg_bots[1], row1(bgs[1]), Ws[2])
    parts = _sc_gather_scatter(src_p, dst_p, hs, zeros2d)
    f2, out, attw = _tc_last(
        x, f0, f1, parts[0, :N], parts[1, :N], dis,
        row1(bs[2]), Wg_tops[2], Wg_bots[2], row1(bgs[2]),
        Wq, row1(bq), Wk, row1(bk),
        Wa[:D], Wa[D:2 * D], Wa[2 * D:], row1(ba),
        gamma.reshape(1, D), beta.reshape(1, D))

    return (out, f0, f1, f2, attw.reshape(N, HOPS, HOPS))

# --- scband reference (transcript-rebuilt; emitter-appended) ---
"""Pipeline reference for scband-multi-hop-aggregator-82025285419547 (READ-ONLY COPY).

The authoritative reference and input builder live on the scoring server;
editing this copy changes nothing except your own understanding.
"""

import jax, jax.numpy as jnp
import numpy as np

N = 10000
E = 320000
D = 128
HOPS = 3
HEADS = 4


def _p(k, shape):
    return jax.random.normal(k, shape, dtype=jnp.float32) * 0.05


def setup_inputs(seed: int = 0):
    key = jax.random.key(seed)
    ks = jax.random.split(key, 40)
    inp = {}
    inp["x"] = jax.random.normal(ks[0], (N, D), dtype=jnp.float32)
    inp["edge_index"] = jax.random.randint(ks[1], (2, E), 0, N, dtype=jnp.int32)
    i = 2
    for h in range(HOPS):
        inp[f"W{h}"] = _p(ks[i], (D, D)); i += 1
        inp[f"b{h}"] = jnp.zeros((D,), jnp.float32)
        inp[f"Wg{h}"] = _p(ks[i], (2 * D, D)); i += 1
        inp[f"bg{h}"] = jnp.zeros((D,), jnp.float32)
    for nm in ["Wq", "Wk", "Wv", "Wo"]:
        inp[nm] = _p(ks[i], (D, D)); i += 1
    for nm in ["bq", "bk", "bv", "bo"]:
        inp[nm] = jnp.zeros((D,), jnp.float32)
    inp["Wa"] = _p(ks[i], (HOPS * D, D)); i += 1
    inp["ba"] = jnp.zeros((D,), jnp.float32)
    inp["gamma"] = jnp.ones((D,), jnp.float32)
    inp["beta"] = jnp.zeros((D,), jnp.float32)
    return inp


def _gcn(x, src, dst, W, b):
    # PyG GCNConv with add_self_loops=False: D^-1/2 A D^-1/2 (x @ W) + b
    n = x.shape[0]
    deg = jnp.zeros((n,), x.dtype).at[dst].add(1.0)
    dis = jnp.where(deg > 0, 1.0 / jnp.sqrt(jnp.maximum(deg, 1e-12)), 0.0)
    norm = dis[src] * dis[dst]
    h = x @ W
    msg = norm[:, None] * jnp.take(h, src, axis=0)
    out = jnp.zeros_like(h).at[dst].add(msg)
    return out + b


def _mha(xs, Wq, bq, Wk, bk, Wv, bv, Wo, bo):
    n, L, d = xs.shape
    dh = d // HEADS
    q = (xs @ Wq + bq).reshape(n, L, HEADS, dh).transpose(0, 2, 1, 3)
    k = (xs @ Wk + bk).reshape(n, L, HEADS, dh).transpose(0, 2, 1, 3)
    v = (xs @ Wv + bv).reshape(n, L, HEADS, dh).transpose(0, 2, 1, 3)
    scores = jnp.einsum("nhqd,nhkd->nhqk", q, k) / float(np.sqrt(dh))
    attn = jax.nn.softmax(scores, axis=-1)
    o = jnp.einsum("nhqk,nhkd->nhqd", attn, v).transpose(0, 2, 1, 3).reshape(n, L, d)
    o = o @ Wo + bo
    # torch MHA averages attention weights over heads by default
    return o, attn.mean(axis=1)


def reference(x, edge_index, W0, b0, Wg0, bg0, W1, b1, Wg1, bg1, W2, b2, Wg2, bg2,
              Wq, Wk, Wv, Wo, bq, bk, bv, bo, Wa, ba, gamma, beta):
    src = edge_index[0]
    dst = edge_index[1]
    Ws = [(W0, b0), (W1, b1), (W2, b2)]
    Gs = [(Wg0, bg0), (Wg1, bg1), (Wg2, bg2)]
    h = x
    feats = []
    for i in range(HOPS):
        hh = _gcn(h, src, dst, Ws[i][0], Ws[i][1])
        gate = jax.nn.sigmoid(jnp.concatenate([x, hh], axis=-1) @ Gs[i][0] + Gs[i][1])
        hg = gate * hh + (1.0 - gate) * h
        feats.append(hg)
        h = hg
    stack = jnp.stack(feats, axis=1)  # [N, HOPS, D]
    attended, attw = _mha(stack, Wq, bq, Wk, bk, Wv, bv, Wo, bo)
    concat = jnp.concatenate(feats, axis=-1)
    z = concat @ Wa + ba
    mu = z.mean(axis=-1, keepdims=True)
    var = ((z - mu) ** 2).mean(axis=-1, keepdims=True)
    ln = (z - mu) / jnp.sqrt(var + 1e-5) * gamma + beta
    out = jax.nn.relu(ln)  # dropout is identity in eval
    return (out, feats[0], feats[1], feats[2], attw)

if __name__ == "__main__":
    import jax
    _d = setup_inputs()
    print(jax.jit(kernel)(*tuple(_d.values())))

</pallas_src>

<mosaic_0001>
#map = affine_map<(d0, d1) -> (0)>
#map1 = affine_map<(d0, d1) -> (0, 0)>
#map2 = affine_map<(d0, d1) -> (0, 0, 0)>
module attributes {stable_mosaic.version = 14 : i64} {
  func.func @_sc_gather_scatter_body(%arg0: i32, %arg1: i32, %arg2: memref<323584xi32, #tpu.memory_space<hbm>>, %arg3: memref<323584xi32, #tpu.memory_space<hbm>>, %arg4: memref<10000x128xf32, #tpu.memory_space<hbm>>, %arg5: memref<10240x128xf32, #tpu.memory_space<hbm>>, %arg6: memref<2x10240x128xf32, #tpu.memory_space<hbm>>, %arg7: memref<128xi32, #tpu.memory_space<vmem>>, %arg8: memref<128xi32, #tpu.memory_space<vmem>>, %arg9: memref<128x128xf32, #tpu.memory_space<vmem>>, %arg10: memref<10240x128xf32, #tpu.memory_space<vmem_shared>>, %arg11: memref<!tpu.dma_semaphore, #tpu.memory_space<semaphore_mem>>) attributes {dimension_semantics = [#tpu.dimension_semantics<core_parallel>, #tpu.dimension_semantics<subcore_parallel>], iteration_bounds = array<i64: 2, 16>, scalar_prefetch = 0 : i64, scratch_operands = 5 : i64, tpu.core_type = #tpu.core_type<sc_vector_subcore>, window_params = [{transform_indices = #map}, {transform_indices = #map}, {transform_indices = #map1}, {transform_indices = #map1}, {transform_indices = #map2}]} {
    %eq3A = arith.constant 0 : i32
    %eq3A_0 = arith.cmpi eq, %arg0, %eq3A : i32
    %mul3A = arith.constant 97 : i32
    %mul3A_1 = arith.muli %arg1, %mul3A : i32
    %mul3A_2 = arith.constant 61 : i32
    %mul3A_3 = arith.muli %arg1, %mul3A_2 : i32
    %add3A = arith.constant 1552 : i32
    %add3A_4 = arith.addi %add3A, %mul3A_3 : i32
    %select_n3A = arith.select %eq3A_0, %mul3A_1, %add3A_4 : i32
    %eq3A_5 = arith.constant 0 : i32
    %eq3A_6 = arith.cmpi eq, %arg0, %eq3A_5 : i32
    %jit3A = arith.constant 97 : i32
    %jit3A_7 = arith.constant 61 : i32
    %select_n3A_8 = arith.select %eq3A_6, %jit3A, %jit3A_7 : i32
    %mul3A_9 = arith.constant 640 : i32
    %mul3A_10 = arith.muli %arg1, %mul3A_9 : i32
    %mul3A_11 = arith.constant 640 : i32
    %mul3A_12 = arith.muli %arg1, %mul3A_11 : i32
    "tpu.region"() ({
      %run_scoped3A = tpu.sem_alloc : memref<!tpu.dma_semaphore, #tpu.memory_space<semaphore_mem>>
      %dma_start3A = arith.constant 0 : i32
      %dma_start3A_27 = tpu.memref_slice %arg10[%mul3A_12, %dma_start3A] : memref<10240x128xf32, #tpu.memory_space<vmem_shared>> -> memref<640x128xf32, #tpu.memory_space<vmem_shared>>
      %dma_start3A_28 = arith.constant 0 : i32
      %dma_start3A_29 = tpu.memref_slice %arg5[%mul3A_10, %dma_start3A_28] : memref<10240x128xf32, #tpu.memory_space<hbm>> -> memref<640x128xf32, #tpu.memory_space<hbm>>
      tpu.enqueue_dma source(%dma_start3A_29 : memref<640x128xf32, #tpu.memory_space<hbm>>) target(%dma_start3A_27 : memref<640x128xf32, #tpu.memory_space<vmem_shared>>) target_semaphore(%run_scoped3A : memref<!tpu.dma_semaphore, #tpu.memory_space<semaphore_mem>>)
      %dma_wait3A = arith.constant 0 : i32
      %dma_wait3A_30 = tpu.memref_slice %arg10[%mul3A_12, %dma_wait3A] : memref<10240x128xf32, #tpu.memory_space<vmem_shared>> -> memref<640x128xf32, #tpu.memory_space<vmem_shared>>
      %dma_wait3A_31 = arith.constant 0 : i32
      %dma_wait3A_32 = tpu.memref_slice %arg5[%mul3A_10, %dma_wait3A_31] : memref<10240x128xf32, #tpu.memory_space<hbm>> -> memref<640x128xf32, #tpu.memory_space<hbm>>
      tpu.wait_dma2 semaphore(%run_scoped3A : memref<!tpu.dma_semaphore, #tpu.memory_space<semaphore_mem>>) src(%dma_wait3A_32 : memref<640x128xf32, #tpu.memory_space<hbm>>) dst(%dma_wait3A_30 : memref<640x128xf32, #tpu.memory_space<vmem_shared>>)
      tpu.yield
    }) : () -> ()
    %barrier3A = arith.constant 0 : index
    tpu.barrier barrier_id(%barrier3A)
    %while3A = arith.constant 0 : i32
    %while3A_13 = arith.constant 0 : i32
    %while3A_14 = arith.subi %select_n3A_8, %while3A_13 : i32
    %while3A_15 = arith.addi %while3A_13, %while3A_14 : i32
    %while3A_16 = arith.constant 1 : i32
    %while3A_17 = arith.divsi %while3A_14, %while3A_16 : i32
    %while3A_18 = arith.muli %while3A_17, %while3A_16 : i32
    %while3A_19 = arith.addi %while3A_13, %while3A_18 : i32
    %while3A_20 = arith.constant 1 : i32
    scf.for %while3A_27 = %while3A_13 to %while3A_19 step %while3A_20  : i32 {
      %add3A_28 = arith.addi %select_n3A, %while3A_27 : i32
      %mul3A_29 = arith.constant 128 : i32
      %mul3A_30 = arith.muli %add3A_28, %mul3A_29 : i32
      "tpu.region"() ({
        %run_scoped3A = tpu.sem_alloc : memref<!tpu.dma_semaphore, #tpu.memory_space<semaphore_mem>>
        %dma_start3A_35 = tpu.memref_slice %arg2[%mul3A_30] : memref<323584xi32, #tpu.memory_space<hbm>> -> memref<128xi32, #tpu.memory_space<hbm>>
        %dma_start3A_36 = tpu.memref_slice %arg2[%mul3A_30] : memref<323584xi32, #tpu.memory_space<hbm>> -> memref<128xi32, #tpu.memory_space<hbm>>
        tpu.enqueue_dma source(%dma_start3A_36 : memref<128xi32, #tpu.memory_space<hbm>>) target(%arg7 : memref<128xi32, #tpu.memory_space<vmem>>) target_semaphore(%run_scoped3A : memref<!tpu.dma_semaphore, #tpu.memory_space<semaphore_mem>>)
        %dma_wait3A_37 = tpu.memref_slice %arg2[%mul3A_30] : memref<323584xi32, #tpu.memory_space<hbm>> -> memref<128xi32, #tpu.memory_space<hbm>>
        %dma_wait3A_38 = tpu.memref_slice %arg2[%mul3A_30] : memref<323584xi32, #tpu.memory_space<hbm>> -> memref<128xi32, #tpu.memory_space<hbm>>
        tpu.wait_dma2 semaphore(%run_scoped3A : memref<!tpu.dma_semaphore, #tpu.memory_space<semaphore_mem>>) src(%dma_wait3A_38 : memref<128xi32, #tpu.memory_space<hbm>>) dst(%arg7 : memref<128xi32, #tpu.memory_space<vmem>>)
        tpu.yield
      }) : () -> ()
      "tpu.region"() ({
        %run_scoped3A = tpu.sem_alloc : memref<!tpu.dma_semaphore, #tpu.memory_space<semaphore_mem>>
        %dma_start3A_35 = tpu.memref_slice %arg3[%mul3A_30] : memref<323584xi32, #tpu.memory_space<hbm>> -> memref<128xi32, #tpu.memory_space<hbm>>
        %dma_start3A_36 = tpu.memref_slice %arg3[%mul3A_30] : memref<323584xi32, #tpu.memory_space<hbm>> -> memref<128xi32, #tpu.memory_space<hbm>>
        tpu.enqueue_dma source(%dma_start3A_36 : memref<128xi32, #tpu.memory_space<hbm>>) target(%arg8 : memref<128xi32, #tpu.memory_space<vmem>>) target_semaphore(%run_scoped3A : memref<!tpu.dma_semaphore, #tpu.memory_space<semaphore_mem>>)
        %dma_wait3A_37 = tpu.memref_slice %arg3[%mul3A_30] : memref<323584xi32, #tpu.memory_space<hbm>> -> memref<128xi32, #tpu.memory_space<hbm>>
        %dma_wait3A_38 = tpu.memref_slice %arg3[%mul3A_30] : memref<323584xi32, #tpu.memory_space<hbm>> -> memref<128xi32, #tpu.memory_space<hbm>>
        tpu.wait_dma2 semaphore(%run_scoped3A : memref<!tpu.dma_semaphore, #tpu.memory_space<semaphore_mem>>) src(%dma_wait3A_38 : memref<128xi32, #tpu.memory_space<hbm>>) dst(%arg8 : memref<128xi32, #tpu.memory_space<vmem>>)
        tpu.yield
      }) : () -> ()
      %dma_start3A = arith.constant 0 : i32
      %dma_start3A_31 = arith.constant 0 : i32
      %dma_start3A_32 = tpu.memref_slice %arg4[%dma_start3A, %dma_start3A_31] : memref<10000x128xf32, #tpu.memory_space<hbm>> -> memref<10000x128xf32, #tpu.memory_space<hbm>>
      tpu.enqueue_indirect_dma source(%dma_start3A_32 : memref<10000x128xf32, #tpu.memory_space<hbm>>) target(%arg9 : memref<128x128xf32, #tpu.memory_space<vmem>>) offsets(%arg7 : memref<128xi32, #tpu.memory_space<vmem>>) semaphore(%arg11 : memref<!tpu.dma_semaphore, #tpu.memory_space<semaphore_mem>>)
      %dma_wait3A = arith.constant 0 : i32
      %dma_wait3A_33 = arith.constant 0 : i32
      %dma_wait3A_34 = tpu.memref_slice %arg4[%dma_wait3A, %dma_wait3A_33] : memref<10000x128xf32, #tpu.memory_space<hbm>> -> memref<10000x128xf32, #tpu.memory_space<hbm>>
      tpu.wait_indirect_dma semaphore(%arg11 : memref<!tpu.dma_semaphore, #tpu.memory_space<semaphore_mem>>) src(%dma_wait3A_34 : memref<10000x128xf32, #tpu.memory_space<hbm>>) dst(%arg9 : memref<128x128xf32, #tpu.memory_space<vmem>>)
      "tpu.region"() ({
        %run_scoped3A = tpu.sem_alloc : memref<!tpu.dma_semaphore, #tpu.memory_space<semaphore_mem>>
        %dma_start3A_35 = arith.constant 0 : i32
        %dma_start3A_36 = arith.constant 0 : i32
        %dma_start3A_37 = tpu.memref_slice %arg10[%dma_start3A_35, %dma_start3A_36] : memref<10240x128xf32, #tpu.memory_space<vmem_shared>> -> memref<10240x128xf32, #tpu.memory_space<vmem_shared>>
        tpu.enqueue_indirect_dma source(%arg9 : memref<128x128xf32, #tpu.memory_space<vmem>>) target(%dma_start3A_37 : memref<10240x128xf32, #tpu.memory_space<vmem_shared>>) offsets(%arg8 : memref<128xi32, #tpu.memory_space<vmem>>) semaphore(%run_scoped3A : memref<!tpu.dma_semaphore, #tpu.memory_space<semaphore_mem>>) {add = true}
        %dma_wait3A_38 = arith.constant 0 : i32
        %dma_wait3A_39 = arith.constant 0 : i32
        %dma_wait3A_40 = tpu.memref_slice %arg10[%dma_wait3A_38, %dma_wait3A_39] : memref<10240x128xf32, #tpu.memory_space<vmem_shared>> -> memref<10240x128xf32, #tpu.memory_space<vmem_shared>>
        tpu.wait_indirect_dma semaphore(%run_scoped3A : memref<!tpu.dma_semaphore, #tpu.memory_space<semaphore_mem>>) src(%arg9 : memref<128x128xf32, #tpu.memory_space<vmem>>) dst(%dma_wait3A_40 : memref<10240x128xf32, #tpu.memory_space<vmem_shared>>)
        tpu.yield
      }) : () -> ()
    }
    %while3A_21 = arith.constant 1 : i32
    scf.for %while3A_27 = %while3A_19 to %while3A_15 step %while3A_21  : i32 {
      %add3A_28 = arith.addi %select_n3A, %while3A_27 : i32
      %mul3A_29 = arith.constant 128 : i32
      %mul3A_30 = arith.muli %add3A_28, %mul3A_29 : i32
      "tpu.region"() ({
        %run_scoped3A = tpu.sem_alloc : memref<!tpu.dma_semaphore, #tpu.memory_space<semaphore_mem>>
        %dma_start3A_35 = tpu.memref_slice %arg2[%mul3A_30] : memref<323584xi32, #tpu.memory_space<hbm>> -> memref<128xi32, #tpu.memory_space<hbm>>
        %dma_start3A_36 = tpu.memref_slice %arg2[%mul3A_30] : memref<323584xi32, #tpu.memory_space<hbm>> -> memref<128xi32, #tpu.memory_space<hbm>>
        tpu.enqueue_dma source(%dma_start3A_36 : memref<128xi32, #tpu.memory_space<hbm>>) target(%arg7 : memref<128xi32, #tpu.memory_space<vmem>>) target_semaphore(%run_scoped3A : memref<!tpu.dma_semaphore, #tpu.memory_space<semaphore_mem>>)
        %dma_wait3A_37 = tpu.memref_slice %arg2[%mul3A_30] : memref<323584xi32, #tpu.memory_space<hbm>> -> memref<128xi32, #tpu.memory_space<hbm>>
        %dma_wait3A_38 = tpu.memref_slice %arg2[%mul3A_30] : memref<323584xi32, #tpu.memory_space<hbm>> -> memref<128xi32, #tpu.memory_space<hbm>>
        tpu.wait_dma2 semaphore(%run_scoped3A : memref<!tpu.dma_semaphore, #tpu.memory_space<semaphore_mem>>) src(%dma_wait3A_38 : memref<128xi32, #tpu.memory_space<hbm>>) dst(%arg7 : memref<128xi32, #tpu.memory_space<vmem>>)
        tpu.yield
      }) : () -> ()
      "tpu.region"() ({
        %run_scoped3A = tpu.sem_alloc : memref<!tpu.dma_semaphore, #tpu.memory_space<semaphore_mem>>
        %dma_start3A_35 = tpu.memref_slice %arg3[%mul3A_30] : memref<323584xi32, #tpu.memory_space<hbm>> -> memref<128xi32, #tpu.memory_space<hbm>>
        %dma_start3A_36 = tpu.memref_slice %arg3[%mul3A_30] : memref<323584xi32, #tpu.memory_space<hbm>> -> memref<128xi32, #tpu.memory_space<hbm>>
        tpu.enqueue_dma source(%dma_start3A_36 : memref<128xi32, #tpu.memory_space<hbm>>) target(%arg8 : memref<128xi32, #tpu.memory_space<vmem>>) target_semaphore(%run_scoped3A : memref<!tpu.dma_semaphore, #tpu.memory_space<semaphore_mem>>)
        %dma_wait3A_37 = tpu.memref_slice %arg3[%mul3A_30] : memref<323584xi32, #tpu.memory_space<hbm>> -> memref<128xi32, #tpu.memory_space<hbm>>
        %dma_wait3A_38 = tpu.memref_slice %arg3[%mul3A_30] : memref<323584xi32, #tpu.memory_space<hbm>> -> memref<128xi32, #tpu.memory_space<hbm>>
        tpu.wait_dma2 semaphore(%run_scoped3A : memref<!tpu.dma_semaphore, #tpu.memory_space<semaphore_mem>>) src(%dma_wait3A_38 : memref<128xi32, #tpu.memory_space<hbm>>) dst(%arg8 : memref<128xi32, #tpu.memory_space<vmem>>)
        tpu.yield
      }) : () -> ()
      %dma_start3A = arith.constant 0 : i32
      %dma_start3A_31 = arith.constant 0 : i32
      %dma_start3A_32 = tpu.memref_slice %arg4[%dma_start3A, %dma_start3A_31] : memref<10000x128xf32, #tpu.memory_space<hbm>> -> memref<10000x128xf32, #tpu.memory_space<hbm>>
      tpu.enqueue_indirect_dma source(%dma_start3A_32 : memref<10000x128xf32, #tpu.memory_space<hbm>>) target(%arg9 : memref<128x128xf32, #tpu.memory_space<vmem>>) offsets(%arg7 : memref<128xi32, #tpu.memory_space<vmem>>) semaphore(%arg11 : memref<!tpu.dma_semaphore, #tpu.memory_space<semaphore_mem>>)
      %dma_wait3A = arith.constant 0 : i32
      %dma_wait3A_33 = arith.constant 0 : i32
      %dma_wait3A_34 = tpu.memref_slice %arg4[%dma_wait3A, %dma_wait3A_33] : memref<10000x128xf32, #tpu.memory_space<hbm>> -> memref<10000x128xf32, #tpu.memory_space<hbm>>
      tpu.wait_indirect_dma semaphore(%arg11 : memref<!tpu.dma_semaphore, #tpu.memory_space<semaphore_mem>>) src(%dma_wait3A_34 : memref<10000x128xf32, #tpu.memory_space<hbm>>) dst(%arg9 : memref<128x128xf32, #tpu.memory_space<vmem>>)
      "tpu.region"() ({
        %run_scoped3A = tpu.sem_alloc : memref<!tpu.dma_semaphore, #tpu.memory_space<semaphore_mem>>
        %dma_start3A_35 = arith.constant 0 : i32
        %dma_start3A_36 = arith.constant 0 : i32
        %dma_start3A_37 = tpu.memref_slice %arg10[%dma_start3A_35, %dma_start3A_36] : memref<10240x128xf32, #tpu.memory_space<vmem_shared>> -> memref<10240x128xf32, #tpu.memory_space<vmem_shared>>
        tpu.enqueue_indirect_dma source(%arg9 : memref<128x128xf32, #tpu.memory_space<vmem>>) target(%dma_start3A_37 : memref<10240x128xf32, #tpu.memory_space<vmem_shared>>) offsets(%arg8 : memref<128xi32, #tpu.memory_space<vmem>>) semaphore(%run_scoped3A : memref<!tpu.dma_semaphore, #tpu.memory_space<semaphore_mem>>) {add = true}
        %dma_wait3A_38 = arith.constant 0 : i32
        %dma_wait3A_39 = arith.constant 0 : i32
        %dma_wait3A_40 = tpu.memref_slice %arg10[%dma_wait3A_38, %dma_wait3A_39] : memref<10240x128xf32, #tpu.memory_space<vmem_shared>> -> memref<10240x128xf32, #tpu.memory_space<vmem_shared>>
        tpu.wait_indirect_dma semaphore(%run_scoped3A : memref<!tpu.dma_semaphore, #tpu.memory_space<semaphore_mem>>) src(%arg9 : memref<128x128xf32, #tpu.memory_space<vmem>>) dst(%dma_wait3A_40 : memref<10240x128xf32, #tpu.memory_space<vmem_shared>>)
        tpu.yield
      }) : () -> ()
    }
    %barrier3A_22 = arith.constant 0 : index
    tpu.barrier barrier_id(%barrier3A_22)
    %mul3A_23 = arith.constant 640 : i32
    %mul3A_24 = arith.muli %arg1, %mul3A_23 : i32
    %mul3A_25 = arith.constant 640 : i32
    %mul3A_26 = arith.muli %arg1, %mul3A_25 : i32
    "tpu.region"() ({
      %run_scoped3A = tpu.sem_alloc : memref<!tpu.dma_semaphore, #tpu.memory_space<semaphore_mem>>
      %dma_start3A = arith.constant 0 : i32
      %dma_start3A_27 = tpu.memref_slice %arg6[%arg0, %mul3A_26, %dma_start3A] : memref<2x10240x128xf32, #tpu.memory_space<hbm>> -> memref<1x640x128xf32, #tpu.memory_space<hbm>>
      %dma_start3A_28 = tpu.memref_squeeze %dma_start3A_27 : memref<1x640x128xf32, #tpu.memory_space<hbm>> -> memref<640x128xf32, #tpu.memory_space<hbm>>
      %dma_start3A_29 = arith.constant 0 : i32
      %dma_start3A_30 = tpu.memref_slice %arg10[%mul3A_24, %dma_start3A_29] : memref<10240x128xf32, #tpu.memory_space<vmem_shared>> -> memref<640x128xf32, #tpu.memory_space<vmem_shared>>
      tpu.enqueue_dma source(%dma_start3A_30 : memref<640x128xf32, #tpu.memory_space<vmem_shared>>) target(%dma_start3A_28 : memref<640x128xf32, #tpu.memory_space<hbm>>) target_semaphore(%run_scoped3A : memref<!tpu.dma_semaphore, #tpu.memory_space<semaphore_mem>>)
      %dma_wait3A = arith.constant 0 : i32
      %dma_wait3A_31 = tpu.memref_slice %arg6[%arg0, %mul3A_26, %dma_wait3A] : memref<2x10240x128xf32, #tpu.memory_space<hbm>> -> memref<1x640x128xf32, #tpu.memory_space<hbm>>
      %dma_wait3A_32 = tpu.memref_squeeze %dma_wait3A_31 : memref<1x640x128xf32, #tpu.memory_space<hbm>> -> memref<640x128xf32, #tpu.memory_space<hbm>>
      %dma_wait3A_33 = arith.constant 0 : i32
      %dma_wait3A_34 = tpu.memref_slice %arg10[%mul3A_24, %dma_wait3A_33] : memref<10240x128xf32, #tpu.memory_space<vmem_shared>> -> memref<640x128xf32, #tpu.memory_space<vmem_shared>>
      tpu.wait_dma2 semaphore(%run_scoped3A : memref<!tpu.dma_semaphore, #tpu.memory_space<semaphore_mem>>) src(%dma_wait3A_34 : memref<640x128xf32, #tpu.memory_space<vmem_shared>>) dst(%dma_wait3A_32 : memref<640x128xf32, #tpu.memory_space<hbm>>)
      tpu.yield
    }) : () -> ()
    return
  }
}

#map = affine_map<(d0, d1) -> (0)>
#map1 = affine_map<(d0, d1) -> (0, 0)>
module attributes {stable_mosaic.version = 14 : i64} {
  func.func @_sc_degree_body(%arg0: i32, %arg1: i32, %arg2: memref<323584xi32, #tpu.memory_space<hbm>>, %arg3: memref<10240xf32, #tpu.memory_space<hbm>>, %arg4: memref<2x10240xf32, #tpu.memory_space<hbm>>, %arg5: memref<128xi32, #tpu.memory_space<vmem>>, %arg6: memref<128xf32, #tpu.memory_space<vmem>>, %arg7: memref<10240xf32, #tpu.memory_space<vmem_shared>>) attributes {dimension_semantics = [#tpu.dimension_semantics<core_parallel>, #tpu.dimension_semantics<subcore_parallel>], iteration_bounds = array<i64: 2, 16>, scalar_prefetch = 0 : i64, scratch_operands = 3 : i64, tpu.core_type = #tpu.core_type<sc_vector_subcore>, window_params = [{transform_indices = #map}, {transform_indices = #map}, {transform_indices = #map1}]} {
    %mul3A = arith.constant 2 : i32
    %mul3A_0 = arith.muli %arg1, %mul3A : i32
    %add3A = arith.addi %mul3A_0, %arg0 : i32
    %broadcast_in_dim3A = arith.constant 1.000000e+00 : f32
    %broadcast_in_dim3A_1 = vector.broadcast %broadcast_in_dim3A : f32 to vector<16xf32>
    %swap3A = arith.constant 0 : index
    %swap3A_2 = tpu.vector_load %arg6[%swap3A] {strides = array<i32>} : memref<128xf32, #tpu.memory_space<vmem>>, vector<16xf32>,
    %swap3A_3 = vector.shape_cast %swap3A_2 : vector<16xf32> to vector<16xf32>
    %swap3A_4 = vector.shape_cast %broadcast_in_dim3A_1 : vector<16xf32> to vector<16xf32>
    tpu.vector_store %arg6[%swap3A], %swap3A_4 {strides = array<i32>} : memref<128xf32, #tpu.memory_space<vmem>>, vector<16xf32>,
    %broadcast_in_dim3A_5 = arith.constant 1.000000e+00 : f32
    %broadcast_in_dim3A_6 = vector.broadcast %broadcast_in_dim3A_5 : f32 to vector<16xf32>
    %swap3A_7 = arith.constant 16 : index
    %swap3A_8 = tpu.vector_load %arg6[%swap3A_7] {strides = array<i32>} : memref<128xf32, #tpu.memory_space<vmem>>, vector<16xf32>,
    %swap3A_9 = vector.shape_cast %swap3A_8 : vector<16xf32> to vector<16xf32>
    %swap3A_10 = vector.shape_cast %broadcast_in_dim3A_6 : vector<16xf32> to vector<16xf32>
    tpu.vector_store %arg6[%swap3A_7], %swap3A_10 {strides = array<i32>} : memref<128xf32, #tpu.memory_space<vmem>>, vector<16xf32>,
    %broadcast_in_dim3A_11 = arith.constant 1.000000e+00 : f32
    %broadcast_in_dim3A_12 = vector.broadcast %broadcast_in_dim3A_11 : f32 to vector<16xf32>
    %swap3A_13 = arith.constant 32 : index
    %swap3A_14 = tpu.vector_load %arg6[%swap3A_13] {strides = array<i32>} : memref<128xf32, #tpu.memory_space<vmem>>, vector<16xf32>,
    %swap3A_15 = vector.shape_cast %swap3A_14 : vector<16xf32> to vector<16xf32>
    %swap3A_16 = vector.shape_cast %broadcast_in_dim3A_12 : vector<16xf32> to vector<16xf32>
    tpu.vector_store %arg6[%swap3A_13], %swap3A_16 {strides = array<i32>} : memref<128xf32, #tpu.memory_space<vmem>>, vector<16xf32>,
    %broadcast_in_dim3A_17 = arith.constant 1.000000e+00 : f32
    %broadcast_in_dim3A_18 = vector.broadcast %broadcast_in_dim3A_17 : f32 to vector<16xf32>
    %swap3A_19 = arith.constant 48 : index
    %swap3A_20 = tpu.vector_load %arg6[%swap3A_19] {strides = array<i32>} : memref<128xf32, #tpu.memory_space<vmem>>, vector<16xf32>,
    %swap3A_21 = vector.shape_cast %swap3A_20 : vector<16xf32> to vector<16xf32>
    %swap3A_22 = vector.shape_cast %broadcast_in_dim3A_18 : vector<16xf32> to vector<16xf32>
    tpu.vector_store %arg6[%swap3A_19], %swap3A_22 {strides = array<i32>} : memref<128xf32, #tpu.memory_space<vmem>>, vector<16xf32>,
    %broadcast_in_dim3A_23 = arith.constant 1.000000e+00 : f32
    %broadcast_in_dim3A_24 = vector.broadcast %broadcast_in_dim3A_23 : f32 to vector<16xf32>
    %swap3A_25 = arith.constant 64 : index
    %swap3A_26 = tpu.vector_load %arg6[%swap3A_25] {strides = array<i32>} : memref<128xf32, #tpu.memory_space<vmem>>, vector<16xf32>,
    %swap3A_27 = vector.shape_cast %swap3A_26 : vector<16xf32> to vector<16xf32>
    %swap3A_28 = vector.shape_cast %broadcast_in_dim3A_24 : vector<16xf32> to vector<16xf32>
    tpu.vector_store %arg6[%swap3A_25], %swap3A_28 {strides = array<i32>} : memref<128xf32, #tpu.memory_space<vmem>>, vector<16xf32>,
    %broadcast_in_dim3A_29 = arith.constant 1.000000e+00 : f32
    %broadcast_in_dim3A_30 = vector.broadcast %broadcast_in_dim3A_29 : f32 to vector<16xf32>
    %swap3A_31 = arith.constant 80 : index
    %swap3A_32 = tpu.vector_load %arg6[%swap3A_31] {strides = array<i32>} : memref<128xf32, #tpu.memory_space<vmem>>, vector<16xf32>,
    %swap3A_33 = vector.shape_cast %swap3A_32 : vector<16xf32> to vector<16xf32>
    %swap3A_34 = vector.shape_cast %broadcast_in_dim3A_30 : vector<16xf32> to vector<16xf32>
    tpu.vector_store %arg6[%swap3A_31], %swap3A_34 {strides = array<i32>} : memref<128xf32, #tpu.memory_space<vmem>>, vector<16xf32>,
    %broadcast_in_dim3A_35 = arith.constant 1.000000e+00 : f32
    %broadcast_in_dim3A_36 = vector.broadcast %broadcast_in_dim3A_35 : f32 to vector<16xf32>
    %swap3A_37 = arith.constant 96 : index
    %swap3A_38 = tpu.vector_load %arg6[%swap3A_37] {strides = array<i32>} : memref<128xf32, #tpu.memory_space<vmem>>, vector<16xf32>,
    %swap3A_39 = vector.shape_cast %swap3A_38 : vector<16xf32> to vector<16xf32>
    %swap3A_40 = vector.shape_cast %broadcast_in_dim3A_36 : vector<16xf32> to vector<16xf32>
    tpu.vector_store %arg6[%swap3A_37], %swap3A_40 {strides = array<i32>} : memref<128xf32, #tpu.memory_space<vmem>>, vector<16xf32>,
    %broadcast_in_dim3A_41 = arith.constant 1.000000e+00 : f32
    %broadcast_in_dim3A_42 = vector.broadcast %broadcast_in_dim3A_41 : f32 to vector<16xf32>
    %swap3A_43 = arith.constant 112 : index
    %swap3A_44 = tpu.vector_load %arg6[%swap3A_43] {strides = array<i32>} : memref<128xf32, #tpu.memory_space<vmem>>, vector<16xf32>,
    %swap3A_45 = vector.shape_cast %swap3A_44 : vector<16xf32> to vector<16xf32>
    %swap3A_46 = vector.shape_cast %broadcast_in_dim3A_42 : vector<16xf32> to vector<16xf32>
    tpu.vector_store %arg6[%swap3A_43], %swap3A_46 {strides = array<i32>} : memref<128xf32, #tpu.memory_space<vmem>>, vector<16xf32>,
    %mul3A_47 = arith.constant 640 : i32
    %mul3A_48 = arith.muli %arg1, %mul3A_47 : i32
    %mul3A_49 = arith.constant 640 : i32
    %mul3A_50 = arith.muli %arg1, %mul3A_49 : i32
    "tpu.region"() ({
      %run_scoped3A = tpu.sem_alloc : memref<!tpu.dma_semaphore, #tpu.memory_space<semaphore_mem>>
      %dma_start3A = tpu.memref_slice %arg7[%mul3A_50] : memref<10240xf32, #tpu.memory_space<vmem_shared>> -> memref<640xf32, #tpu.memory_space<vmem_shared>>
      %dma_start3A_61 = tpu.memref_slice %arg3[%mul3A_48] : memref<10240xf32, #tpu.memory_space<hbm>> -> memref<640xf32, #tpu.memory_space<hbm>>
      tpu.enqueue_dma source(%dma_start3A_61 : memref<640xf32, #tpu.memory_space<hbm>>) target(%dma_start3A : memref<640xf32, #tpu.memory_space<vmem_shared>>) target_semaphore(%run_scoped3A : memref<!tpu.dma_semaphore, #tpu.memory_space<semaphore_mem>>)
      %dma_wait3A = tpu.memref_slice %arg7[%mul3A_50] : memref<10240xf32, #tpu.memory_space<vmem_shared>> -> memref<640xf32, #tpu.memory_space<vmem_shared>>
      %dma_wait3A_62 = tpu.memref_slice %arg3[%mul3A_48] : memref<10240xf32, #tpu.memory_space<hbm>> -> memref<640xf32, #tpu.memory_space<hbm>>
      tpu.wait_dma2 semaphore(%run_scoped3A : memref<!tpu.dma_semaphore, #tpu.memory_space<semaphore_mem>>) src(%dma_wait3A_62 : memref<640xf32, #tpu.memory_space<hbm>>) dst(%dma_wait3A : memref<640xf32, #tpu.memory_space<vmem_shared>>)
      tpu.yield
    }) : () -> ()
    %barrier3A = arith.constant 0 : index
    tpu.barrier barrier_id(%barrier3A)
    %scan3A = arith.constant 0 : i32
    %scan3A_51 = arith.constant 0 : i32
    %scan3A_52 = arith.constant 79 : i32
    %scan3A_53 = arith.addi %scan3A_51, %scan3A_52 : i32
    %scan3A_54 = arith.constant 1 : i32
    scf.for %scan3A_61 = %scan3A_51 to %scan3A_53 step %scan3A_54  : i32 {
      %mul3A_62 = arith.constant 10112 : i32
      %mul3A_63 = arith.muli %add3A, %mul3A_62 : i32
      %mul3A_64 = arith.constant 128 : i32
      %mul3A_65 = arith.muli %scan3A_61, %mul3A_64 : i32
      %add3A_66 = arith.addi %mul3A_63, %mul3A_65 : i32
      "tpu.region"() ({
        %run_scoped3A = tpu.sem_alloc : memref<!tpu.dma_semaphore, #tpu.memory_space<semaphore_mem>>
        %dma_start3A = tpu.memref_slice %arg2[%add3A_66] : memref<323584xi32, #tpu.memory_space<hbm>> -> memref<128xi32, #tpu.memory_space<hbm>>
        %dma_start3A_67 = tpu.memref_slice %arg2[%add3A_66] : memref<323584xi32, #tpu.memory_space<hbm>> -> memref<128xi32, #tpu.memory_space<hbm>>
        tpu.enqueue_dma source(%dma_start3A_67 : memref<128xi32, #tpu.memory_space<hbm>>) target(%arg5 : memref<128xi32, #tpu.memory_space<vmem>>) target_semaphore(%run_scoped3A : memref<!tpu.dma_semaphore, #tpu.memory_space<semaphore_mem>>)
        %dma_wait3A = tpu.memref_slice %arg2[%add3A_66] : memref<323584xi32, #tpu.memory_space<hbm>> -> memref<128xi32, #tpu.memory_space<hbm>>
        %dma_wait3A_68 = tpu.memref_slice %arg2[%add3A_66] : memref<323584xi32, #tpu.memory_space<hbm>> -> memref<128xi32, #tpu.memory_space<hbm>>
        tpu.wait_dma2 semaphore(%run_scoped3A : memref<!tpu.dma_semaphore, #tpu.memory_space<semaphore_mem>>) src(%dma_wait3A_68 : memref<128xi32, #tpu.memory_space<hbm>>) dst(%arg5 : memref<128xi32, #tpu.memory_space<vmem>>)
        tpu.yield
      }) : () -> ()
      "tpu.region"() ({
        %run_scoped3A = tpu.sem_alloc : memref<!tpu.dma_semaphore, #tpu.memory_space<semaphore_mem>>
        %dma_start3A = arith.constant 0 : i32
        %dma_start3A_67 = tpu.memref_slice %arg7[%dma_start3A] : memref<10240xf32, #tpu.memory_space<vmem_shared>> -> memref<10240xf32, #tpu.memory_space<vmem_shared>>
        tpu.enqueue_indirect_dma source(%arg6 : memref<128xf32, #tpu.memory_space<vmem>>) target(%dma_start3A_67 : memref<10240xf32, #tpu.memory_space<vmem_shared>>) offsets(%arg5 : memref<128xi32, #tpu.memory_space<vmem>>) semaphore(%run_scoped3A : memref<!tpu.dma_semaphore, #tpu.memory_space<semaphore_mem>>) {add = true}
        %dma_wait3A = arith.constant 0 : i32
        %dma_wait3A_68 = tpu.memref_slice %arg7[%dma_wait3A] : memref<10240xf32, #tpu.memory_space<vmem_shared>> -> memref<10240xf32, #tpu.memory_space<vmem_shared>>
        tpu.wait_indirect_dma semaphore(%run_scoped3A : memref<!tpu.dma_semaphore, #tpu.memory_space<semaphore_mem>>) src(%arg6 : memref<128xf32, #tpu.memory_space<vmem>>) dst(%dma_wait3A_68 : memref<10240xf32, #tpu.memory_space<vmem_shared>>)
        tpu.yield
      }) : () -> ()
    }
    %scan3A_55 = arith.constant 79 : i32
    %barrier3A_56 = arith.constant 0 : index
    tpu.barrier barrier_id(%barrier3A_56)
    %mul3A_57 = arith.constant 640 : i32
    %mul3A_58 = arith.muli %arg1, %mul3A_57 : i32
    %mul3A_59 = arith.constant 640 : i32
    %mul3A_60 = arith.muli %arg1, %mul3A_59 : i32
    "tpu.region"() ({
      %run_scoped3A = tpu.sem_alloc : memref<!tpu.dma_semaphore, #tpu.memory_space<semaphore_mem>>
      %dma_start3A = tpu.memref_slice %arg4[%arg0, %mul3A_60] : memref<2x10240xf32, #tpu.memory_space<hbm>> -> memref<1x640xf32, #tpu.memory_space<hbm>>
      %dma_start3A_61 = tpu.memref_squeeze %dma_start3A : memref<1x640xf32, #tpu.memory_space<hbm>> -> memref<640xf32, #tpu.memory_space<hbm>>
      %dma_start3A_62 = tpu.memref_slice %arg7[%mul3A_58] : memref<10240xf32, #tpu.memory_space<vmem_shared>> -> memref<640xf32, #tpu.memory_space<vmem_shared>>
      tpu.enqueue_dma source(%dma_start3A_62 : memref<640xf32, #tpu.memory_space<vmem_shared>>) target(%dma_start3A_61 : memref<640xf32, #tpu.memory_space<hbm>>) target_semaphore(%run_scoped3A : memref<!tpu.dma_semaphore, #tpu.memory_space<semaphore_mem>>)
      %dma_wait3A = tpu.memref_slice %arg4[%arg0, %mul3A_60] : memref<2x10240xf32, #tpu.memory_space<hbm>> -> memref<1x640xf32, #tpu.memory_space<hbm>>
      %dma_wait3A_63 = tpu.memref_squeeze %dma_wait3A : memref<1x640xf32, #tpu.memory_space<hbm>> -> memref<640xf32, #tpu.memory_space<hbm>>
      %dma_wait3A_64 = tpu.memref_slice %arg7[%mul3A_58] : memref<10240xf32, #tpu.memory_space<vmem_shared>> -> memref<640xf32, #tpu.memory_space<vmem_shared>>
      tpu.wait_dma2 semaphore(%run_scoped3A : memref<!tpu.dma_semaphore, #tpu.memory_space<semaphore_mem>>) src(%dma_wait3A_64 : memref<640xf32, #tpu.memory_space<vmem_shared>>) dst(%dma_wait3A_63 : memref<640xf32, #tpu.memory_space<hbm>>)
      tpu.yield
    }) : () -> ()
    return
  }
}

#map = affine_map<(d0, d1) -> (0)>
#map1 = affine_map<(d0, d1) -> (0, 0)>
#map2 = affine_map<(d0, d1) -> (0, 0, 0)>
module attributes {stable_mosaic.version = 14 : i64} {
  func.func @_sc_gather_scatter_body(%arg0: i32, %arg1: i32, %arg2: memref<323584xi32, #tpu.memory_space<hbm>>, %arg3: memref<323584xi32, #tpu.memory_space<hbm>>, %arg4: memref<10000x128xf32, #tpu.memory_space<hbm>>, %arg5: memref<10240x128xf32, #tpu.memory_space<hbm>>, %arg6: memref<2x10240x128xf32, #tpu.memory_space<hbm>>, %arg7: memref<128xi32, #tpu.memory_space<vmem>>, %arg8: memref<128xi32, #tpu.memory_space<vmem>>, %arg9: memref<128x128xf32, #tpu.memory_space<vmem>>, %arg10: memref<10240x128xf32, #tpu.memory_space<vmem_shared>>, %arg11: memref<!tpu.dma_semaphore, #tpu.memory_space<semaphore_mem>>) attributes {dimension_semantics = [#tpu.dimension_semantics<core_parallel>, #tpu.dimension_semantics<subcore_parallel>], iteration_bounds = array<i64: 2, 16>, scalar_prefetch = 0 : i64, scratch_operands = 5 : i64, tpu.core_type = #tpu.core_type<sc_vector_subcore>, window_params = [{transform_indices = #map}, {transform_indices = #map}, {transform_indices = #map1}, {transform_indices = #map1}, {transform_indices = #map2}]} {
    %eq3A = arith.constant 0 : i32
    %eq3A_0 = arith.cmpi eq, %arg0, %eq3A : i32
    %mul3A = arith.constant 97 : i32
    %mul3A_1 = arith.muli %arg1, %mul3A : i32
    %mul3A_2 = arith.constant 61 : i32
    %mul3A_3 = arith.muli %arg1, %mul3A_2 : i32
    %add3A = arith.constant 1552 : i32
    %add3A_4 = arith.addi %add3A, %mul3A_3 : i32
    %select_n3A = arith.select %eq3A_0, %mul3A_1, %add3A_4 : i32
    %eq3A_5 = arith.constant 0 : i32
    %eq3A_6 = arith.cmpi eq, %arg0, %eq3A_5 : i32
    %jit3A = arith.constant 97 : i32
    %jit3A_7 = arith.constant 61 : i32
    %select_n3A_8 = arith.select %eq3A_6, %jit3A, %jit3A_7 : i32
    %mul3A_9 = arith.constant 640 : i32
    %mul3A_10 = arith.muli %arg1, %mul3A_9 : i32
    %mul3A_11 = arith.constant 640 : i32
    %mul3A_12 = arith.muli %arg1, %mul3A_11 : i32
    "tpu.region"() ({
      %run_scoped3A = tpu.sem_alloc : memref<!tpu.dma_semaphore, #tpu.memory_space<semaphore_mem>>
      %dma_start3A = arith.constant 0 : i32
      %dma_start3A_27 = tpu.memref_slice %arg10[%mul3A_12, %dma_start3A] : memref<10240x128xf32, #tpu.memory_space<vmem_shared>> -> memref<640x128xf32, #tpu.memory_space<vmem_shared>>
      %dma_start3A_28 = arith.constant 0 : i32
      %dma_start3A_29 = tpu.memref_slice %arg5[%mul3A_10, %dma_start3A_28] : memref<10240x128xf32, #tpu.memory_space<hbm>> -> memref<640x128xf32, #tpu.memory_space<hbm>>
      tpu.enqueue_dma source(%dma_start3A_29 : memref<640x128xf32, #tpu.memory_space<hbm>>) target(%dma_start3A_27 : memref<640x128xf32, #tpu.memory_space<vmem_shared>>) target_semaphore(%run_scoped3A : memref<!tpu.dma_semaphore, #tpu.memory_space<semaphore_mem>>)
      %dma_wait3A = arith.constant 0 : i32
      %dma_wait3A_30 = tpu.memref_slice %arg10[%mul3A_12, %dma_wait3A] : memref<10240x128xf32, #tpu.memory_space<vmem_shared>> -> memref<640x128xf32, #tpu.memory_space<vmem_shared>>
      %dma_wait3A_31 = arith.constant 0 : i32
      %dma_wait3A_32 = tpu.memref_slice %arg5[%mul3A_10, %dma_wait3A_31] : memref<10240x128xf32, #tpu.memory_space<hbm>> -> memref<640x128xf32, #tpu.memory_space<hbm>>
      tpu.wait_dma2 semaphore(%run_scoped3A : memref<!tpu.dma_semaphore, #tpu.memory_space<semaphore_mem>>) src(%dma_wait3A_32 : memref<640x128xf32, #tpu.memory_space<hbm>>) dst(%dma_wait3A_30 : memref<640x128xf32, #tpu.memory_space<vmem_shared>>)
      tpu.yield
    }) : () -> ()
    %barrier3A = arith.constant 0 : index
    tpu.barrier barrier_id(%barrier3A)
    %while3A = arith.constant 0 : i32
    %while3A_13 = arith.constant 0 : i32
    %while3A_14 = arith.subi %select_n3A_8, %while3A_13 : i32
    %while3A_15 = arith.addi %while3A_13, %while3A_14 : i32
    %while3A_16 = arith.constant 1 : i32
    %while3A_17 = arith.divsi %while3A_14, %while3A_16 : i32
    %while3A_18 = arith.muli %while3A_17, %while3A_16 : i32
    %while3A_19 = arith.addi %while3A_13, %while3A_18 : i32
    %while3A_20 = arith.constant 1 : i32
    scf.for %while3A_27 = %while3A_13 to %while3A_19 step %while3A_20  : i32 {
      %add3A_28 = arith.addi %select_n3A, %while3A_27 : i32
      %mul3A_29 = arith.constant 128 : i32
      %mul3A_30 = arith.muli %add3A_28, %mul3A_29 : i32
      "tpu.region"() ({
        %run_scoped3A = tpu.sem_alloc : memref<!tpu.dma_semaphore, #tpu.memory_space<semaphore_mem>>
        %dma_start3A_35 = tpu.memref_slice %arg2[%mul3A_30] : memref<323584xi32, #tpu.memory_space<hbm>> -> memref<128xi32, #tpu.memory_space<hbm>>
        %dma_start3A_36 = tpu.memref_slice %arg2[%mul3A_30] : memref<323584xi32, #tpu.memory_space<hbm>> -> memref<128xi32, #tpu.memory_space<hbm>>
        tpu.enqueue_dma source(%dma_start3A_36 : memref<128xi32, #tpu.memory_space<hbm>>) target(%arg7 : memref<128xi32, #tpu.memory_space<vmem>>) target_semaphore(%run_scoped3A : memref<!tpu.dma_semaphore, #tpu.memory_space<semaphore_mem>>)
        %dma_wait3A_37 = tpu.memref_slice %arg2[%mul3A_30] : memref<323584xi32, #tpu.memory_space<hbm>> -> memref<128xi32, #tpu.memory_space<hbm>>
        %dma_wait3A_38 = tpu.memref_slice %arg2[%mul3A_30] : memref<323584xi32, #tpu.memory_space<hbm>> -> memref<128xi32, #tpu.memory_space<hbm>>
        tpu.wait_dma2 semaphore(%run_scoped3A : memref<!tpu.dma_semaphore, #tpu.memory_space<semaphore_mem>>) src(%dma_wait3A_38 : memref<128xi32, #tpu.memory_space<hbm>>) dst(%arg7 : memref<128xi32, #tpu.memory_space<vmem>>)
        tpu.yield
      }) : () -> ()
      "tpu.region"() ({
        %run_scoped3A = tpu.sem_alloc : memref<!tpu.dma_semaphore, #tpu.memory_space<semaphore_mem>>
        %dma_start3A_35 = tpu.memref_slice %arg3[%mul3A_30] : memref<323584xi32, #tpu.memory_space<hbm>> -> memref<128xi32, #tpu.memory_space<hbm>>
        %dma_start3A_36 = tpu.memref_slice %arg3[%mul3A_30] : memref<323584xi32, #tpu.memory_space<hbm>> -> memref<128xi32, #tpu.memory_space<hbm>>
        tpu.enqueue_dma source(%dma_start3A_36 : memref<128xi32, #tpu.memory_space<hbm>>) target(%arg8 : memref<128xi32, #tpu.memory_space<vmem>>) target_semaphore(%run_scoped3A : memref<!tpu.dma_semaphore, #tpu.memory_space<semaphore_mem>>)
        %dma_wait3A_37 = tpu.memref_slice %arg3[%mul3A_30] : memref<323584xi32, #tpu.memory_space<hbm>> -> memref<128xi32, #tpu.memory_space<hbm>>
        %dma_wait3A_38 = tpu.memref_slice %arg3[%mul3A_30] : memref<323584xi32, #tpu.memory_space<hbm>> -> memref<128xi32, #tpu.memory_space<hbm>>
        tpu.wait_dma2 semaphore(%run_scoped3A : memref<!tpu.dma_semaphore, #tpu.memory_space<semaphore_mem>>) src(%dma_wait3A_38 : memref<128xi32, #tpu.memory_space<hbm>>) dst(%arg8 : memref<128xi32, #tpu.memory_space<vmem>>)
        tpu.yield
      }) : () -> ()
      %dma_start3A = arith.constant 0 : i32
      %dma_start3A_31 = arith.constant 0 : i32
      %dma_start3A_32 = tpu.memref_slice %arg4[%dma_start3A, %dma_start3A_31] : memref<10000x128xf32, #tpu.memory_space<hbm>> -> memref<10000x128xf32, #tpu.memory_space<hbm>>
      tpu.enqueue_indirect_dma source(%dma_start3A_32 : memref<10000x128xf32, #tpu.memory_space<hbm>>) target(%arg9 : memref<128x128xf32, #tpu.memory_space<vmem>>) offsets(%arg7 : memref<128xi32, #tpu.memory_space<vmem>>) semaphore(%arg11 : memref<!tpu.dma_semaphore, #tpu.memory_space<semaphore_mem>>)
      %dma_wait3A = arith.constant 0 : i32
      %dma_wait3A_33 = arith.constant 0 : i32
      %dma_wait3A_34 = tpu.memref_slice %arg4[%dma_wait3A, %dma_wait3A_33] : memref<10000x128xf32, #tpu.memory_space<hbm>> -> memref<10000x128xf32, #tpu.memory_space<hbm>>
      tpu.wait_indirect_dma semaphore(%arg11 : memref<!tpu.dma_semaphore, #tpu.memory_space<semaphore_mem>>) src(%dma_wait3A_34 : memref<10000x128xf32, #tpu.memory_space<hbm>>) dst(%arg9 : memref<128x128xf32, #tpu.memory_space<vmem>>)
      "tpu.region"() ({
        %run_scoped3A = tpu.sem_alloc : memref<!tpu.dma_semaphore, #tpu.memory_space<semaphore_mem>>
        %dma_start3A_35 = arith.constant 0 : i32
        %dma_start3A_36 = arith.constant 0 : i32
        %dma_start3A_37 = tpu.memref_slice %arg10[%dma_start3A_35, %dma_start3A_36] : memref<10240x128xf32, #tpu.memory_space<vmem_shared>> -> memref<10240x128xf32, #tpu.memory_space<vmem_shared>>
        tpu.enqueue_indirect_dma source(%arg9 : memref<128x128xf32, #tpu.memory_space<vmem>>) target(%dma_start3A_37 : memref<10240x128xf32, #tpu.memory_space<vmem_shared>>) offsets(%arg8 : memref<128xi32, #tpu.memory_space<vmem>>) semaphore(%run_scoped3A : memref<!tpu.dma_semaphore, #tpu.memory_space<semaphore_mem>>) {add = true}
        %dma_wait3A_38 = arith.constant 0 : i32
        %dma_wait3A_39 = arith.constant 0 : i32
        %dma_wait3A_40 = tpu.memref_slice %arg10[%dma_wait3A_38, %dma_wait3A_39] : memref<10240x128xf32, #tpu.memory_space<vmem_shared>> -> memref<10240x128xf32, #tpu.memory_space<vmem_shared>>
        tpu.wait_indirect_dma semaphore(%run_scoped3A : memref<!tpu.dma_semaphore, #tpu.memory_space<semaphore_mem>>) src(%arg9 : memref<128x128xf32, #tpu.memory_space<vmem>>) dst(%dma_wait3A_40 : memref<10240x128xf32, #tpu.memory_space<vmem_shared>>)
        tpu.yield
      }) : () -> ()
    }
    %while3A_21 = arith.constant 1 : i32
    scf.for %while3A_27 = %while3A_19 to %while3A_15 step %while3A_21  : i32 {
      %add3A_28 = arith.addi %select_n3A, %while3A_27 : i32
      %mul3A_29 = arith.constant 128 : i32
      %mul3A_30 = arith.muli %add3A_28, %mul3A_29 : i32
      "tpu.region"() ({
        %run_scoped3A = tpu.sem_alloc : memref<!tpu.dma_semaphore, #tpu.memory_space<semaphore_mem>>
        %dma_start3A_35 = tpu.memref_slice %arg2[%mul3A_30] : memref<323584xi32, #tpu.memory_space<hbm>> -> memref<128xi32, #tpu.memory_space<hbm>>
        %dma_start3A_36 = tpu.memref_slice %arg2[%mul3A_30] : memref<323584xi32, #tpu.memory_space<hbm>> -> memref<128xi32, #tpu.memory_space<hbm>>
        tpu.enqueue_dma source(%dma_start3A_36 : memref<128xi32, #tpu.memory_space<hbm>>) target(%arg7 : memref<128xi32, #tpu.memory_space<vmem>>) target_semaphore(%run_scoped3A : memref<!tpu.dma_semaphore, #tpu.memory_space<semaphore_mem>>)
        %dma_wait3A_37 = tpu.memref_slice %arg2[%mul3A_30] : memref<323584xi32, #tpu.memory_space<hbm>> -> memref<128xi32, #tpu.memory_space<hbm>>
        %dma_wait3A_38 = tpu.memref_slice %arg2[%mul3A_30] : memref<323584xi32, #tpu.memory_space<hbm>> -> memref<128xi32, #tpu.memory_space<hbm>>
        tpu.wait_dma2 semaphore(%run_scoped3A : memref<!tpu.dma_semaphore, #tpu.memory_space<semaphore_mem>>) src(%dma_wait3A_38 : memref<128xi32, #tpu.memory_space<hbm>>) dst(%arg7 : memref<128xi32, #tpu.memory_space<vmem>>)
        tpu.yield
      }) : () -> ()
      "tpu.region"() ({
        %run_scoped3A = tpu.sem_alloc : memref<!tpu.dma_semaphore, #tpu.memory_space<semaphore_mem>>
        %dma_start3A_35 = tpu.memref_slice %arg3[%mul3A_30] : memref<323584xi32, #tpu.memory_space<hbm>> -> memref<128xi32, #tpu.memory_space<hbm>>
        %dma_start3A_36 = tpu.memref_slice %arg3[%mul3A_30] : memref<323584xi32, #tpu.memory_space<hbm>> -> memref<128xi32, #tpu.memory_space<hbm>>
        tpu.enqueue_dma source(%dma_start3A_36 : memref<128xi32, #tpu.memory_space<hbm>>) target(%arg8 : memref<128xi32, #tpu.memory_space<vmem>>) target_semaphore(%run_scoped3A : memref<!tpu.dma_semaphore, #tpu.memory_space<semaphore_mem>>)
        %dma_wait3A_37 = tpu.memref_slice %arg3[%mul3A_30] : memref<323584xi32, #tpu.memory_space<hbm>> -> memref<128xi32, #tpu.memory_space<hbm>>
        %dma_wait3A_38 = tpu.memref_slice %arg3[%mul3A_30] : memref<323584xi32, #tpu.memory_space<hbm>> -> memref<128xi32, #tpu.memory_space<hbm>>
        tpu.wait_dma2 semaphore(%run_scoped3A : memref<!tpu.dma_semaphore, #tpu.memory_space<semaphore_mem>>) src(%dma_wait3A_38 : memref<128xi32, #tpu.memory_space<hbm>>) dst(%arg8 : memref<128xi32, #tpu.memory_space<vmem>>)
        tpu.yield
      }) : () -> ()
      %dma_start3A = arith.constant 0 : i32
      %dma_start3A_31 = arith.constant 0 : i32
      %dma_start3A_32 = tpu.memref_slice %arg4[%dma_start3A, %dma_start3A_31] : memref<10000x128xf32, #tpu.memory_space<hbm>> -> memref<10000x128xf32, #tpu.memory_space<hbm>>
      tpu.enqueue_indirect_dma source(%dma_start3A_32 : memref<10000x128xf32, #tpu.memory_space<hbm>>) target(%arg9 : memref<128x128xf32, #tpu.memory_space<vmem>>) offsets(%arg7 : memref<128xi32, #tpu.memory_space<vmem>>) semaphore(%arg11 : memref<!tpu.dma_semaphore, #tpu.memory_space<semaphore_mem>>)
      %dma_wait3A = arith.constant 0 : i32
      %dma_wait3A_33 = arith.constant 0 : i32
      %dma_wait3A_34 = tpu.memref_slice %arg4[%dma_wait3A, %dma_wait3A_33] : memref<10000x128xf32, #tpu.memory_space<hbm>> -> memref<10000x128xf32, #tpu.memory_space<hbm>>
      tpu.wait_indirect_dma semaphore(%arg11 : memref<!tpu.dma_semaphore, #tpu.memory_space<semaphore_mem>>) src(%dma_wait3A_34 : memref<10000x128xf32, #tpu.memory_space<hbm>>) dst(%arg9 : memref<128x128xf32, #tpu.memory_space<vmem>>)
      "tpu.region"() ({
        %run_scoped3A = tpu.sem_alloc : memref<!tpu.dma_semaphore, #tpu.memory_space<semaphore_mem>>
        %dma_start3A_35 = arith.constant 0 : i32
        %dma_start3A_36 = arith.constant 0 : i32
        %dma_start3A_37 = tpu.memref_slice %arg10[%dma_start3A_35, %dma_start3A_36] : memref<10240x128xf32, #tpu.memory_space<vmem_shared>> -> memref<10240x128xf32, #tpu.memory_space<vmem_shared>>
        tpu.enqueue_indirect_dma source(%arg9 : memref<128x128xf32, #tpu.memory_space<vmem>>) target(%dma_start3A_37 : memref<10240x128xf32, #tpu.memory_space<vmem_shared>>) offsets(%arg8 : memref<128xi32, #tpu.memory_space<vmem>>) semaphore(%run_scoped3A : memref<!tpu.dma_semaphore, #tpu.memory_space<semaphore_mem>>) {add = true}
        %dma_wait3A_38 = arith.constant 0 : i32
        %dma_wait3A_39 = arith.constant 0 : i32
        %dma_wait3A_40 = tpu.memref_slice %arg10[%dma_wait3A_38, %dma_wait3A_39] : memref<10240x128xf32, #tpu.memory_space<vmem_shared>> -> memref<10240x128xf32, #tpu.memory_space<vmem_shared>>
        tpu.wait_indirect_dma semaphore(%run_scoped3A : memref<!tpu.dma_semaphore, #tpu.memory_space<semaphore_mem>>) src(%arg9 : memref<128x128xf32, #tpu.memory_space<vmem>>) dst(%dma_wait3A_40 : memref<10240x128xf32, #tpu.memory_space<vmem_shared>>)
        tpu.yield
      }) : () -> ()
    }
    %barrier3A_22 = arith.constant 0 : index
    tpu.barrier barrier_id(%barrier3A_22)
    %mul3A_23 = arith.constant 640 : i32
    %mul3A_24 = arith.muli %arg1, %mul3A_23 : i32
    %mul3A_25 = arith.constant 640 : i32
    %mul3A_26 = arith.muli %arg1, %mul3A_25 : i32
    "tpu.region"() ({
      %run_scoped3A = tpu.sem_alloc : memref<!tpu.dma_semaphore, #tpu.memory_space<semaphore_mem>>
      %dma_start3A = arith.constant 0 : i32
      %dma_start3A_27 = tpu.memref_slice %arg6[%arg0, %mul3A_26, %dma_start3A] : memref<2x10240x128xf32, #tpu.memory_space<hbm>> -> memref<1x640x128xf32, #tpu.memory_space<hbm>>
      %dma_start3A_28 = tpu.memref_squeeze %dma_start3A_27 : memref<1x640x128xf32, #tpu.memory_space<hbm>> -> memref<640x128xf32, #tpu.memory_space<hbm>>
      %dma_start3A_29 = arith.constant 0 : i32
      %dma_start3A_30 = tpu.memref_slice %arg10[%mul3A_24, %dma_start3A_29] : memref<10240x128xf32, #tpu.memory_space<vmem_shared>> -> memref<640x128xf32, #tpu.memory_space<vmem_shared>>
      tpu.enqueue_dma source(%dma_start3A_30 : memref<640x128xf32, #tpu.memory_space<vmem_shared>>) target(%dma_start3A_28 : memref<640x128xf32, #tpu.memory_space<hbm>>) target_semaphore(%run_scoped3A : memref<!tpu.dma_semaphore, #tpu.memory_space<semaphore_mem>>)
      %dma_wait3A = arith.constant 0 : i32
      %dma_wait3A_31 = tpu.memref_slice %arg6[%arg0, %mul3A_26, %dma_wait3A] : memref<2x10240x128xf32, #tpu.memory_space<hbm>> -> memref<1x640x128xf32, #tpu.memory_space<hbm>>
      %dma_wait3A_32 = tpu.memref_squeeze %dma_wait3A_31 : memref<1x640x128xf32, #tpu.memory_space<hbm>> -> memref<640x128xf32, #tpu.memory_space<hbm>>
      %dma_wait3A_33 = arith.constant 0 : i32
      %dma_wait3A_34 = tpu.memref_slice %arg10[%mul3A_24, %dma_wait3A_33] : memref<10240x128xf32, #tpu.memory_space<vmem_shared>> -> memref<640x128xf32, #tpu.memory_space<vmem_shared>>
      tpu.wait_dma2 semaphore(%run_scoped3A : memref<!tpu.dma_semaphore, #tpu.memory_space<semaphore_mem>>) src(%dma_wait3A_34 : memref<640x128xf32, #tpu.memory_space<vmem_shared>>) dst(%dma_wait3A_32 : memref<640x128xf32, #tpu.memory_space<hbm>>)
      tpu.yield
    }) : () -> ()
    return
  }
}

#map = affine_map<(d0, d1) -> (0)>
#map1 = affine_map<(d0, d1) -> (0, 0)>
#map2 = affine_map<(d0, d1) -> (0, 0, 0)>
module attributes {stable_mosaic.version = 14 : i64} {
  func.func @_sc_gather_scatter_body(%arg0: i32, %arg1: i32, %arg2: memref<323584xi32, #tpu.memory_space<hbm>>, %arg3: memref<323584xi32, #tpu.memory_space<hbm>>, %arg4: memref<10000x128xf32, #tpu.memory_space<hbm>>, %arg5: memref<10240x128xf32, #tpu.memory_space<hbm>>, %arg6: memref<2x10240x128xf32, #tpu.memory_space<hbm>>, %arg7: memref<128xi32, #tpu.memory_space<vmem>>, %arg8: memref<128xi32, #tpu.memory_space<vmem>>, %arg9: memref<128x128xf32, #tpu.memory_space<vmem>>, %arg10: memref<10240x128xf32, #tpu.memory_space<vmem_shared>>, %arg11: memref<!tpu.dma_semaphore, #tpu.memory_space<semaphore_mem>>) attributes {dimension_semantics = [#tpu.dimension_semantics<core_parallel>, #tpu.dimension_semantics<subcore_parallel>], iteration_bounds = array<i64: 2, 16>, scalar_prefetch = 0 : i64, scratch_operands = 5 : i64, tpu.core_type = #tpu.core_type<sc_vector_subcore>, window_params = [{transform_indices = #map}, {transform_indices = #map}, {transform_indices = #map1}, {transform_indices = #map1}, {transform_indices = #map2}]} {
    %eq3A = arith.constant 0 : i32
    %eq3A_0 = arith.cmpi eq, %arg0, %eq3A : i32
    %mul3A = arith.constant 97 : i32
    %mul3A_1 = arith.muli %arg1, %mul3A : i32
    %mul3A_2 = arith.constant 61 : i32
    %mul3A_3 = arith.muli %arg1, %mul3A_2 : i32
    %add3A = arith.constant 1552 : i32
    %add3A_4 = arith.addi %add3A, %mul3A_3 : i32
    %select_n3A = arith.select %eq3A_0, %mul3A_1, %add3A_4 : i32
    %eq3A_5 = arith.constant 0 : i32
    %eq3A_6 = arith.cmpi eq, %arg0, %eq3A_5 : i32
    %jit3A = arith.constant 97 : i32
    %jit3A_7 = arith.constant 61 : i32
    %select_n3A_8 = arith.select %eq3A_6, %jit3A, %jit3A_7 : i32
    %mul3A_9 = arith.constant 640 : i32
    %mul3A_10 = arith.muli %arg1, %mul3A_9 : i32
    %mul3A_11 = arith.constant 640 : i32
    %mul3A_12 = arith.muli %arg1, %mul3A_11 : i32
    "tpu.region"() ({
      %run_scoped3A = tpu.sem_alloc : memref<!tpu.dma_semaphore, #tpu.memory_space<semaphore_mem>>
      %dma_start3A = arith.constant 0 : i32
      %dma_start3A_27 = tpu.memref_slice %arg10[%mul3A_12, %dma_start3A] : memref<10240x128xf32, #tpu.memory_space<vmem_shared>> -> memref<640x128xf32, #tpu.memory_space<vmem_shared>>
      %dma_start3A_28 = arith.constant 0 : i32
      %dma_start3A_29 = tpu.memref_slice %arg5[%mul3A_10, %dma_start3A_28] : memref<10240x128xf32, #tpu.memory_space<hbm>> -> memref<640x128xf32, #tpu.memory_space<hbm>>
      tpu.enqueue_dma source(%dma_start3A_29 : memref<640x128xf32, #tpu.memory_space<hbm>>) target(%dma_start3A_27 : memref<640x128xf32, #tpu.memory_space<vmem_shared>>) target_semaphore(%run_scoped3A : memref<!tpu.dma_semaphore, #tpu.memory_space<semaphore_mem>>)
      %dma_wait3A = arith.constant 0 : i32
      %dma_wait3A_30 = tpu.memref_slice %arg10[%mul3A_12, %dma_wait3A] : memref<10240x128xf32, #tpu.memory_space<vmem_shared>> -> memref<640x128xf32, #tpu.memory_space<vmem_shared>>
      %dma_wait3A_31 = arith.constant 0 : i32
      %dma_wait3A_32 = tpu.memref_slice %arg5[%mul3A_10, %dma_wait3A_31] : memref<10240x128xf32, #tpu.memory_space<hbm>> -> memref<640x128xf32, #tpu.memory_space<hbm>>
      tpu.wait_dma2 semaphore(%run_scoped3A : memref<!tpu.dma_semaphore, #tpu.memory_space<semaphore_mem>>) src(%dma_wait3A_32 : memref<640x128xf32, #tpu.memory_space<hbm>>) dst(%dma_wait3A_30 : memref<640x128xf32, #tpu.memory_space<vmem_shared>>)
      tpu.yield
    }) : () -> ()
    %barrier3A = arith.constant 0 : index
    tpu.barrier barrier_id(%barrier3A)
    %while3A = arith.constant 0 : i32
    %while3A_13 = arith.constant 0 : i32
    %while3A_14 = arith.subi %select_n3A_8, %while3A_13 : i32
    %while3A_15 = arith.addi %while3A_13, %while3A_14 : i32
    %while3A_16 = arith.constant 1 : i32
    %while3A_17 = arith.divsi %while3A_14, %while3A_16 : i32
    %while3A_18 = arith.muli %while3A_17, %while3A_16 : i32
    %while3A_19 = arith.addi %while3A_13, %while3A_18 : i32
    %while3A_20 = arith.constant 1 : i32
    scf.for %while3A_27 = %while3A_13 to %while3A_19 step %while3A_20  : i32 {
      %add3A_28 = arith.addi %select_n3A, %while3A_27 : i32
      %mul3A_29 = arith.constant 128 : i32
      %mul3A_30 = arith.muli %add3A_28, %mul3A_29 : i32
      "tpu.region"() ({
        %run_scoped3A = tpu.sem_alloc : memref<!tpu.dma_semaphore, #tpu.memory_space<semaphore_mem>>
        %dma_start3A_35 = tpu.memref_slice %arg2[%mul3A_30] : memref<323584xi32, #tpu.memory_space<hbm>> -> memref<128xi32, #tpu.memory_space<hbm>>
        %dma_start3A_36 = tpu.memref_slice %arg2[%mul3A_30] : memref<323584xi32, #tpu.memory_space<hbm>> -> memref<128xi32, #tpu.memory_space<hbm>>
        tpu.enqueue_dma source(%dma_start3A_36 : memref<128xi32, #tpu.memory_space<hbm>>) target(%arg7 : memref<128xi32, #tpu.memory_space<vmem>>) target_semaphore(%run_scoped3A : memref<!tpu.dma_semaphore, #tpu.memory_space<semaphore_mem>>)
        %dma_wait3A_37 = tpu.memref_slice %arg2[%mul3A_30] : memref<323584xi32, #tpu.memory_space<hbm>> -> memref<128xi32, #tpu.memory_space<hbm>>
        %dma_wait3A_38 = tpu.memref_slice %arg2[%mul3A_30] : memref<323584xi32, #tpu.memory_space<hbm>> -> memref<128xi32, #tpu.memory_space<hbm>>
        tpu.wait_dma2 semaphore(%run_scoped3A : memref<!tpu.dma_semaphore, #tpu.memory_space<semaphore_mem>>) src(%dma_wait3A_38 : memref<128xi32, #tpu.memory_space<hbm>>) dst(%arg7 : memref<128xi32, #tpu.memory_space<vmem>>)
        tpu.yield
      }) : () -> ()
      "tpu.region"() ({
        %run_scoped3A = tpu.sem_alloc : memref<!tpu.dma_semaphore, #tpu.memory_space<semaphore_mem>>
        %dma_start3A_35 = tpu.memref_slice %arg3[%mul3A_30] : memref<323584xi32, #tpu.memory_space<hbm>> -> memref<128xi32, #tpu.memory_space<hbm>>
        %dma_start3A_36 = tpu.memref_slice %arg3[%mul3A_30] : memref<323584xi32, #tpu.memory_space<hbm>> -> memref<128xi32, #tpu.memory_space<hbm>>
        tpu.enqueue_dma source(%dma_start3A_36 : memref<128xi32, #tpu.memory_space<hbm>>) target(%arg8 : memref<128xi32, #tpu.memory_space<vmem>>) target_semaphore(%run_scoped3A : memref<!tpu.dma_semaphore, #tpu.memory_space<semaphore_mem>>)
        %dma_wait3A_37 = tpu.memref_slice %arg3[%mul3A_30] : memref<323584xi32, #tpu.memory_space<hbm>> -> memref<128xi32, #tpu.memory_space<hbm>>
        %dma_wait3A_38 = tpu.memref_slice %arg3[%mul3A_30] : memref<323584xi32, #tpu.memory_space<hbm>> -> memref<128xi32, #tpu.memory_space<hbm>>
        tpu.wait_dma2 semaphore(%run_scoped3A : memref<!tpu.dma_semaphore, #tpu.memory_space<semaphore_mem>>) src(%dma_wait3A_38 : memref<128xi32, #tpu.memory_space<hbm>>) dst(%arg8 : memref<128xi32, #tpu.memory_space<vmem>>)
        tpu.yield
      }) : () -> ()
      %dma_start3A = arith.constant 0 : i32
      %dma_start3A_31 = arith.constant 0 : i32
      %dma_start3A_32 = tpu.memref_slice %arg4[%dma_start3A, %dma_start3A_31] : memref<10000x128xf32, #tpu.memory_space<hbm>> -> memref<10000x128xf32, #tpu.memory_space<hbm>>
      tpu.enqueue_indirect_dma source(%dma_start3A_32 : memref<10000x128xf32, #tpu.memory_space<hbm>>) target(%arg9 : memref<128x128xf32, #tpu.memory_space<vmem>>) offsets(%arg7 : memref<128xi32, #tpu.memory_space<vmem>>) semaphore(%arg11 : memref<!tpu.dma_semaphore, #tpu.memory_space<semaphore_mem>>)
      %dma_wait3A = arith.constant 0 : i32
      %dma_wait3A_33 = arith.constant 0 : i32
      %dma_wait3A_34 = tpu.memref_slice %arg4[%dma_wait3A, %dma_wait3A_33] : memref<10000x128xf32, #tpu.memory_space<hbm>> -> memref<10000x128xf32, #tpu.memory_space<hbm>>
      tpu.wait_indirect_dma semaphore(%arg11 : memref<!tpu.dma_semaphore, #tpu.memory_space<semaphore_mem>>) src(%dma_wait3A_34 : memref<10000x128xf32, #tpu.memory_space<hbm>>) dst(%arg9 : memref<128x128xf32, #tpu.memory_space<vmem>>)
      "tpu.region"() ({
        %run_scoped3A = tpu.sem_alloc : memref<!tpu.dma_semaphore, #tpu.memory_space<semaphore_mem>>
        %dma_start3A_35 = arith.constant 0 : i32
        %dma_start3A_36 = arith.constant 0 : i32
        %dma_start3A_37 = tpu.memref_slice %arg10[%dma_start3A_35, %dma_start3A_36] : memref<10240x128xf32, #tpu.memory_space<vmem_shared>> -> memref<10240x128xf32, #tpu.memory_space<vmem_shared>>
        tpu.enqueue_indirect_dma source(%arg9 : memref<128x128xf32, #tpu.memory_space<vmem>>) target(%dma_start3A_37 : memref<10240x128xf32, #tpu.memory_space<vmem_shared>>) offsets(%arg8 : memref<128xi32, #tpu.memory_space<vmem>>) semaphore(%run_scoped3A : memref<!tpu.dma_semaphore, #tpu.memory_space<semaphore_mem>>) {add = true}
        %dma_wait3A_38 = arith.constant 0 : i32
        %dma_wait3A_39 = arith.constant 0 : i32
        %dma_wait3A_40 = tpu.memref_slice %arg10[%dma_wait3A_38, %dma_wait3A_39] : memref<10240x128xf32, #tpu.memory_space<vmem_shared>> -> memref<10240x128xf32, #tpu.memory_space<vmem_shared>>
        tpu.wait_indirect_dma semaphore(%run_scoped3A : memref<!tpu.dma_semaphore, #tpu.memory_space<semaphore_mem>>) src(%arg9 : memref<128x128xf32, #tpu.memory_space<vmem>>) dst(%dma_wait3A_40 : memref<10240x128xf32, #tpu.memory_space<vmem_shared>>)
        tpu.yield
      }) : () -> ()
    }
    %while3A_21 = arith.constant 1 : i32
    scf.for %while3A_27 = %while3A_19 to %while3A_15 step %while3A_21  : i32 {
      %add3A_28 = arith.addi %select_n3A, %while3A_27 : i32
      %mul3A_29 = arith.constant 128 : i32
      %mul3A_30 = arith.muli %add3A_28, %mul3A_29 : i32
      "tpu.region"() ({
        %run_scoped3A = tpu.sem_alloc : memref<!tpu.dma_semaphore, #tpu.memory_space<semaphore_mem>>
        %dma_start3A_35 = tpu.memref_slice %arg2[%mul3A_30] : memref<323584xi32, #tpu.memory_space<hbm>> -> memref<128xi32, #tpu.memory_space<hbm>>
        %dma_start3A_36 = tpu.memref_slice %arg2[%mul3A_30] : memref<323584xi32, #tpu.memory_space<hbm>> -> memref<128xi32, #tpu.memory_space<hbm>>
        tpu.enqueue_dma source(%dma_start3A_36 : memref<128xi32, #tpu.memory_space<hbm>>) target(%arg7 : memref<128xi32, #tpu.memory_space<vmem>>) target_semaphore(%run_scoped3A : memref<!tpu.dma_semaphore, #tpu.memory_space<semaphore_mem>>)
        %dma_wait3A_37 = tpu.memref_slice %arg2[%mul3A_30] : memref<323584xi32, #tpu.memory_space<hbm>> -> memref<128xi32, #tpu.memory_space<hbm>>
        %dma_wait3A_38 = tpu.memref_slice %arg2[%mul3A_30] : memref<323584xi32, #tpu.memory_space<hbm>> -> memref<128xi32, #tpu.memory_space<hbm>>
        tpu.wait_dma2 semaphore(%run_scoped3A : memref<!tpu.dma_semaphore, #tpu.memory_space<semaphore_mem>>) src(%dma_wait3A_38 : memref<128xi32, #tpu.memory_space<hbm>>) dst(%arg7 : memref<128xi32, #tpu.memory_space<vmem>>)
        tpu.yield
      }) : () -> ()
      "tpu.region"() ({
        %run_scoped3A = tpu.sem_alloc : memref<!tpu.dma_semaphore, #tpu.memory_space<semaphore_mem>>
        %dma_start3A_35 = tpu.memref_slice %arg3[%mul3A_30] : memref<323584xi32, #tpu.memory_space<hbm>> -> memref<128xi32, #tpu.memory_space<hbm>>
        %dma_start3A_36 = tpu.memref_slice %arg3[%mul3A_30] : memref<323584xi32, #tpu.memory_space<hbm>> -> memref<128xi32, #tpu.memory_space<hbm>>
        tpu.enqueue_dma source(%dma_start3A_36 : memref<128xi32, #tpu.memory_space<hbm>>) target(%arg8 : memref<128xi32, #tpu.memory_space<vmem>>) target_semaphore(%run_scoped3A : memref<!tpu.dma_semaphore, #tpu.memory_space<semaphore_mem>>)
        %dma_wait3A_37 = tpu.memref_slice %arg3[%mul3A_30] : memref<323584xi32, #tpu.memory_space<hbm>> -> memref<128xi32, #tpu.memory_space<hbm>>
        %dma_wait3A_38 = tpu.memref_slice %arg3[%mul3A_30] : memref<323584xi32, #tpu.memory_space<hbm>> -> memref<128xi32, #tpu.memory_space<hbm>>
        tpu.wait_dma2 semaphore(%run_scoped3A : memref<!tpu.dma_semaphore, #tpu.memory_space<semaphore_mem>>) src(%dma_wait3A_38 : memref<128xi32, #tpu.memory_space<hbm>>) dst(%arg8 : memref<128xi32, #tpu.memory_space<vmem>>)
        tpu.yield
      }) : () -> ()
      %dma_start3A = arith.constant 0 : i32
      %dma_start3A_31 = arith.constant 0 : i32
      %dma_start3A_32 = tpu.memref_slice %arg4[%dma_start3A, %dma_start3A_31] : memref<10000x128xf32, #tpu.memory_space<hbm>> -> memref<10000x128xf32, #tpu.memory_space<hbm>>
      tpu.enqueue_indirect_dma source(%dma_start3A_32 : memref<10000x128xf32, #tpu.memory_space<hbm>>) target(%arg9 : memref<128x128xf32, #tpu.memory_space<vmem>>) offsets(%arg7 : memref<128xi32, #tpu.memory_space<vmem>>) semaphore(%arg11 : memref<!tpu.dma_semaphore, #tpu.memory_space<semaphore_mem>>)
      %dma_wait3A = arith.constant 0 : i32
      %dma_wait3A_33 = arith.constant 0 : i32
      %dma_wait3A_34 = tpu.memref_slice %arg4[%dma_wait3A, %dma_wait3A_33] : memref<10000x128xf32, #tpu.memory_space<hbm>> -> memref<10000x128xf32, #tpu.memory_space<hbm>>
      tpu.wait_indirect_dma semaphore(%arg11 : memref<!tpu.dma_semaphore, #tpu.memory_space<semaphore_mem>>) src(%dma_wait3A_34 : memref<10000x128xf32, #tpu.memory_space<hbm>>) dst(%arg9 : memref<128x128xf32, #tpu.memory_space<vmem>>)
      "tpu.region"() ({
        %run_scoped3A = tpu.sem_alloc : memref<!tpu.dma_semaphore, #tpu.memory_space<semaphore_mem>>
        %dma_start3A_35 = arith.constant 0 : i32
        %dma_start3A_36 = arith.constant 0 : i32
        %dma_start3A_37 = tpu.memref_slice %arg10[%dma_start3A_35, %dma_start3A_36] : memref<10240x128xf32, #tpu.memory_space<vmem_shared>> -> memref<10240x128xf32, #tpu.memory_space<vmem_shared>>
        tpu.enqueue_indirect_dma source(%arg9 : memref<128x128xf32, #tpu.memory_space<vmem>>) target(%dma_start3A_37 : memref<10240x128xf32, #tpu.memory_space<vmem_shared>>) offsets(%arg8 : memref<128xi32, #tpu.memory_space<vmem>>) semaphore(%run_scoped3A : memref<!tpu.dma_semaphore, #tpu.memory_space<semaphore_mem>>) {add = true}
        %dma_wait3A_38 = arith.constant 0 : i32
        %dma_wait3A_39 = arith.constant 0 : i32
        %dma_wait3A_40 = tpu.memref_slice %arg10[%dma_wait3A_38, %dma_wait3A_39] : memref<10240x128xf32, #tpu.memory_space<vmem_shared>> -> memref<10240x128xf32, #tpu.memory_space<vmem_shared>>
        tpu.wait_indirect_dma semaphore(%run_scoped3A : memref<!tpu.dma_semaphore, #tpu.memory_space<semaphore_mem>>) src(%arg9 : memref<128x128xf32, #tpu.memory_space<vmem>>) dst(%dma_wait3A_40 : memref<10240x128xf32, #tpu.memory_space<vmem_shared>>)
        tpu.yield
      }) : () -> ()
    }
    %barrier3A_22 = arith.constant 0 : index
    tpu.barrier barrier_id(%barrier3A_22)
    %mul3A_23 = arith.constant 640 : i32
    %mul3A_24 = arith.muli %arg1, %mul3A_23 : i32
    %mul3A_25 = arith.constant 640 : i32
    %mul3A_26 = arith.muli %arg1, %mul3A_25 : i32
    "tpu.region"() ({
      %run_scoped3A = tpu.sem_alloc : memref<!tpu.dma_semaphore, #tpu.memory_space<semaphore_mem>>
      %dma_start3A = arith.constant 0 : i32
      %dma_start3A_27 = tpu.memref_slice %arg6[%arg0, %mul3A_26, %dma_start3A] : memref<2x10240x128xf32, #tpu.memory_space<hbm>> -> memref<1x640x128xf32, #tpu.memory_space<hbm>>
      %dma_start3A_28 = tpu.memref_squeeze %dma_start3A_27 : memref<1x640x128xf32, #tpu.memory_space<hbm>> -> memref<640x128xf32, #tpu.memory_space<hbm>>
      %dma_start3A_29 = arith.constant 0 : i32
      %dma_start3A_30 = tpu.memref_slice %arg10[%mul3A_24, %dma_start3A_29] : memref<10240x128xf32, #tpu.memory_space<vmem_shared>> -> memref<640x128xf32, #tpu.memory_space<vmem_shared>>
      tpu.enqueue_dma source(%dma_start3A_30 : memref<640x128xf32, #tpu.memory_space<vmem_shared>>) target(%dma_start3A_28 : memref<640x128xf32, #tpu.memory_space<hbm>>) target_semaphore(%run_scoped3A : memref<!tpu.dma_semaphore, #tpu.memory_space<semaphore_mem>>)
      %dma_wait3A = arith.constant 0 : i32
      %dma_wait3A_31 = tpu.memref_slice %arg6[%arg0, %mul3A_26, %dma_wait3A] : memref<2x10240x128xf32, #tpu.memory_space<hbm>> -> memref<1x640x128xf32, #tpu.memory_space<hbm>>
      %dma_wait3A_32 = tpu.memref_squeeze %dma_wait3A_31 : memref<1x640x128xf32, #tpu.memory_space<hbm>> -> memref<640x128xf32, #tpu.memory_space<hbm>>
      %dma_wait3A_33 = arith.constant 0 : i32
      %dma_wait3A_34 = tpu.memref_slice %arg10[%mul3A_24, %dma_wait3A_33] : memref<10240x128xf32, #tpu.memory_space<vmem_shared>> -> memref<640x128xf32, #tpu.memory_space<vmem_shared>>
      tpu.wait_dma2 semaphore(%run_scoped3A : memref<!tpu.dma_semaphore, #tpu.memory_space<semaphore_mem>>) src(%dma_wait3A_34 : memref<640x128xf32, #tpu.memory_space<vmem_shared>>) dst(%dma_wait3A_32 : memref<640x128xf32, #tpu.memory_space<hbm>>)
      tpu.yield
    }) : () -> ()
    return
  }
}

module attributes {stable_mosaic.version = 14 : i64} {
  func.func @_prep_body(%arg0: i32, %arg1: memref<2000x2xf32, #tpu.memory_space<vmem>>, %arg2: memref<2000x128xf32, #tpu.memory_space<vmem>>, %arg3: memref<128x128xf32, #tpu.memory_space<vmem>>, %arg4: memref<2000x1xf32, #tpu.memory_space<vmem>>, %arg5: memref<2000x128xf32, #tpu.memory_space<vmem>>) attributes {dimension_semantics = [#tpu.dimension_semantics<arbitrary>], iteration_bounds = array<i64: 5>, scalar_prefetch = 0 : i64, scratch_operands = 0 : i64, tpu.core_type = #tpu.core_type<tc>, window_params = [{transform_indices = @transform_0, window_bounds = array<i64: 2000, 2>}, {transform_indices = @transform_1, window_bounds = array<i64: 2000, 128>}, {pipeline_mode = #tpu.pipeline_mode<synchronous>, transform_indices = @transform_2, window_bounds = array<i64: 128, 128>}, {transform_indices = @transform_3, window_bounds = array<i64: 2000, 1>}, {transform_indices = @transform_4, window_bounds = array<i64: 2000, 128>}]} {
    %get3A = arith.constant 0 : index
    %get3A_0 = arith.constant 0 : index
    %get3A_1 = vector.load %arg1[%get3A, %get3A_0] : memref<2000x2xf32, #tpu.memory_space<vmem>>, vector<2000x1xf32>
    %get3A_2 = arith.constant 0 : index
    %get3A_3 = arith.constant 1 : index
    %get3A_4 = vector.load %arg1[%get3A_2, %get3A_3] : memref<2000x2xf32, #tpu.memory_space<vmem>>, vector<2000x1xf32>
    %add3A = arith.addf %get3A_1, %get3A_4 : vector<2000x1xf32>
    %gt3A = arith.constant 0.000000e+00 : f32
    %gt3A_5 = vector.broadcast %gt3A : f32 to vector<2000x1xf32>
    %gt3A_6 = arith.cmpf ogt, %add3A, %gt3A_5 : vector<2000x1xf32>
    %max3A = arith.constant 9.99999996E-13 : f32
    %max3A_7 = vector.broadcast %max3A : f32 to vector<2000x1xf32>
    %max3A_8 = arith.maximumf %add3A, %max3A_7 : vector<2000x1xf32>
    %rsqrt3A = math.rsqrt %max3A_8 : vector<2000x1xf32>
    %jit3A = arith.constant 0.000000e+00 : f32
    %broadcast_in_dim3A = vector.broadcast %jit3A : f32 to vector<2000x1xf32>
    %select_n3A = arith.select %gt3A_6, %rsqrt3A, %broadcast_in_dim3A : vector<2000x1xi1>, vector<2000x1xf32>
    %swap3A = arith.constant 0 : index
    %swap3A_9 = arith.constant 0 : index
    %swap3A_10 = vector.load %arg4[%swap3A, %swap3A_9] : memref<2000x1xf32, #tpu.memory_space<vmem>>, vector<2000x1xf32>
    tpu.vector_store %arg4[%swap3A, %swap3A_9], %select_n3A {strides = array<i32>} : memref<2000x1xf32, #tpu.memory_space<vmem>>, vector<2000x1xf32>,
    %get3A_11 = arith.constant 0 : index
    %get3A_12 = arith.constant 0 : index
    %get3A_13 = vector.load %arg2[%get3A_11, %get3A_12] : memref<2000x128xf32, #tpu.memory_space<vmem>>, vector<2000x128xf32>
    %get3A_14 = arith.constant 0 : index
    %get3A_15 = arith.constant 0 : index
    %get3A_16 = vector.load %arg3[%get3A_14, %get3A_15] : memref<128x128xf32, #tpu.memory_space<vmem>>, vector<128x128xf32>
    %dot_general3A = arith.constant dense<0.000000e+00> : vector<2000x128xf32>
    %dot_general3A_17 = tpu.matmul %get3A_13, %get3A_16, %dot_general3A {dimension_numbers = #tpu.dot_dimension_numbers<[1], [0], [0], [1], [0, 0, 1, 1], [], []>, transpose_lhs_hint = false} : vector<2000x128xf32>, vector<128x128xf32>, vector<2000x128xf32> -> vector<2000x128xf32>
    %mul3A = vector.broadcast %select_n3A : vector<2000x1xf32> to vector<2000x128xf32>
    %mul3A_18 = arith.mulf %dot_general3A_17, %mul3A : vector<2000x128xf32>
    %swap3A_19 = arith.constant 0 : index
    %swap3A_20 = arith.constant 0 : index
    %swap3A_21 = vector.load %arg5[%swap3A_19, %swap3A_20] : memref<2000x128xf32, #tpu.memory_space<vmem>>, vector<2000x128xf32>
    tpu.vector_store %arg5[%swap3A_19, %swap3A_20], %mul3A_18 {strides = array<i32>} : memref<2000x128xf32, #tpu.memory_space<vmem>>, vector<2000x128xf32>,
    return
  }
  func.func @transform_0(%arg0: i32) -> (i32, i32) {
    %c0_i32 = arith.constant 0 : i32
    %c0_i32_0 = arith.constant 0 : i32
    return %arg0, %c0_i32 : i32, i32
  }
  func.func @transform_1(%arg0: i32) -> (i32, i32) {
    %c0_i32 = arith.constant 0 : i32
    %c0_i32_0 = arith.constant 0 : i32
    return %arg0, %c0_i32 : i32, i32
  }
  func.func @transform_2(%arg0: i32) -> (i32, i32) {
    %c0_i32 = arith.constant 0 : i32
    %c0_i32_0 = arith.constant 0 : i32
    %c0_i32_1 = arith.constant 0 : i32
    return %c0_i32, %c0_i32_0 : i32, i32
  }
  func.func @transform_3(%arg0: i32) -> (i32, i32) {
    %c0_i32 = arith.constant 0 : i32
    %c0_i32_0 = arith.constant 0 : i32
    return %arg0, %c0_i32 : i32, i32
  }
  func.func @transform_4(%arg0: i32) -> (i32, i32) {
    %c0_i32 = arith.constant 0 : i32
    %c0_i32_0 = arith.constant 0 : i32
    return %arg0, %c0_i32 : i32, i32
  }
}

module attributes {stable_mosaic.version = 14 : i64} {
  func.func @_hop_body(%arg0: i32, %arg1: memref<2000x128xf32, #tpu.memory_space<vmem>>, %arg2: memref<2000x128xf32, #tpu.memory_space<vmem>>, %arg3: memref<2000x128xf32, #tpu.memory_space<vmem>>, %arg4: memref<2000x128xf32, #tpu.memory_space<vmem>>, %arg5: memref<2000x1xf32, #tpu.memory_space<vmem>>, %arg6: memref<1x128xf32, #tpu.memory_space<vmem>>, %arg7: memref<128x128xf32, #tpu.memory_space<vmem>>, %arg8: memref<128x128xf32, #tpu.memory_space<vmem>>, %arg9: memref<1x128xf32, #tpu.memory_space<vmem>>, %arg10: memref<128x128xf32, #tpu.memory_space<vmem>>, %arg11: memref<2000x128xf32, #tpu.memory_space<vmem>>, %arg12: memref<2000x128xf32, #tpu.memory_space<vmem>>) attributes {dimension_semantics = [#tpu.dimension_semantics<arbitrary>], iteration_bounds = array<i64: 5>, scalar_prefetch = 0 : i64, scratch_operands = 0 : i64, tpu.core_type = #tpu.core_type<tc>, window_params = [{transform_indices = @transform_0, window_bounds = array<i64: 2000, 128>}, {transform_indices = @transform_1, window_bounds = array<i64: 2000, 128>}, {transform_indices = @transform_2, window_bounds = array<i64: 2000, 128>}, {transform_indices = @transform_3, window_bounds = array<i64: 2000, 128>}, {transform_indices = @transform_4, window_bounds = array<i64: 2000, 1>}, {pipeline_mode = #tpu.pipeline_mode<synchronous>, transform_indices = @transform_5, window_bounds = array<i64: 1, 128>}, {pipeline_mode = #tpu.pipeline_mode<synchronous>, transform_indices = @transform_6, window_bounds = array<i64: 128, 128>}, {pipeline_mode = #tpu.pipeline_mode<synchronous>, transform_indices = @transform_7, window_bounds = array<i64: 128, 128>}, {pipeline_mode = #tpu.pipeline_mode<synchronous>, transform_indices = @transform_8, window_bounds = array<i64: 1, 128>}, {pipeline_mode = #tpu.pipeline_mode<synchronous>, transform_indices = @transform_9, window_bounds = array<i64: 128, 128>}, {transform_indices = @transform_10, window_bounds = array<i64: 2000, 128>}, {transform_indices = @transform_11, window_bounds = array<i64: 2000, 128>}]} {
    %get3A = arith.constant 0 : index
    %get3A_0 = arith.constant 0 : index
    %get3A_1 = vector.load %arg5[%get3A, %get3A_0] : memref<2000x1xf32, #tpu.memory_space<vmem>>, vector<2000x1xf32>
    %get3A_2 = arith.constant 0 : index
    %get3A_3 = arith.constant 0 : index
    %get3A_4 = vector.load %arg3[%get3A_2, %get3A_3] : memref<2000x128xf32, #tpu.memory_space<vmem>>, vector<2000x128xf32>
    %get3A_5 = arith.constant 0 : index
    %get3A_6 = arith.constant 0 : index
    %get3A_7 = vector.load %arg4[%get3A_5, %get3A_6] : memref<2000x128xf32, #tpu.memory_space<vmem>>, vector<2000x128xf32>
    %add3A = arith.addf %get3A_4, %get3A_7 : vector<2000x128xf32>
    %mul3A = vector.broadcast %get3A_1 : vector<2000x1xf32> to vector<2000x128xf32>
    %mul3A_8 = arith.mulf %mul3A, %add3A : vector<2000x128xf32>
    %get3A_9 = arith.constant 0 : index
    %get3A_10 = arith.constant 0 : index
    %get3A_11 = vector.load %arg6[%get3A_9, %get3A_10] : memref<1x128xf32, #tpu.memory_space<vmem>>, vector<1x128xf32>
    %add3A_12 = vector.broadcast %get3A_11 : vector<1x128xf32> to vector<2000x128xf32>
    %add3A_13 = arith.addf %mul3A_8, %add3A_12 : vector<2000x128xf32>
    %get3A_14 = arith.constant 0 : index
    %get3A_15 = arith.constant 0 : index
    %get3A_16 = vector.load %arg1[%get3A_14, %get3A_15] : memref<2000x128xf32, #tpu.memory_space<vmem>>, vector<2000x128xf32>
    %get3A_17 = arith.constant 0 : index
    %get3A_18 = arith.constant 0 : index
    %get3A_19 = vector.load %arg7[%get3A_17, %get3A_18] : memref<128x128xf32, #tpu.memory_space<vmem>>, vector<128x128xf32>
    %dot_general3A = arith.constant dense<0.000000e+00> : vector<2000x128xf32>
    %dot_general3A_20 = tpu.matmul %get3A_16, %get3A_19, %dot_general3A {dimension_numbers = #tpu.dot_dimension_numbers<[1], [0], [0], [1], [0, 0, 1, 1], [], []>, transpose_lhs_hint = false} : vector<2000x128xf32>, vector<128x128xf32>, vector<2000x128xf32> -> vector<2000x128xf32>
    %get3A_21 = arith.constant 0 : index
    %get3A_22 = arith.constant 0 : index
    %get3A_23 = vector.load %arg8[%get3A_21, %get3A_22] : memref<128x128xf32, #tpu.memory_space<vmem>>, vector<128x128xf32>
    %dot_general3A_24 = arith.constant dense<0.000000e+00> : vector<2000x128xf32>
    %dot_general3A_25 = tpu.matmul %add3A_13, %get3A_23, %dot_general3A_24 {dimension_numbers = #tpu.dot_dimension_numbers<[1], [0], [0], [1], [0, 0, 1, 1], [], []>, transpose_lhs_hint = false} : vector<2000x128xf32>, vector<128x128xf32>, vector<2000x128xf32> -> vector<2000x128xf32>
    %add3A_26 = arith.addf %dot_general3A_20, %dot_general3A_25 : vector<2000x128xf32>
    %get3A_27 = arith.constant 0 : index
    %get3A_28 = arith.constant 0 : index
    %get3A_29 = vector.load %arg9[%get3A_27, %get3A_28] : memref<1x128xf32, #tpu.memory_space<vmem>>, vector<1x128xf32>
    %add3A_30 = vector.broadcast %get3A_29 : vector<1x128xf32> to vector<2000x128xf32>
    %add3A_31 = arith.addf %add3A_26, %add3A_30 : vector<2000x128xf32>
    %logistic3A = arith.negf %add3A_31 : vector<2000x128xf32>
    %logistic3A_32 = math.exp %logistic3A : vector<2000x128xf32>
    %logistic3A_33 = arith.constant 1.000000e+00 : f32
    %logistic3A_34 = vector.broadcast %logistic3A_33 : f32 to vector<2000x128xf32>
    %logistic3A_35 = arith.addf %logistic3A_34, %logistic3A_32 : vector<2000x128xf32>
    %logistic3A_36 = arith.divf %logistic3A_34, %logistic3A_35 : vector<2000x128xf32>
    %mul3A_37 = arith.mulf %logistic3A_36, %add3A_13 : vector<2000x128xf32>
    %sub3A = arith.constant 1.000000e+00 : f32
    %sub3A_38 = vector.broadcast %sub3A : f32 to vector<2000x128xf32>
    %sub3A_39 = arith.subf %sub3A_38, %logistic3A_36 : vector<2000x128xf32>
    %get3A_40 = arith.constant 0 : index
    %get3A_41 = arith.constant 0 : index
    %get3A_42 = vector.load %arg2[%get3A_40, %get3A_41] : memref<2000x128xf32, #tpu.memory_space<vmem>>, vector<2000x128xf32>
    %mul3A_43 = arith.mulf %sub3A_39, %get3A_42 : vector<2000x128xf32>
    %add3A_44 = arith.addf %mul3A_37, %mul3A_43 : vector<2000x128xf32>
    %swap3A = arith.constant 0 : index
    %swap3A_45 = arith.constant 0 : index
    %swap3A_46 = vector.load %arg11[%swap3A, %swap3A_45] : memref<2000x128xf32, #tpu.memory_space<vmem>>, vector<2000x128xf32>
    tpu.vector_store %arg11[%swap3A, %swap3A_45], %add3A_44 {strides = array<i32>} : memref<2000x128xf32, #tpu.memory_space<vmem>>, vector<2000x128xf32>,
    %get3A_47 = arith.constant 0 : index
    %get3A_48 = arith.constant 0 : index
    %get3A_49 = vector.load %arg10[%get3A_47, %get3A_48] : memref<128x128xf32, #tpu.memory_space<vmem>>, vector<128x128xf32>
    %dot_general3A_50 = arith.constant dense<0.000000e+00> : vector<2000x128xf32>
    %dot_general3A_51 = tpu.matmul %add3A_44, %get3A_49, %dot_general3A_50 {dimension_numbers = #tpu.dot_dimension_numbers<[1], [0], [0], [1], [0, 0, 1, 1], [], []>, transpose_lhs_hint = false} : vector<2000x128xf32>, vector<128x128xf32>, vector<2000x128xf32> -> vector<2000x128xf32>
    %mul3A_52 = vector.broadcast %get3A_1 : vector<2000x1xf32> to vector<2000x128xf32>
    %mul3A_53 = arith.mulf %dot_general3A_51, %mul3A_52 : vector<2000x128xf32>
    %swap3A_54 = arith.constant 0 : index
    %swap3A_55 = arith.constant 0 : index
    %swap3A_56 = vector.load %arg12[%swap3A_54, %swap3A_55] : memref<2000x128xf32, #tpu.memory_space<vmem>>, vector<2000x128xf32>
    tpu.vector_store %arg12[%swap3A_54, %swap3A_55], %mul3A_53 {strides = array<i32>} : memref<2000x128xf32, #tpu.memory_space<vmem>>, vector<2000x128xf32>,
    return
  }
  func.func @transform_0(%arg0: i32) -> (i32, i32) {
    %c0_i32 = arith.constant 0 : i32
    %c0_i32_0 = arith.constant 0 : i32
    return %arg0, %c0_i32 : i32, i32
  }
  func.func @transform_1(%arg0: i32) -> (i32, i32) {
    %c0_i32 = arith.constant 0 : i32
    %c0_i32_0 = arith.constant 0 : i32
    return %arg0, %c0_i32 : i32, i32
  }
  func.func @transform_2(%arg0: i32) -> (i32, i32) {
    %c0_i32 = arith.constant 0 : i32
    %c0_i32_0 = arith.constant 0 : i32
    return %arg0, %c0_i32 : i32, i32
  }
  func.func @transform_3(%arg0: i32) -> (i32, i32) {
    %c0_i32 = arith.constant 0 : i32
    %c0_i32_0 = arith.constant 0 : i32
    return %arg0, %c0_i32 : i32, i32
  }
  func.func @transform_4(%arg0: i32) -> (i32, i32) {
    %c0_i32 = arith.constant 0 : i32
    %c0_i32_0 = arith.constant 0 : i32
    return %arg0, %c0_i32 : i32, i32
  }
  func.func @transform_5(%arg0: i32) -> (i32, i32) {
    %c0_i32 = arith.constant 0 : i32
    %c0_i32_0 = arith.constant 0 : i32
    %c0_i32_1 = arith.constant 0 : i32
    return %c0_i32, %c0_i32_0 : i32, i32
  }
  func.func @transform_6(%arg0: i32) -> (i32, i32) {
    %c0_i32 = arith.constant 0 : i32
    %c0_i32_0 = arith.constant 0 : i32
    %c0_i32_1 = arith.constant 0 : i32
    return %c0_i32, %c0_i32_0 : i32, i32
  }
  func.func @transform_7(%arg0: i32) -> (i32, i32) {
    %c0_i32 = arith.constant 0 : i32
    %c0_i32_0 = arith.constant 0 : i32
    %c0_i32_1 = arith.constant 0 : i32
    return %c0_i32, %c0_i32_0 : i32, i32
  }
  func.func @transform_8(%arg0: i32) -> (i32, i32) {
    %c0_i32 = arith.constant 0 : i32
    %c0_i32_0 = arith.constant 0 : i32
    %c0_i32_1 = arith.constant 0 : i32
    return %c0_i32, %c0_i32_0 : i32, i32
  }
  func.func @transform_9(%arg0: i32) -> (i32, i32) {
    %c0_i32 = arith.constant 0 : i32
    %c0_i32_0 = arith.constant 0 : i32
    %c0_i32_1 = arith.constant 0 : i32
    return %c0_i32, %c0_i32_0 : i32, i32
  }
  func.func @transform_10(%arg0: i32) -> (i32, i32) {
    %c0_i32 = arith.constant 0 : i32
    %c0_i32_0 = arith.constant 0 : i32
    return %arg0, %c0_i32 : i32, i32
  }
  func.func @transform_11(%arg0: i32) -> (i32, i32) {
    %c0_i32 = arith.constant 0 : i32
    %c0_i32_0 = arith.constant 0 : i32
    return %arg0, %c0_i32 : i32, i32
  }
}

module attributes {stable_mosaic.version = 14 : i64} {
  func.func @_hop_body(%arg0: i32, %arg1: memref<2000x128xf32, #tpu.memory_space<vmem>>, %arg2: memref<2000x128xf32, #tpu.memory_space<vmem>>, %arg3: memref<2000x128xf32, #tpu.memory_space<vmem>>, %arg4: memref<2000x128xf32, #tpu.memory_space<vmem>>, %arg5: memref<2000x1xf32, #tpu.memory_space<vmem>>, %arg6: memref<1x128xf32, #tpu.memory_space<vmem>>, %arg7: memref<128x128xf32, #tpu.memory_space<vmem>>, %arg8: memref<128x128xf32, #tpu.memory_space<vmem>>, %arg9: memref<1x128xf32, #tpu.memory_space<vmem>>, %arg10: memref<128x128xf32, #tpu.memory_space<vmem>>, %arg11: memref<2000x128xf32, #tpu.memory_space<vmem>>, %arg12: memref<2000x128xf32, #tpu.memory_space<vmem>>) attributes {dimension_semantics = [#tpu.dimension_semantics<arbitrary>], iteration_bounds = array<i64: 5>, scalar_prefetch = 0 : i64, scratch_operands = 0 : i64, tpu.core_type = #tpu.core_type<tc>, window_params = [{transform_indices = @transform_0, window_bounds = array<i64: 2000, 128>}, {transform_indices = @transform_1, window_bounds = array<i64: 2000, 128>}, {transform_indices = @transform_2, window_bounds = array<i64: 2000, 128>}, {transform_indices = @transform_3, window_bounds = array<i64: 2000, 128>}, {transform_indices = @transform_4, window_bounds = array<i64: 2000, 1>}, {pipeline_mode = #tpu.pipeline_mode<synchronous>, transform_indices = @transform_5, window_bounds = array<i64: 1, 128>}, {pipeline_mode = #tpu.pipeline_mode<synchronous>, transform_indices = @transform_6, window_bounds = array<i64: 128, 128>}, {pipeline_mode = #tpu.pipeline_mode<synchronous>, transform_indices = @transform_7, window_bounds = array<i64: 128, 128>}, {pipeline_mode = #tpu.pipeline_mode<synchronous>, transform_indices = @transform_8, window_bounds = array<i64: 1, 128>}, {pipeline_mode = #tpu.pipeline_mode<synchronous>, transform_indices = @transform_9, window_bounds = array<i64: 128, 128>}, {transform_indices = @transform_10, window_bounds = array<i64: 2000, 128>}, {transform_indices = @transform_11, window_bounds = array<i64: 2000, 128>}]} {
    %get3A = arith.constant 0 : index
    %get3A_0 = arith.constant 0 : index
    %get3A_1 = vector.load %arg5[%get3A, %get3A_0] : memref<2000x1xf32, #tpu.memory_space<vmem>>, vector<2000x1xf32>
    %get3A_2 = arith.constant 0 : index
    %get3A_3 = arith.constant 0 : index
    %get3A_4 = vector.load %arg3[%get3A_2, %get3A_3] : memref<2000x128xf32, #tpu.memory_space<vmem>>, vector<2000x128xf32>
    %get3A_5 = arith.constant 0 : index
    %get3A_6 = arith.constant 0 : index
    %get3A_7 = vector.load %arg4[%get3A_5, %get3A_6] : memref<2000x128xf32, #tpu.memory_space<vmem>>, vector<2000x128xf32>
    %add3A = arith.addf %get3A_4, %get3A_7 : vector<2000x128xf32>
    %mul3A = vector.broadcast %get3A_1 : vector<2000x1xf32> to vector<2000x128xf32>
    %mul3A_8 = arith.mulf %mul3A, %add3A : vector<2000x128xf32>
    %get3A_9 = arith.constant 0 : index
    %get3A_10 = arith.constant 0 : index
    %get3A_11 = vector.load %arg6[%get3A_9, %get3A_10] : memref<1x128xf32, #tpu.memory_space<vmem>>, vector<1x128xf32>
    %add3A_12 = vector.broadcast %get3A_11 : vector<1x128xf32> to vector<2000x128xf32>
    %add3A_13 = arith.addf %mul3A_8, %add3A_12 : vector<2000x128xf32>
    %get3A_14 = arith.constant 0 : index
    %get3A_15 = arith.constant 0 : index
    %get3A_16 = vector.load %arg1[%get3A_14, %get3A_15] : memref<2000x128xf32, #tpu.memory_space<vmem>>, vector<2000x128xf32>
    %get3A_17 = arith.constant 0 : index
    %get3A_18 = arith.constant 0 : index
    %get3A_19 = vector.load %arg7[%get3A_17, %get3A_18] : memref<128x128xf32, #tpu.memory_space<vmem>>, vector<128x128xf32>
    %dot_general3A = arith.constant dense<0.000000e+00> : vector<2000x128xf32>
    %dot_general3A_20 = tpu.matmul %get3A_16, %get3A_19, %dot_general3A {dimension_numbers = #tpu.dot_dimension_numbers<[1], [0], [0], [1], [0, 0, 1, 1], [], []>, transpose_lhs_hint = false} : vector<2000x128xf32>, vector<128x128xf32>, vector<2000x128xf32> -> vector<2000x128xf32>
    %get3A_21 = arith.constant 0 : index
    %get3A_22 = arith.constant 0 : index
    %get3A_23 = vector.load %arg8[%get3A_21, %get3A_22] : memref<128x128xf32, #tpu.memory_space<vmem>>, vector<128x128xf32>
    %dot_general3A_24 = arith.constant dense<0.000000e+00> : vector<2000x128xf32>
    %dot_general3A_25 = tpu.matmul %add3A_13, %get3A_23, %dot_general3A_24 {dimension_numbers = #tpu.dot_dimension_numbers<[1], [0], [0], [1], [0, 0, 1, 1], [], []>, transpose_lhs_hint = false} : vector<2000x128xf32>, vector<128x128xf32>, vector<2000x128xf32> -> vector<2000x128xf32>
    %add3A_26 = arith.addf %dot_general3A_20, %dot_general3A_25 : vector<2000x128xf32>
    %get3A_27 = arith.constant 0 : index
    %get3A_28 = arith.constant 0 : index
    %get3A_29 = vector.load %arg9[%get3A_27, %get3A_28] : memref<1x128xf32, #tpu.memory_space<vmem>>, vector<1x128xf32>
    %add3A_30 = vector.broadcast %get3A_29 : vector<1x128xf32> to vector<2000x128xf32>
    %add3A_31 = arith.addf %add3A_26, %add3A_30 : vector<2000x128xf32>
    %logistic3A = arith.negf %add3A_31 : vector<2000x128xf32>
    %logistic3A_32 = math.exp %logistic3A : vector<2000x128xf32>
    %logistic3A_33 = arith.constant 1.000000e+00 : f32
    %logistic3A_34 = vector.broadcast %logistic3A_33 : f32 to vector<2000x128xf32>
    %logistic3A_35 = arith.addf %logistic3A_34, %logistic3A_32 : vector<2000x128xf32>
    %logistic3A_36 = arith.divf %logistic3A_34, %logistic3A_35 : vector<2000x128xf32>
    %mul3A_37 = arith.mulf %logistic3A_36, %add3A_13 : vector<2000x128xf32>
    %sub3A = arith.constant 1.000000e+00 : f32
    %sub3A_38 = vector.broadcast %sub3A : f32 to vector<2000x128xf32>
    %sub3A_39 = arith.subf %sub3A_38, %logistic3A_36 : vector<2000x128xf32>
    %get3A_40 = arith.constant 0 : index
    %get3A_41 = arith.constant 0 : index
    %get3A_42 = vector.load %arg2[%get3A_40, %get3A_41] : memref<2000x128xf32, #tpu.memory_space<vmem>>, vector<2000x128xf32>
    %mul3A_43 = arith.mulf %sub3A_39, %get3A_42 : vector<2000x128xf32>
    %add3A_44 = arith.addf %mul3A_37, %mul3A_43 : vector<2000x128xf32>
    %swap3A = arith.constant 0 : index
    %swap3A_45 = arith.constant 0 : index
    %swap3A_46 = vector.load %arg11[%swap3A, %swap3A_45] : memref<2000x128xf32, #tpu.memory_space<vmem>>, vector<2000x128xf32>
    tpu.vector_store %arg11[%swap3A, %swap3A_45], %add3A_44 {strides = array<i32>} : memref<2000x128xf32, #tpu.memory_space<vmem>>, vector<2000x128xf32>,
    %get3A_47 = arith.constant 0 : index
    %get3A_48 = arith.constant 0 : index
    %get3A_49 = vector.load %arg10[%get3A_47, %get3A_48] : memref<128x128xf32, #tpu.memory_space<vmem>>, vector<128x128xf32>
    %dot_general3A_50 = arith.constant dense<0.000000e+00> : vector<2000x128xf32>
    %dot_general3A_51 = tpu.matmul %add3A_44, %get3A_49, %dot_general3A_50 {dimension_numbers = #tpu.dot_dimension_numbers<[1], [0], [0], [1], [0, 0, 1, 1], [], []>, transpose_lhs_hint = false} : vector<2000x128xf32>, vector<128x128xf32>, vector<2000x128xf32> -> vector<2000x128xf32>
    %mul3A_52 = vector.broadcast %get3A_1 : vector<2000x1xf32> to vector<2000x128xf32>
    %mul3A_53 = arith.mulf %dot_general3A_51, %mul3A_52 : vector<2000x128xf32>
    %swap3A_54 = arith.constant 0 : index
    %swap3A_55 = arith.constant 0 : index
    %swap3A_56 = vector.load %arg12[%swap3A_54, %swap3A_55] : memref<2000x128xf32, #tpu.memory_space<vmem>>, vector<2000x128xf32>
    tpu.vector_store %arg12[%swap3A_54, %swap3A_55], %mul3A_53 {strides = array<i32>} : memref<2000x128xf32, #tpu.memory_space<vmem>>, vector<2000x128xf32>,
    return
  }
  func.func @transform_0(%arg0: i32) -> (i32, i32) {
    %c0_i32 = arith.constant 0 : i32
    %c0_i32_0 = arith.constant 0 : i32
    return %arg0, %c0_i32 : i32, i32
  }
  func.func @transform_1(%arg0: i32) -> (i32, i32) {
    %c0_i32 = arith.constant 0 : i32
    %c0_i32_0 = arith.constant 0 : i32
    return %arg0, %c0_i32 : i32, i32
  }
  func.func @transform_2(%arg0: i32) -> (i32, i32) {
    %c0_i32 = arith.constant 0 : i32
    %c0_i32_0 = arith.constant 0 : i32
    return %arg0, %c0_i32 : i32, i32
  }
  func.func @transform_3(%arg0: i32) -> (i32, i32) {
    %c0_i32 = arith.constant 0 : i32
    %c0_i32_0 = arith.constant 0 : i32
    return %arg0, %c0_i32 : i32, i32
  }
  func.func @transform_4(%arg0: i32) -> (i32, i32) {
    %c0_i32 = arith.constant 0 : i32
    %c0_i32_0 = arith.constant 0 : i32
    return %arg0, %c0_i32 : i32, i32
  }
  func.func @transform_5(%arg0: i32) -> (i32, i32) {
    %c0_i32 = arith.constant 0 : i32
    %c0_i32_0 = arith.constant 0 : i32
    %c0_i32_1 = arith.constant 0 : i32
    return %c0_i32, %c0_i32_0 : i32, i32
  }
  func.func @transform_6(%arg0: i32) -> (i32, i32) {
    %c0_i32 = arith.constant 0 : i32
    %c0_i32_0 = arith.constant 0 : i32
    %c0_i32_1 = arith.constant 0 : i32
    return %c0_i32, %c0_i32_0 : i32, i32
  }
  func.func @transform_7(%arg0: i32) -> (i32, i32) {
    %c0_i32 = arith.constant 0 : i32
    %c0_i32_0 = arith.constant 0 : i32
    %c0_i32_1 = arith.constant 0 : i32
    return %c0_i32, %c0_i32_0 : i32, i32
  }
  func.func @transform_8(%arg0: i32) -> (i32, i32) {
    %c0_i32 = arith.constant 0 : i32
    %c0_i32_0 = arith.constant 0 : i32
    %c0_i32_1 = arith.constant 0 : i32
    return %c0_i32, %c0_i32_0 : i32, i32
  }
  func.func @transform_9(%arg0: i32) -> (i32, i32) {
    %c0_i32 = arith.constant 0 : i32
    %c0_i32_0 = arith.constant 0 : i32
    %c0_i32_1 = arith.constant 0 : i32
    return %c0_i32, %c0_i32_0 : i32, i32
  }
  func.func @transform_10(%arg0: i32) -> (i32, i32) {
    %c0_i32 = arith.constant 0 : i32
    %c0_i32_0 = arith.constant 0 : i32
    return %arg0, %c0_i32 : i32, i32
  }
  func.func @transform_11(%arg0: i32) -> (i32, i32) {
    %c0_i32 = arith.constant 0 : i32
    %c0_i32_0 = arith.constant 0 : i32
    return %arg0, %c0_i32 : i32, i32
  }
}

module attributes {stable_mosaic.version = 14 : i64} {
  func.func @_last_body(%arg0: i32, %arg1: memref<2000x128xf32, #tpu.memory_space<vmem>>, %arg2: memref<2000x128xf32, #tpu.memory_space<vmem>>, %arg3: memref<2000x128xf32, #tpu.memory_space<vmem>>, %arg4: memref<2000x128xf32, #tpu.memory_space<vmem>>, %arg5: memref<2000x128xf32, #tpu.memory_space<vmem>>, %arg6: memref<2000x1xf32, #tpu.memory_space<vmem>>, %arg7: memref<1x128xf32, #tpu.memory_space<vmem>>, %arg8: memref<128x128xf32, #tpu.memory_space<vmem>>, %arg9: memref<128x128xf32, #tpu.memory_space<vmem>>, %arg10: memref<1x128xf32, #tpu.memory_space<vmem>>, %arg11: memref<128x128xf32, #tpu.memory_space<vmem>>, %arg12: memref<1x128xf32, #tpu.memory_space<vmem>>, %arg13: memref<128x128xf32, #tpu.memory_space<vmem>>, %arg14: memref<1x128xf32, #tpu.memory_space<vmem>>, %arg15: memref<128x128xf32, #tpu.memory_space<vmem>>, %arg16: memref<128x128xf32, #tpu.memory_space<vmem>>, %arg17: memref<128x128xf32, #tpu.memory_space<vmem>>, %arg18: memref<1x128xf32, #tpu.memory_space<vmem>>, %arg19: memref<1x128xf32, #tpu.memory_space<vmem>>, %arg20: memref<1x128xf32, #tpu.memory_space<vmem>>, %arg21: memref<2000x128xf32, #tpu.memory_space<vmem>>, %arg22: memref<2000x128xf32, #tpu.memory_space<vmem>>, %arg23: memref<2000x9xf32, #tpu.memory_space<vmem>>) attributes {dimension_semantics = [#tpu.dimension_semantics<arbitrary>], iteration_bounds = array<i64: 5>, scalar_prefetch = 0 : i64, scratch_operands = 0 : i64, tpu.core_type = #tpu.core_type<tc>, window_params = [{transform_indices = @transform_0, window_bounds = array<i64: 2000, 128>}, {transform_indices = @transform_1, window_bounds = array<i64: 2000, 128>}, {transform_indices = @transform_2, window_bounds = array<i64: 2000, 128>}, {transform_indices = @transform_3, window_bounds = array<i64: 2000, 128>}, {transform_indices = @transform_4, window_bounds = array<i64: 2000, 128>}, {transform_indices = @transform_5, window_bounds = array<i64: 2000, 1>}, {pipeline_mode = #tpu.pipeline_mode<synchronous>, transform_indices = @transform_6, window_bounds = array<i64: 1, 128>}, {pipeline_mode = #tpu.pipeline_mode<synchronous>, transform_indices = @transform_7, window_bounds = array<i64: 128, 128>}, {pipeline_mode = #tpu.pipeline_mode<synchronous>, transform_indices = @transform_8, window_bounds = array<i64: 128, 128>}, {pipeline_mode = #tpu.pipeline_mode<synchronous>, transform_indices = @transform_9, window_bounds = array<i64: 1, 128>}, {pipeline_mode = #tpu.pipeline_mode<synchronous>, transform_indices = @transform_10, window_bounds = array<i64: 128, 128>}, {pipeline_mode = #tpu.pipeline_mode<synchronous>, transform_indices = @transform_11, window_bounds = array<i64: 1, 128>}, {pipeline_mode = #tpu.pipeline_mode<synchronous>, transform_indices = @transform_12, window_bounds = array<i64: 128, 128>}, {pipeline_mode = #tpu.pipeline_mode<synchronous>, transform_indices = @transform_13, window_bounds = array<i64: 1, 128>}, {pipeline_mode = #tpu.pipeline_mode<synchronous>, transform_indices = @transform_14, window_bounds = array<i64: 128, 128>}, {pipeline_mode = #tpu.pipeline_mode<synchronous>, transform_indices = @transform_15, window_bounds = array<i64: 128, 128>}, {pipeline_mode = #tpu.pipeline_mode<synchronous>, transform_indices = @transform_16, window_bounds = array<i64: 128, 128>}, {pipeline_mode = #tpu.pipeline_mode<synchronous>, transform_indices = @transform_17, window_bounds = array<i64: 1, 128>}, {pipeline_mode = #tpu.pipeline_mode<synchronous>, transform_indices = @transform_18, window_bounds = array<i64: 1, 128>}, {pipeline_mode = #tpu.pipeline_mode<synchronous>, transform_indices = @transform_19, window_bounds = array<i64: 1, 128>}, {transform_indices = @transform_20, window_bounds = array<i64: 2000, 128>}, {transform_indices = @transform_21, window_bounds = array<i64: 2000, 128>}, {transform_indices = @transform_22, window_bounds = array<i64: 2000, 9>}]} {
    %get3A = arith.constant 0 : index
    %get3A_0 = arith.constant 0 : index
    %get3A_1 = vector.load %arg6[%get3A, %get3A_0] : memref<2000x1xf32, #tpu.memory_space<vmem>>, vector<2000x1xf32>
    %get3A_2 = arith.constant 0 : index
    %get3A_3 = arith.constant 0 : index
    %get3A_4 = vector.load %arg4[%get3A_2, %get3A_3] : memref<2000x128xf32, #tpu.memory_space<vmem>>, vector<2000x128xf32>
    %get3A_5 = arith.constant 0 : index
    %get3A_6 = arith.constant 0 : index
    %get3A_7 = vector.load %arg5[%get3A_5, %get3A_6] : memref<2000x128xf32, #tpu.memory_space<vmem>>, vector<2000x128xf32>
    %add3A = arith.addf %get3A_4, %get3A_7 : vector<2000x128xf32>
    %mul3A = vector.broadcast %get3A_1 : vector<2000x1xf32> to vector<2000x128xf32>
    %mul3A_8 = arith.mulf %mul3A, %add3A : vector<2000x128xf32>
    %get3A_9 = arith.constant 0 : index
    %get3A_10 = arith.constant 0 : index
    %get3A_11 = vector.load %arg7[%get3A_9, %get3A_10] : memref<1x128xf32, #tpu.memory_space<vmem>>, vector<1x128xf32>
    %add3A_12 = vector.broadcast %get3A_11 : vector<1x128xf32> to vector<2000x128xf32>
    %add3A_13 = arith.addf %mul3A_8, %add3A_12 : vector<2000x128xf32>
    %get3A_14 = arith.constant 0 : index
    %get3A_15 = arith.constant 0 : index
    %get3A_16 = vector.load %arg1[%get3A_14, %get3A_15] : memref<2000x128xf32, #tpu.memory_space<vmem>>, vector<2000x128xf32>
    %get3A_17 = arith.constant 0 : index
    %get3A_18 = arith.constant 0 : index
    %get3A_19 = vector.load %arg8[%get3A_17, %get3A_18] : memref<128x128xf32, #tpu.memory_space<vmem>>, vector<128x128xf32>
    %dot_general3A = arith.constant dense<0.000000e+00> : vector<2000x128xf32>
    %dot_general3A_20 = tpu.matmul %get3A_16, %get3A_19, %dot_general3A {dimension_numbers = #tpu.dot_dimension_numbers<[1], [0], [0], [1], [0, 0, 1, 1], [], []>, transpose_lhs_hint = false} : vector<2000x128xf32>, vector<128x128xf32>, vector<2000x128xf32> -> vector<2000x128xf32>
    %get3A_21 = arith.constant 0 : index
    %get3A_22 = arith.constant 0 : index
    %get3A_23 = vector.load %arg9[%get3A_21, %get3A_22] : memref<128x128xf32, #tpu.memory_space<vmem>>, vector<128x128xf32>
    %dot_general3A_24 = arith.constant dense<0.000000e+00> : vector<2000x128xf32>
    %dot_general3A_25 = tpu.matmul %add3A_13, %get3A_23, %dot_general3A_24 {dimension_numbers = #tpu.dot_dimension_numbers<[1], [0], [0], [1], [0, 0, 1, 1], [], []>, transpose_lhs_hint = false} : vector<2000x128xf32>, vector<128x128xf32>, vector<2000x128xf32> -> vector<2000x128xf32>
    %add3A_26 = arith.addf %dot_general3A_20, %dot_general3A_25 : vector<2000x128xf32>
    %get3A_27 = arith.constant 0 : index
    %get3A_28 = arith.constant 0 : index
    %get3A_29 = vector.load %arg10[%get3A_27, %get3A_28] : memref<1x128xf32, #tpu.memory_space<vmem>>, vector<1x128xf32>
    %add3A_30 = vector.broadcast %get3A_29 : vector<1x128xf32> to vector<2000x128xf32>
    %add3A_31 = arith.addf %add3A_26, %add3A_30 : vector<2000x128xf32>
    %logistic3A = arith.negf %add3A_31 : vector<2000x128xf32>
    %logistic3A_32 = math.exp %logistic3A : vector<2000x128xf32>
    %logistic3A_33 = arith.constant 1.000000e+00 : f32
    %logistic3A_34 = vector.broadcast %logistic3A_33 : f32 to vector<2000x128xf32>
    %logistic3A_35 = arith.addf %logistic3A_34, %logistic3A_32 : vector<2000x128xf32>
    %logistic3A_36 = arith.divf %logistic3A_34, %logistic3A_35 : vector<2000x128xf32>
    %mul3A_37 = arith.mulf %logistic3A_36, %add3A_13 : vector<2000x128xf32>
    %sub3A = arith.constant 1.000000e+00 : f32
    %sub3A_38 = vector.broadcast %sub3A : f32 to vector<2000x128xf32>
    %sub3A_39 = arith.subf %sub3A_38, %logistic3A_36 : vector<2000x128xf32>
    %get3A_40 = arith.constant 0 : index
    %get3A_41 = arith.constant 0 : index
    %get3A_42 = vector.load %arg3[%get3A_40, %get3A_41] : memref<2000x128xf32, #tpu.memory_space<vmem>>, vector<2000x128xf32>
    %mul3A_43 = arith.mulf %sub3A_39, %get3A_42 : vector<2000x128xf32>
    %add3A_44 = arith.addf %mul3A_37, %mul3A_43 : vector<2000x128xf32>
    %swap3A = arith.constant 0 : index
    %swap3A_45 = arith.constant 0 : index
    %swap3A_46 = vector.load %arg21[%swap3A, %swap3A_45] : memref<2000x128xf32, #tpu.memory_space<vmem>>, vector<2000x128xf32>
    tpu.vector_store %arg21[%swap3A, %swap3A_45], %add3A_44 {strides = array<i32>} : memref<2000x128xf32, #tpu.memory_space<vmem>>, vector<2000x128xf32>,
    %get3A_47 = arith.constant 0 : index
    %get3A_48 = arith.constant 0 : index
    %get3A_49 = vector.load %arg2[%get3A_47, %get3A_48] : memref<2000x128xf32, #tpu.memory_space<vmem>>, vector<2000x128xf32>
    %get3A_50 = arith.constant 0 : index
    %get3A_51 = arith.constant 0 : index
    %get3A_52 = vector.load %arg3[%get3A_50, %get3A_51] : memref<2000x128xf32, #tpu.memory_space<vmem>>, vector<2000x128xf32>
    %get3A_53 = arith.constant 0 : index
    %get3A_54 = arith.constant 0 : index
    %get3A_55 = vector.load %arg11[%get3A_53, %get3A_54] : memref<128x128xf32, #tpu.memory_space<vmem>>, vector<128x128xf32>
    %get3A_56 = arith.constant 0 : index
    %get3A_57 = arith.constant 0 : index
    %get3A_58 = vector.load %arg13[%get3A_56, %get3A_57] : memref<128x128xf32, #tpu.memory_space<vmem>>, vector<128x128xf32>
    %dot_general3A_59 = arith.constant dense<0.000000e+00> : vector<2000x128xf32>
    %dot_general3A_60 = tpu.matmul %get3A_49, %get3A_55, %dot_general3A_59 {dimension_numbers = #tpu.dot_dimension_numbers<[1], [0], [0], [1], [0, 0, 1, 1], [], []>, transpose_lhs_hint = false} : vector<2000x128xf32>, vector<128x128xf32>, vector<2000x128xf32> -> vector<2000x128xf32>
    %get3A_61 = arith.constant 0 : index
    %get3A_62 = arith.constant 0 : index
    %get3A_63 = vector.load %arg12[%get3A_61, %get3A_62] : memref<1x128xf32, #tpu.memory_space<vmem>>, vector<1x128xf32>
    %add3A_64 = vector.broadcast %get3A_63 : vector<1x128xf32> to vector<2000x128xf32>
    %add3A_65 = arith.addf %dot_general3A_60, %add3A_64 : vector<2000x128xf32>
    %dot_general3A_66 = arith.constant dense<0.000000e+00> : vector<2000x128xf32>
    %dot_general3A_67 = tpu.matmul %get3A_52, %get3A_55, %dot_general3A_66 {dimension_numbers = #tpu.dot_dimension_numbers<[1], [0], [0], [1], [0, 0, 1, 1], [], []>, transpose_lhs_hint = false} : vector<2000x128xf32>, vector<128x128xf32>, vector<2000x128xf32> -> vector<2000x128xf32>
    %get3A_68 = arith.constant 0 : index
    %get3A_69 = arith.constant 0 : index
    %get3A_70 = vector.load %arg12[%get3A_68, %get3A_69] : memref<1x128xf32, #tpu.memory_space<vmem>>, vector<1x128xf32>
    %add3A_71 = vector.broadcast %get3A_70 : vector<1x128xf32> to vector<2000x128xf32>
    %add3A_72 = arith.addf %dot_general3A_67, %add3A_71 : vector<2000x128xf32>
    %dot_general3A_73 = arith.constant dense<0.000000e+00> : vector<2000x128xf32>
    %dot_general3A_74 = tpu.matmul %add3A_44, %get3A_55, %dot_general3A_73 {dimension_numbers = #tpu.dot_dimension_numbers<[1], [0], [0], [1], [0, 0, 1, 1], [], []>, transpose_lhs_hint = false} : vector<2000x128xf32>, vector<128x128xf32>, vector<2000x128xf32> -> vector<2000x128xf32>
    %get3A_75 = arith.constant 0 : index
    %get3A_76 = arith.constant 0 : index
    %get3A_77 = vector.load %arg12[%get3A_75, %get3A_76] : memref<1x128xf32, #tpu.memory_space<vmem>>, vector<1x128xf32>
    %add3A_78 = vector.broadcast %get3A_77 : vector<1x128xf32> to vector<2000x128xf32>
    %add3A_79 = arith.addf %dot_general3A_74, %add3A_78 : vector<2000x128xf32>
    %dot_general3A_80 = arith.constant dense<0.000000e+00> : vector<2000x128xf32>
    %dot_general3A_81 = tpu.matmul %get3A_49, %get3A_58, %dot_general3A_80 {dimension_numbers = #tpu.dot_dimension_numbers<[1], [0], [0], [1], [0, 0, 1, 1], [], []>, transpose_lhs_hint = false} : vector<2000x128xf32>, vector<128x128xf32>, vector<2000x128xf32> -> vector<2000x128xf32>
    %get3A_82 = arith.constant 0 : index
    %get3A_83 = arith.constant 0 : index
    %get3A_84 = vector.load %arg14[%get3A_82, %get3A_83] : memref<1x128xf32, #tpu.memory_space<vmem>>, vector<1x128xf32>
    %add3A_85 = vector.broadcast %get3A_84 : vector<1x128xf32> to vector<2000x128xf32>
    %add3A_86 = arith.addf %dot_general3A_81, %add3A_85 : vector<2000x128xf32>
    %dot_general3A_87 = arith.constant dense<0.000000e+00> : vector<2000x128xf32>
    %dot_general3A_88 = tpu.matmul %get3A_52, %get3A_58, %dot_general3A_87 {dimension_numbers = #tpu.dot_dimension_numbers<[1], [0], [0], [1], [0, 0, 1, 1], [], []>, transpose_lhs_hint = false} : vector<2000x128xf32>, vector<128x128xf32>, vector<2000x128xf32> -> vector<2000x128xf32>
    %get3A_89 = arith.constant 0 : index
    %get3A_90 = arith.constant 0 : index
    %get3A_91 = vector.load %arg14[%get3A_89, %get3A_90] : memref<1x128xf32, #tpu.memory_space<vmem>>, vector<1x128xf32>
    %add3A_92 = vector.broadcast %get3A_91 : vector<1x128xf32> to vector<2000x128xf32>
    %add3A_93 = arith.addf %dot_general3A_88, %add3A_92 : vector<2000x128xf32>
    %dot_general3A_94 = arith.constant dense<0.000000e+00> : vector<2000x128xf32>
    %dot_general3A_95 = tpu.matmul %add3A_44, %get3A_58, %dot_general3A_94 {dimension_numbers = #tpu.dot_dimension_numbers<[1], [0], [0], [1], [0, 0, 1, 1], [], []>, transpose_lhs_hint = false} : vector<2000x128xf32>, vector<128x128xf32>, vector<2000x128xf32> -> vector<2000x128xf32>
    %get3A_96 = arith.constant 0 : index
    %get3A_97 = arith.constant 0 : index
    %get3A_98 = vector.load %arg14[%get3A_96, %get3A_97] : memref<1x128xf32, #tpu.memory_space<vmem>>, vector<1x128xf32>
    %add3A_99 = vector.broadcast %get3A_98 : vector<1x128xf32> to vector<2000x128xf32>
    %add3A_100 = arith.addf %dot_general3A_95, %add3A_99 : vector<2000x128xf32>
    %mul3A_101 = arith.mulf %add3A_65, %add3A_86 : vector<2000x128xf32>
    %slice3A = vector.extract_strided_slice %mul3A_101 {offsets = [0, 0], sizes = [2000, 32], strides = [1, 1]} : vector<2000x128xf32> to vector<2000x32xf32>
    %reduce_sum3A = arith.constant dense<0.000000e+00> : vector<2000xf32>
    %reduce_sum3A_102 = vector.multi_reduction <add>, %slice3A, %reduce_sum3A [1] : vector<2000x32xf32> to vector<2000xf32>
    %broadcast_in_dim3A = vector.shape_cast %reduce_sum3A_102 : vector<2000xf32> to vector<2000x1xf32>
    %mul3A_103 = arith.constant 0.176776692 : f32
    %mul3A_104 = vector.broadcast %mul3A_103 : f32 to vector<2000x1xf32>
    %mul3A_105 = arith.mulf %broadcast_in_dim3A, %mul3A_104 : vector<2000x1xf32>
    %slice3A_106 = vector.extract_strided_slice %mul3A_101 {offsets = [0, 32], sizes = [2000, 32], strides = [1, 1]} : vector<2000x128xf32> to vector<2000x32xf32>
    %reduce_sum3A_107 = arith.constant dense<0.000000e+00> : vector<2000xf32>
    %reduce_sum3A_108 = vector.multi_reduction <add>, %slice3A_106, %reduce_sum3A_107 [1] : vector<2000x32xf32> to vector<2000xf32>
    %broadcast_in_dim3A_109 = vector.shape_cast %reduce_sum3A_108 : vector<2000xf32> to vector<2000x1xf32>
    %mul3A_110 = arith.constant 0.176776692 : f32
    %mul3A_111 = vector.broadcast %mul3A_110 : f32 to vector<2000x1xf32>
    %mul3A_112 = arith.mulf %broadcast_in_dim3A_109, %mul3A_111 : vector<2000x1xf32>
    %slice3A_113 = vector.extract_strided_slice %mul3A_101 {offsets = [0, 64], sizes = [2000, 32], strides = [1, 1]} : vector<2000x128xf32> to vector<2000x32xf32>
    %reduce_sum3A_114 = arith.constant dense<0.000000e+00> : vector<2000xf32>
    %reduce_sum3A_115 = vector.multi_reduction <add>, %slice3A_113, %reduce_sum3A_114 [1] : vector<2000x32xf32> to vector<2000xf32>
    %broadcast_in_dim3A_116 = vector.shape_cast %reduce_sum3A_115 : vector<2000xf32> to vector<2000x1xf32>
    %mul3A_117 = arith.constant 0.176776692 : f32
    %mul3A_118 = vector.broadcast %mul3A_117 : f32 to vector<2000x1xf32>
    %mul3A_119 = arith.mulf %broadcast_in_dim3A_116, %mul3A_118 : vector<2000x1xf32>
    %slice3A_120 = vector.extract_strided_slice %mul3A_101 {offsets = [0, 96], sizes = [2000, 32], strides = [1, 1]} : vector<2000x128xf32> to vector<2000x32xf32>
    %reduce_sum3A_121 = arith.constant dense<0.000000e+00> : vector<2000xf32>
    %reduce_sum3A_122 = vector.multi_reduction <add>, %slice3A_120, %reduce_sum3A_121 [1] : vector<2000x32xf32> to vector<2000xf32>
    %broadcast_in_dim3A_123 = vector.shape_cast %reduce_sum3A_122 : vector<2000xf32> to vector<2000x1xf32>
    %mul3A_124 = arith.constant 0.176776692 : f32
    %mul3A_125 = vector.broadcast %mul3A_124 : f32 to vector<2000x1xf32>
    %mul3A_126 = arith.mulf %broadcast_in_dim3A_123, %mul3A_125 : vector<2000x1xf32>
    %mul3A_127 = arith.mulf %add3A_65, %add3A_93 : vector<2000x128xf32>
    %slice3A_128 = vector.extract_strided_slice %mul3A_127 {offsets = [0, 0], sizes = [2000, 32], strides = [1, 1]} : vector<2000x128xf32> to vector<2000x32xf32>
    %reduce_sum3A_129 = arith.constant dense<0.000000e+00> : vector<2000xf32>
    %reduce_sum3A_130 = vector.multi_reduction <add>, %slice3A_128, %reduce_sum3A_129 [1] : vector<2000x32xf32> to vector<2000xf32>
    %broadcast_in_dim3A_131 = vector.shape_cast %reduce_sum3A_130 : vector<2000xf32> to vector<2000x1xf32>
    %mul3A_132 = arith.constant 0.176776692 : f32
    %mul3A_133 = vector.broadcast %mul3A_132 : f32 to vector<2000x1xf32>
    %mul3A_134 = arith.mulf %broadcast_in_dim3A_131, %mul3A_133 : vector<2000x1xf32>
    %slice3A_135 = vector.extract_strided_slice %mul3A_127 {offsets = [0, 32], sizes = [2000, 32], strides = [1, 1]} : vector<2000x128xf32> to vector<2000x32xf32>
    %reduce_sum3A_136 = arith.constant dense<0.000000e+00> : vector<2000xf32>
    %reduce_sum3A_137 = vector.multi_reduction <add>, %slice3A_135, %reduce_sum3A_136 [1] : vector<2000x32xf32> to vector<2000xf32>
    %broadcast_in_dim3A_138 = vector.shape_cast %reduce_sum3A_137 : vector<2000xf32> to vector<2000x1xf32>
    %mul3A_139 = arith.constant 0.176776692 : f32
    %mul3A_140 = vector.broadcast %mul3A_139 : f32 to vector<2000x1xf32>
    %mul3A_141 = arith.mulf %broadcast_in_dim3A_138, %mul3A_140 : vector<2000x1xf32>
    %slice3A_142 = vector.extract_strided_slice %mul3A_127 {offsets = [0, 64], sizes = [2000, 32], strides = [1, 1]} : vector<2000x128xf32> to vector<2000x32xf32>
    %reduce_sum3A_143 = arith.constant dense<0.000000e+00> : vector<2000xf32>
    %reduce_sum3A_144 = vector.multi_reduction <add>, %slice3A_142, %reduce_sum3A_143 [1] : vector<2000x32xf32> to vector<2000xf32>
    %broadcast_in_dim3A_145 = vector.shape_cast %reduce_sum3A_144 : vector<2000xf32> to vector<2000x1xf32>
    %mul3A_146 = arith.constant 0.176776692 : f32
    %mul3A_147 = vector.broadcast %mul3A_146 : f32 to vector<2000x1xf32>
    %mul3A_148 = arith.mulf %broadcast_in_dim3A_145, %mul3A_147 : vector<2000x1xf32>
    %slice3A_149 = vector.extract_strided_slice %mul3A_127 {offsets = [0, 96], sizes = [2000, 32], strides = [1, 1]} : vector<2000x128xf32> to vector<2000x32xf32>
    %reduce_sum3A_150 = arith.constant dense<0.000000e+00> : vector<2000xf32>
    %reduce_sum3A_151 = vector.multi_reduction <add>, %slice3A_149, %reduce_sum3A_150 [1] : vector<2000x32xf32> to vector<2000xf32>
    %broadcast_in_dim3A_152 = vector.shape_cast %reduce_sum3A_151 : vector<2000xf32> to vector<2000x1xf32>
    %mul3A_153 = arith.constant 0.176776692 : f32
    %mul3A_154 = vector.broadcast %mul3A_153 : f32 to vector<2000x1xf32>
    %mul3A_155 = arith.mulf %broadcast_in_dim3A_152, %mul3A_154 : vector<2000x1xf32>
    %mul3A_156 = arith.mulf %add3A_65, %add3A_100 : vector<2000x128xf32>
    %slice3A_157 = vector.extract_strided_slice %mul3A_156 {offsets = [0, 0], sizes = [2000, 32], strides = [1, 1]} : vector<2000x128xf32> to vector<2000x32xf32>
    %reduce_sum3A_158 = arith.constant dense<0.000000e+00> : vector<2000xf32>
    %reduce_sum3A_159 = vector.multi_reduction <add>, %slice3A_157, %reduce_sum3A_158 [1] : vector<2000x32xf32> to vector<2000xf32>
    %broadcast_in_dim3A_160 = vector.shape_cast %reduce_sum3A_159 : vector<2000xf32> to vector<2000x1xf32>
    %mul3A_161 = arith.constant 0.176776692 : f32
    %mul3A_162 = vector.broadcast %mul3A_161 : f32 to vector<2000x1xf32>
    %mul3A_163 = arith.mulf %broadcast_in_dim3A_160, %mul3A_162 : vector<2000x1xf32>
    %slice3A_164 = vector.extract_strided_slice %mul3A_156 {offsets = [0, 32], sizes = [2000, 32], strides = [1, 1]} : vector<2000x128xf32> to vector<2000x32xf32>
    %reduce_sum3A_165 = arith.constant dense<0.000000e+00> : vector<2000xf32>
    %reduce_sum3A_166 = vector.multi_reduction <add>, %slice3A_164, %reduce_sum3A_165 [1] : vector<2000x32xf32> to vector<2000xf32>
    %broadcast_in_dim3A_167 = vector.shape_cast %reduce_sum3A_166 : vector<2000xf32> to vector<2000x1xf32>
    %mul3A_168 = arith.constant 0.176776692 : f32
    %mul3A_169 = vector.broadcast %mul3A_168 : f32 to vector<2000x1xf32>
    %mul3A_170 = arith.mulf %broadcast_in_dim3A_167, %mul3A_169 : vector<2000x1xf32>
    %slice3A_171 = vector.extract_strided_slice %mul3A_156 {offsets = [0, 64], sizes = [2000, 32], strides = [1, 1]} : vector<2000x128xf32> to vector<2000x32xf32>
    %reduce_sum3A_172 = arith.constant dense<0.000000e+00> : vector<2000xf32>
    %reduce_sum3A_173 = vector.multi_reduction <add>, %slice3A_171, %reduce_sum3A_172 [1] : vector<2000x32xf32> to vector<2000xf32>
    %broadcast_in_dim3A_174 = vector.shape_cast %reduce_sum3A_173 : vector<2000xf32> to vector<2000x1xf32>
    %mul3A_175 = arith.constant 0.176776692 : f32
    %mul3A_176 = vector.broadcast %mul3A_175 : f32 to vector<2000x1xf32>
    %mul3A_177 = arith.mulf %broadcast_in_dim3A_174, %mul3A_176 : vector<2000x1xf32>
    %slice3A_178 = vector.extract_strided_slice %mul3A_156 {offsets = [0, 96], sizes = [2000, 32], strides = [1, 1]} : vector<2000x128xf32> to vector<2000x32xf32>
    %reduce_sum3A_179 = arith.constant dense<0.000000e+00> : vector<2000xf32>
    %reduce_sum3A_180 = vector.multi_reduction <add>, %slice3A_178, %reduce_sum3A_179 [1] : vector<2000x32xf32> to vector<2000xf32>
    %broadcast_in_dim3A_181 = vector.shape_cast %reduce_sum3A_180 : vector<2000xf32> to vector<2000x1xf32>
    %mul3A_182 = arith.constant 0.176776692 : f32
    %mul3A_183 = vector.broadcast %mul3A_182 : f32 to vector<2000x1xf32>
    %mul3A_184 = arith.mulf %broadcast_in_dim3A_181, %mul3A_183 : vector<2000x1xf32>
    %mul3A_185 = arith.mulf %add3A_72, %add3A_86 : vector<2000x128xf32>
    %slice3A_186 = vector.extract_strided_slice %mul3A_185 {offsets = [0, 0], sizes = [2000, 32], strides = [1, 1]} : vector<2000x128xf32> to vector<2000x32xf32>
    %reduce_sum3A_187 = arith.constant dense<0.000000e+00> : vector<2000xf32>
    %reduce_sum3A_188 = vector.multi_reduction <add>, %slice3A_186, %reduce_sum3A_187 [1] : vector<2000x32xf32> to vector<2000xf32>
    %broadcast_in_dim3A_189 = vector.shape_cast %reduce_sum3A_188 : vector<2000xf32> to vector<2000x1xf32>
    %mul3A_190 = arith.constant 0.176776692 : f32
    %mul3A_191 = vector.broadcast %mul3A_190 : f32 to vector<2000x1xf32>
    %mul3A_192 = arith.mulf %broadcast_in_dim3A_189, %mul3A_191 : vector<2000x1xf32>
    %slice3A_193 = vector.extract_strided_slice %mul3A_185 {offsets = [0, 32], sizes = [2000, 32], strides = [1, 1]} : vector<2000x128xf32> to vector<2000x32xf32>
    %reduce_sum3A_194 = arith.constant dense<0.000000e+00> : vector<2000xf32>
    %reduce_sum3A_195 = vector.multi_reduction <add>, %slice3A_193, %reduce_sum3A_194 [1] : vector<2000x32xf32> to vector<2000xf32>
    %broadcast_in_dim3A_196 = vector.shape_cast %reduce_sum3A_195 : vector<2000xf32> to vector<2000x1xf32>
    %mul3A_197 = arith.constant 0.176776692 : f32
    %mul3A_198 = vector.broadcast %mul3A_197 : f32 to vector<2000x1xf32>
    %mul3A_199 = arith.mulf %broadcast_in_dim3A_196, %mul3A_198 : vector<2000x1xf32>
    %slice3A_200 = vector.extract_strided_slice %mul3A_185 {offsets = [0, 64], sizes = [2000, 32], strides = [1, 1]} : vector<2000x128xf32> to vector<2000x32xf32>
    %reduce_sum3A_201 = arith.constant dense<0.000000e+00> : vector<2000xf32>
    %reduce_sum3A_202 = vector.multi_reduction <add>, %slice3A_200, %reduce_sum3A_201 [1] : vector<2000x32xf32> to vector<2000xf32>
    %broadcast_in_dim3A_203 = vector.shape_cast %reduce_sum3A_202 : vector<2000xf32> to vector<2000x1xf32>
    %mul3A_204 = arith.constant 0.176776692 : f32
    %mul3A_205 = vector.broadcast %mul3A_204 : f32 to vector<2000x1xf32>
    %mul3A_206 = arith.mulf %broadcast_in_dim3A_203, %mul3A_205 : vector<2000x1xf32>
    %slice3A_207 = vector.extract_strided_slice %mul3A_185 {offsets = [0, 96], sizes = [2000, 32], strides = [1, 1]} : vector<2000x128xf32> to vector<2000x32xf32>
    %reduce_sum3A_208 = arith.constant dense<0.000000e+00> : vector<2000xf32>
    %reduce_sum3A_209 = vector.multi_reduction <add>, %slice3A_207, %reduce_sum3A_208 [1] : vector<2000x32xf32> to vector<2000xf32>
    %broadcast_in_dim3A_210 = vector.shape_cast %reduce_sum3A_209 : vector<2000xf32> to vector<2000x1xf32>
    %mul3A_211 = arith.constant 0.176776692 : f32
    %mul3A_212 = vector.broadcast %mul3A_211 : f32 to vector<2000x1xf32>
    %mul3A_213 = arith.mulf %broadcast_in_dim3A_210, %mul3A_212 : vector<2000x1xf32>
    %mul3A_214 = arith.mulf %add3A_72, %add3A_93 : vector<2000x128xf32>
    %slice3A_215 = vector.extract_strided_slice %mul3A_214 {offsets = [0, 0], sizes = [2000, 32], strides = [1, 1]} : vector<2000x128xf32> to vector<2000x32xf32>
    %reduce_sum3A_216 = arith.constant dense<0.000000e+00> : vector<2000xf32>
    %reduce_sum3A_217 = vector.multi_reduction <add>, %slice3A_215, %reduce_sum3A_216 [1] : vector<2000x32xf32> to vector<2000xf32>
    %broadcast_in_dim3A_218 = vector.shape_cast %reduce_sum3A_217 : vector<2000xf32> to vector<2000x1xf32>
    %mul3A_219 = arith.constant 0.176776692 : f32
    %mul3A_220 = vector.broadcast %mul3A_219 : f32 to vector<2000x1xf32>
    %mul3A_221 = arith.mulf %broadcast_in_dim3A_218, %mul3A_220 : vector<2000x1xf32>
    %slice3A_222 = vector.extract_strided_slice %mul3A_214 {offsets = [0, 32], sizes = [2000, 32], strides = [1, 1]} : vector<2000x128xf32> to vector<2000x32xf32>
    %reduce_sum3A_223 = arith.constant dense<0.000000e+00> : vector<2000xf32>
    %reduce_sum3A_224 = vector.multi_reduction <add>, %slice3A_222, %reduce_sum3A_223 [1] : vector<2000x32xf32> to vector<2000xf32>
    %broadcast_in_dim3A_225 = vector.shape_cast %reduce_sum3A_224 : vector<2000xf32> to vector<2000x1xf32>
    %mul3A_226 = arith.constant 0.176776692 : f32
    %mul3A_227 = vector.broadcast %mul3A_226 : f32 to vector<2000x1xf32>
    %mul3A_228 = arith.mulf %broadcast_in_dim3A_225, %mul3A_227 : vector<2000x1xf32>
    %slice3A_229 = vector.extract_strided_slice %mul3A_214 {offsets = [0, 64], sizes = [2000, 32], strides = [1, 1]} : vector<2000x128xf32> to vector<2000x32xf32>
    %reduce_sum3A_230 = arith.constant dense<0.000000e+00> : vector<2000xf32>
    %reduce_sum3A_231 = vector.multi_reduction <add>, %slice3A_229, %reduce_sum3A_230 [1] : vector<2000x32xf32> to vector<2000xf32>
    %broadcast_in_dim3A_232 = vector.shape_cast %reduce_sum3A_231 : vector<2000xf32> to vector<2000x1xf32>
    %mul3A_233 = arith.constant 0.176776692 : f32
    %mul3A_234 = vector.broadcast %mul3A_233 : f32 to vector<2000x1xf32>
    %mul3A_235 = arith.mulf %broadcast_in_dim3A_232, %mul3A_234 : vector<2000x1xf32>
    %slice3A_236 = vector.extract_strided_slice %mul3A_214 {offsets = [0, 96], sizes = [2000, 32], strides = [1, 1]} : vector<2000x128xf32> to vector<2000x32xf32>
    %reduce_sum3A_237 = arith.constant dense<0.000000e+00> : vector<2000xf32>
    %reduce_sum3A_238 = vector.multi_reduction <add>, %slice3A_236, %reduce_sum3A_237 [1] : vector<2000x32xf32> to vector<2000xf32>
    %broadcast_in_dim3A_239 = vector.shape_cast %reduce_sum3A_238 : vector<2000xf32> to vector<2000x1xf32>
    %mul3A_240 = arith.constant 0.176776692 : f32
    %mul3A_241 = vector.broadcast %mul3A_240 : f32 to vector<2000x1xf32>
    %mul3A_242 = arith.mulf %broadcast_in_dim3A_239, %mul3A_241 : vector<2000x1xf32>
    %mul3A_243 = arith.mulf %add3A_72, %add3A_100 : vector<2000x128xf32>
    %slice3A_244 = vector.extract_strided_slice %mul3A_243 {offsets = [0, 0], sizes = [2000, 32], strides = [1, 1]} : vector<2000x128xf32> to vector<2000x32xf32>
    %reduce_sum3A_245 = arith.constant dense<0.000000e+00> : vector<2000xf32>
    %reduce_sum3A_246 = vector.multi_reduction <add>, %slice3A_244, %reduce_sum3A_245 [1] : vector<2000x32xf32> to vector<2000xf32>
    %broadcast_in_dim3A_247 = vector.shape_cast %reduce_sum3A_246 : vector<2000xf32> to vector<2000x1xf32>
    %mul3A_248 = arith.constant 0.176776692 : f32
    %mul3A_249 = vector.broadcast %mul3A_248 : f32 to vector<2000x1xf32>
    %mul3A_250 = arith.mulf %broadcast_in_dim3A_247, %mul3A_249 : vector<2000x1xf32>
    %slice3A_251 = vector.extract_strided_slice %mul3A_243 {offsets = [0, 32], sizes = [2000, 32], strides = [1, 1]} : vector<2000x128xf32> to vector<2000x32xf32>
    %reduce_sum3A_252 = arith.constant dense<0.000000e+00> : vector<2000xf32>
    %reduce_sum3A_253 = vector.multi_reduction <add>, %slice3A_251, %reduce_sum3A_252 [1] : vector<2000x32xf32> to vector<2000xf32>
    %broadcast_in_dim3A_254 = vector.shape_cast %reduce_sum3A_253 : vector<2000xf32> to vector<2000x1xf32>
    %mul3A_255 = arith.constant 0.176776692 : f32
    %mul3A_256 = vector.broadcast %mul3A_255 : f32 to vector<2000x1xf32>
    %mul3A_257 = arith.mulf %broadcast_in_dim3A_254, %mul3A_256 : vector<2000x1xf32>
    %slice3A_258 = vector.extract_strided_slice %mul3A_243 {offsets = [0, 64], sizes = [2000, 32], strides = [1, 1]} : vector<2000x128xf32> to vector<2000x32xf32>
    %reduce_sum3A_259 = arith.constant dense<0.000000e+00> : vector<2000xf32>
    %reduce_sum3A_260 = vector.multi_reduction <add>, %slice3A_258, %reduce_sum3A_259 [1] : vector<2000x32xf32> to vector<2000xf32>
    %broadcast_in_dim3A_261 = vector.shape_cast %reduce_sum3A_260 : vector<2000xf32> to vector<2000x1xf32>
    %mul3A_262 = arith.constant 0.176776692 : f32
    %mul3A_263 = vector.broadcast %mul3A_262 : f32 to vector<2000x1xf32>
    %mul3A_264 = arith.mulf %broadcast_in_dim3A_261, %mul3A_263 : vector<2000x1xf32>
    %slice3A_265 = vector.extract_strided_slice %mul3A_243 {offsets = [0, 96], sizes = [2000, 32], strides = [1, 1]} : vector<2000x128xf32> to vector<2000x32xf32>
    %reduce_sum3A_266 = arith.constant dense<0.000000e+00> : vector<2000xf32>
    %reduce_sum3A_267 = vector.multi_reduction <add>, %slice3A_265, %reduce_sum3A_266 [1] : vector<2000x32xf32> to vector<2000xf32>
    %broadcast_in_dim3A_268 = vector.shape_cast %reduce_sum3A_267 : vector<2000xf32> to vector<2000x1xf32>
    %mul3A_269 = arith.constant 0.176776692 : f32
    %mul3A_270 = vector.broadcast %mul3A_269 : f32 to vector<2000x1xf32>
    %mul3A_271 = arith.mulf %broadcast_in_dim3A_268, %mul3A_270 : vector<2000x1xf32>
    %mul3A_272 = arith.mulf %add3A_79, %add3A_86 : vector<2000x128xf32>
    %slice3A_273 = vector.extract_strided_slice %mul3A_272 {offsets = [0, 0], sizes = [2000, 32], strides = [1, 1]} : vector<2000x128xf32> to vector<2000x32xf32>
    %reduce_sum3A_274 = arith.constant dense<0.000000e+00> : vector<2000xf32>
    %reduce_sum3A_275 = vector.multi_reduction <add>, %slice3A_273, %reduce_sum3A_274 [1] : vector<2000x32xf32> to vector<2000xf32>
    %broadcast_in_dim3A_276 = vector.shape_cast %reduce_sum3A_275 : vector<2000xf32> to vector<2000x1xf32>
    %mul3A_277 = arith.constant 0.176776692 : f32
    %mul3A_278 = vector.broadcast %mul3A_277 : f32 to vector<2000x1xf32>
    %mul3A_279 = arith.mulf %broadcast_in_dim3A_276, %mul3A_278 : vector<2000x1xf32>
    %slice3A_280 = vector.extract_strided_slice %mul3A_272 {offsets = [0, 32], sizes = [2000, 32], strides = [1, 1]} : vector<2000x128xf32> to vector<2000x32xf32>
    %reduce_sum3A_281 = arith.constant dense<0.000000e+00> : vector<2000xf32>
    %reduce_sum3A_282 = vector.multi_reduction <add>, %slice3A_280, %reduce_sum3A_281 [1] : vector<2000x32xf32> to vector<2000xf32>
    %broadcast_in_dim3A_283 = vector.shape_cast %reduce_sum3A_282 : vector<2000xf32> to vector<2000x1xf32>
    %mul3A_284 = arith.constant 0.176776692 : f32
    %mul3A_285 = vector.broadcast %mul3A_284 : f32 to vector<2000x1xf32>
    %mul3A_286 = arith.mulf %broadcast_in_dim3A_283, %mul3A_285 : vector<2000x1xf32>
    %slice3A_287 = vector.extract_strided_slice %mul3A_272 {offsets = [0, 64], sizes = [2000, 32], strides = [1, 1]} : vector<2000x128xf32> to vector<2000x32xf32>
    %reduce_sum3A_288 = arith.constant dense<0.000000e+00> : vector<2000xf32>
    %reduce_sum3A_289 = vector.multi_reduction <add>, %slice3A_287, %reduce_sum3A_288 [1] : vector<2000x32xf32> to vector<2000xf32>
    %broadcast_in_dim3A_290 = vector.shape_cast %reduce_sum3A_289 : vector<2000xf32> to vector<2000x1xf32>
    %mul3A_291 = arith.constant 0.176776692 : f32
    %mul3A_292 = vector.broadcast %mul3A_291 : f32 to vector<2000x1xf32>
    %mul3A_293 = arith.mulf %broadcast_in_dim3A_290, %mul3A_292 : vector<2000x1xf32>
    %slice3A_294 = vector.extract_strided_slice %mul3A_272 {offsets = [0, 96], sizes = [2000, 32], strides = [1, 1]} : vector<2000x128xf32> to vector<2000x32xf32>
    %reduce_sum3A_295 = arith.constant dense<0.000000e+00> : vector<2000xf32>
    %reduce_sum3A_296 = vector.multi_reduction <add>, %slice3A_294, %reduce_sum3A_295 [1] : vector<2000x32xf32> to vector<2000xf32>
    %broadcast_in_dim3A_297 = vector.shape_cast %reduce_sum3A_296 : vector<2000xf32> to vector<2000x1xf32>
    %mul3A_298 = arith.constant 0.176776692 : f32
    %mul3A_299 = vector.broadcast %mul3A_298 : f32 to vector<2000x1xf32>
    %mul3A_300 = arith.mulf %broadcast_in_dim3A_297, %mul3A_299 : vector<2000x1xf32>
    %mul3A_301 = arith.mulf %add3A_79, %add3A_93 : vector<2000x128xf32>
    %slice3A_302 = vector.extract_strided_slice %mul3A_301 {offsets = [0, 0], sizes = [2000, 32], strides = [1, 1]} : vector<2000x128xf32> to vector<2000x32xf32>
    %reduce_sum3A_303 = arith.constant dense<0.000000e+00> : vector<2000xf32>
    %reduce_sum3A_304 = vector.multi_reduction <add>, %slice3A_302, %reduce_sum3A_303 [1] : vector<2000x32xf32> to vector<2000xf32>
    %broadcast_in_dim3A_305 = vector.shape_cast %reduce_sum3A_304 : vector<2000xf32> to vector<2000x1xf32>
    %mul3A_306 = arith.constant 0.176776692 : f32
    %mul3A_307 = vector.broadcast %mul3A_306 : f32 to vector<2000x1xf32>
    %mul3A_308 = arith.mulf %broadcast_in_dim3A_305, %mul3A_307 : vector<2000x1xf32>
    %slice3A_309 = vector.extract_strided_slice %mul3A_301 {offsets = [0, 32], sizes = [2000, 32], strides = [1, 1]} : vector<2000x128xf32> to vector<2000x32xf32>
    %reduce_sum3A_310 = arith.constant dense<0.000000e+00> : vector<2000xf32>
    %reduce_sum3A_311 = vector.multi_reduction <add>, %slice3A_309, %reduce_sum3A_310 [1] : vector<2000x32xf32> to vector<2000xf32>
    %broadcast_in_dim3A_312 = vector.shape_cast %reduce_sum3A_311 : vector<2000xf32> to vector<2000x1xf32>
    %mul3A_313 = arith.constant 0.176776692 : f32
    %mul3A_314 = vector.broadcast %mul3A_313 : f32 to vector<2000x1xf32>
    %mul3A_315 = arith.mulf %broadcast_in_dim3A_312, %mul3A_314 : vector<2000x1xf32>
    %slice3A_316 = vector.extract_strided_slice %mul3A_301 {offsets = [0, 64], sizes = [2000, 32], strides = [1, 1]} : vector<2000x128xf32> to vector<2000x32xf32>
    %reduce_sum3A_317 = arith.constant dense<0.000000e+00> : vector<2000xf32>
    %reduce_sum3A_318 = vector.multi_reduction <add>, %slice3A_316, %reduce_sum3A_317 [1] : vector<2000x32xf32> to vector<2000xf32>
    %broadcast_in_dim3A_319 = vector.shape_cast %reduce_sum3A_318 : vector<2000xf32> to vector<2000x1xf32>
    %mul3A_320 = arith.constant 0.176776692 : f32
    %mul3A_321 = vector.broadcast %mul3A_320 : f32 to vector<2000x1xf32>
    %mul3A_322 = arith.mulf %broadcast_in_dim3A_319, %mul3A_321 : vector<2000x1xf32>
    %slice3A_323 = vector.extract_strided_slice %mul3A_301 {offsets = [0, 96], sizes = [2000, 32], strides = [1, 1]} : vector<2000x128xf32> to vector<2000x32xf32>
    %reduce_sum3A_324 = arith.constant dense<0.000000e+00> : vector<2000xf32>
    %reduce_sum3A_325 = vector.multi_reduction <add>, %slice3A_323, %reduce_sum3A_324 [1] : vector<2000x32xf32> to vector<2000xf32>
    %broadcast_in_dim3A_326 = vector.shape_cast %reduce_sum3A_325 : vector<2000xf32> to vector<2000x1xf32>
    %mul3A_327 = arith.constant 0.176776692 : f32
    %mul3A_328 = vector.broadcast %mul3A_327 : f32 to vector<2000x1xf32>
    %mul3A_329 = arith.mulf %broadcast_in_dim3A_326, %mul3A_328 : vector<2000x1xf32>
    %mul3A_330 = arith.mulf %add3A_79, %add3A_100 : vector<2000x128xf32>
    %slice3A_331 = vector.extract_strided_slice %mul3A_330 {offsets = [0, 0], sizes = [2000, 32], strides = [1, 1]} : vector<2000x128xf32> to vector<2000x32xf32>
    %reduce_sum3A_332 = arith.constant dense<0.000000e+00> : vector<2000xf32>
    %reduce_sum3A_333 = vector.multi_reduction <add>, %slice3A_331, %reduce_sum3A_332 [1] : vector<2000x32xf32> to vector<2000xf32>
    %broadcast_in_dim3A_334 = vector.shape_cast %reduce_sum3A_333 : vector<2000xf32> to vector<2000x1xf32>
    %mul3A_335 = arith.constant 0.176776692 : f32
    %mul3A_336 = vector.broadcast %mul3A_335 : f32 to vector<2000x1xf32>
    %mul3A_337 = arith.mulf %broadcast_in_dim3A_334, %mul3A_336 : vector<2000x1xf32>
    %slice3A_338 = vector.extract_strided_slice %mul3A_330 {offsets = [0, 32], sizes = [2000, 32], strides = [1, 1]} : vector<2000x128xf32> to vector<2000x32xf32>
    %reduce_sum3A_339 = arith.constant dense<0.000000e+00> : vector<2000xf32>
    %reduce_sum3A_340 = vector.multi_reduction <add>, %slice3A_338, %reduce_sum3A_339 [1] : vector<2000x32xf32> to vector<2000xf32>
    %broadcast_in_dim3A_341 = vector.shape_cast %reduce_sum3A_340 : vector<2000xf32> to vector<2000x1xf32>
    %mul3A_342 = arith.constant 0.176776692 : f32
    %mul3A_343 = vector.broadcast %mul3A_342 : f32 to vector<2000x1xf32>
    %mul3A_344 = arith.mulf %broadcast_in_dim3A_341, %mul3A_343 : vector<2000x1xf32>
    %slice3A_345 = vector.extract_strided_slice %mul3A_330 {offsets = [0, 64], sizes = [2000, 32], strides = [1, 1]} : vector<2000x128xf32> to vector<2000x32xf32>
    %reduce_sum3A_346 = arith.constant dense<0.000000e+00> : vector<2000xf32>
    %reduce_sum3A_347 = vector.multi_reduction <add>, %slice3A_345, %reduce_sum3A_346 [1] : vector<2000x32xf32> to vector<2000xf32>
    %broadcast_in_dim3A_348 = vector.shape_cast %reduce_sum3A_347 : vector<2000xf32> to vector<2000x1xf32>
    %mul3A_349 = arith.constant 0.176776692 : f32
    %mul3A_350 = vector.broadcast %mul3A_349 : f32 to vector<2000x1xf32>
    %mul3A_351 = arith.mulf %broadcast_in_dim3A_348, %mul3A_350 : vector<2000x1xf32>
    %slice3A_352 = vector.extract_strided_slice %mul3A_330 {offsets = [0, 96], sizes = [2000, 32], strides = [1, 1]} : vector<2000x128xf32> to vector<2000x32xf32>
    %reduce_sum3A_353 = arith.constant dense<0.000000e+00> : vector<2000xf32>
    %reduce_sum3A_354 = vector.multi_reduction <add>, %slice3A_352, %reduce_sum3A_353 [1] : vector<2000x32xf32> to vector<2000xf32>
    %broadcast_in_dim3A_355 = vector.shape_cast %reduce_sum3A_354 : vector<2000xf32> to vector<2000x1xf32>
    %mul3A_356 = arith.constant 0.176776692 : f32
    %mul3A_357 = vector.broadcast %mul3A_356 : f32 to vector<2000x1xf32>
    %mul3A_358 = arith.mulf %broadcast_in_dim3A_355, %mul3A_357 : vector<2000x1xf32>
    %max3A = arith.maximumf %mul3A_105, %mul3A_134 : vector<2000x1xf32>
    %max3A_359 = arith.maximumf %max3A, %mul3A_163 : vector<2000x1xf32>
    %sub3A_360 = arith.subf %mul3A_105, %max3A_359 : vector<2000x1xf32>
    %exp3A = math.exp %sub3A_360 : vector<2000x1xf32>
    %sub3A_361 = arith.subf %mul3A_134, %max3A_359 : vector<2000x1xf32>
    %exp3A_362 = math.exp %sub3A_361 : vector<2000x1xf32>
    %sub3A_363 = arith.subf %mul3A_163, %max3A_359 : vector<2000x1xf32>
    %exp3A_364 = math.exp %sub3A_363 : vector<2000x1xf32>
    %add3A_365 = arith.addf %exp3A, %exp3A_362 : vector<2000x1xf32>
    %add3A_366 = arith.addf %add3A_365, %exp3A_364 : vector<2000x1xf32>
    %div3A = arith.divf %exp3A, %add3A_366 : vector<2000x1xf32>
    %add3A_367 = arith.constant 0.000000e+00 : f32
    %add3A_368 = vector.broadcast %add3A_367 : f32 to vector<2000x1xf32>
    %add3A_369 = arith.addf %add3A_368, %div3A : vector<2000x1xf32>
    %div3A_370 = arith.divf %exp3A_362, %add3A_366 : vector<2000x1xf32>
    %add3A_371 = arith.constant 0.000000e+00 : f32
    %add3A_372 = vector.broadcast %add3A_371 : f32 to vector<2000x1xf32>
    %add3A_373 = arith.addf %add3A_372, %div3A_370 : vector<2000x1xf32>
    %div3A_374 = arith.divf %exp3A_364, %add3A_366 : vector<2000x1xf32>
    %add3A_375 = arith.constant 0.000000e+00 : f32
    %add3A_376 = vector.broadcast %add3A_375 : f32 to vector<2000x1xf32>
    %add3A_377 = arith.addf %add3A_376, %div3A_374 : vector<2000x1xf32>
    %max3A_378 = arith.maximumf %mul3A_112, %mul3A_141 : vector<2000x1xf32>
    %max3A_379 = arith.maximumf %max3A_378, %mul3A_170 : vector<2000x1xf32>
    %sub3A_380 = arith.subf %mul3A_112, %max3A_379 : vector<2000x1xf32>
    %exp3A_381 = math.exp %sub3A_380 : vector<2000x1xf32>
    %sub3A_382 = arith.subf %mul3A_141, %max3A_379 : vector<2000x1xf32>
    %exp3A_383 = math.exp %sub3A_382 : vector<2000x1xf32>
    %sub3A_384 = arith.subf %mul3A_170, %max3A_379 : vector<2000x1xf32>
    %exp3A_385 = math.exp %sub3A_384 : vector<2000x1xf32>
    %add3A_386 = arith.addf %exp3A_381, %exp3A_383 : vector<2000x1xf32>
    %add3A_387 = arith.addf %add3A_386, %exp3A_385 : vector<2000x1xf32>
    %div3A_388 = arith.divf %exp3A_381, %add3A_387 : vector<2000x1xf32>
    %add3A_389 = arith.addf %add3A_369, %div3A_388 : vector<2000x1xf32>
    %div3A_390 = arith.divf %exp3A_383, %add3A_387 : vector<2000x1xf32>
    %add3A_391 = arith.addf %add3A_373, %div3A_390 : vector<2000x1xf32>
    %div3A_392 = arith.divf %exp3A_385, %add3A_387 : vector<2000x1xf32>
    %add3A_393 = arith.addf %add3A_377, %div3A_392 : vector<2000x1xf32>
    %max3A_394 = arith.maximumf %mul3A_119, %mul3A_148 : vector<2000x1xf32>
    %max3A_395 = arith.maximumf %max3A_394, %mul3A_177 : vector<2000x1xf32>
    %sub3A_396 = arith.subf %mul3A_119, %max3A_395 : vector<2000x1xf32>
    %exp3A_397 = math.exp %sub3A_396 : vector<2000x1xf32>
    %sub3A_398 = arith.subf %mul3A_148, %max3A_395 : vector<2000x1xf32>
    %exp3A_399 = math.exp %sub3A_398 : vector<2000x1xf32>
    %sub3A_400 = arith.subf %mul3A_177, %max3A_395 : vector<2000x1xf32>
    %exp3A_401 = math.exp %sub3A_400 : vector<2000x1xf32>
    %add3A_402 = arith.addf %exp3A_397, %exp3A_399 : vector<2000x1xf32>
    %add3A_403 = arith.addf %add3A_402, %exp3A_401 : vector<2000x1xf32>
    %div3A_404 = arith.divf %exp3A_397, %add3A_403 : vector<2000x1xf32>
    %add3A_405 = arith.addf %add3A_389, %div3A_404 : vector<2000x1xf32>
    %div3A_406 = arith.divf %exp3A_399, %add3A_403 : vector<2000x1xf32>
    %add3A_407 = arith.addf %add3A_391, %div3A_406 : vector<2000x1xf32>
    %div3A_408 = arith.divf %exp3A_401, %add3A_403 : vector<2000x1xf32>
    %add3A_409 = arith.addf %add3A_393, %div3A_408 : vector<2000x1xf32>
    %max3A_410 = arith.maximumf %mul3A_126, %mul3A_155 : vector<2000x1xf32>
    %max3A_411 = arith.maximumf %max3A_410, %mul3A_184 : vector<2000x1xf32>
    %sub3A_412 = arith.subf %mul3A_126, %max3A_411 : vector<2000x1xf32>
    %exp3A_413 = math.exp %sub3A_412 : vector<2000x1xf32>
    %sub3A_414 = arith.subf %mul3A_155, %max3A_411 : vector<2000x1xf32>
    %exp3A_415 = math.exp %sub3A_414 : vector<2000x1xf32>
    %sub3A_416 = arith.subf %mul3A_184, %max3A_411 : vector<2000x1xf32>
    %exp3A_417 = math.exp %sub3A_416 : vector<2000x1xf32>
    %add3A_418 = arith.addf %exp3A_413, %exp3A_415 : vector<2000x1xf32>
    %add3A_419 = arith.addf %add3A_418, %exp3A_417 : vector<2000x1xf32>
    %div3A_420 = arith.divf %exp3A_413, %add3A_419 : vector<2000x1xf32>
    %add3A_421 = arith.addf %add3A_405, %div3A_420 : vector<2000x1xf32>
    %div3A_422 = arith.divf %exp3A_415, %add3A_419 : vector<2000x1xf32>
    %add3A_423 = arith.addf %add3A_407, %div3A_422 : vector<2000x1xf32>
    %div3A_424 = arith.divf %exp3A_417, %add3A_419 : vector<2000x1xf32>
    %add3A_425 = arith.addf %add3A_409, %div3A_424 : vector<2000x1xf32>
    %mul3A_426 = arith.constant 2.500000e-01 : f32
    %mul3A_427 = vector.broadcast %mul3A_426 : f32 to vector<2000x1xf32>
    %mul3A_428 = arith.mulf %add3A_421, %mul3A_427 : vector<2000x1xf32>
    %mul3A_429 = arith.constant 2.500000e-01 : f32
    %mul3A_430 = vector.broadcast %mul3A_429 : f32 to vector<2000x1xf32>
    %mul3A_431 = arith.mulf %add3A_423, %mul3A_430 : vector<2000x1xf32>
    %mul3A_432 = arith.constant 2.500000e-01 : f32
    %mul3A_433 = vector.broadcast %mul3A_432 : f32 to vector<2000x1xf32>
    %mul3A_434 = arith.mulf %add3A_425, %mul3A_433 : vector<2000x1xf32>
    %max3A_435 = arith.maximumf %mul3A_192, %mul3A_221 : vector<2000x1xf32>
    %max3A_436 = arith.maximumf %max3A_435, %mul3A_250 : vector<2000x1xf32>
    %sub3A_437 = arith.subf %mul3A_192, %max3A_436 : vector<2000x1xf32>
    %exp3A_438 = math.exp %sub3A_437 : vector<2000x1xf32>
    %sub3A_439 = arith.subf %mul3A_221, %max3A_436 : vector<2000x1xf32>
    %exp3A_440 = math.exp %sub3A_439 : vector<2000x1xf32>
    %sub3A_441 = arith.subf %mul3A_250, %max3A_436 : vector<2000x1xf32>
    %exp3A_442 = math.exp %sub3A_441 : vector<2000x1xf32>
    %add3A_443 = arith.addf %exp3A_438, %exp3A_440 : vector<2000x1xf32>
    %add3A_444 = arith.addf %add3A_443, %exp3A_442 : vector<2000x1xf32>
    %div3A_445 = arith.divf %exp3A_438, %add3A_444 : vector<2000x1xf32>
    %add3A_446 = arith.constant 0.000000e+00 : f32
    %add3A_447 = vector.broadcast %add3A_446 : f32 to vector<2000x1xf32>
    %add3A_448 = arith.addf %add3A_447, %div3A_445 : vector<2000x1xf32>
    %div3A_449 = arith.divf %exp3A_440, %add3A_444 : vector<2000x1xf32>
    %add3A_450 = arith.constant 0.000000e+00 : f32
    %add3A_451 = vector.broadcast %add3A_450 : f32 to vector<2000x1xf32>
    %add3A_452 = arith.addf %add3A_451, %div3A_449 : vector<2000x1xf32>
    %div3A_453 = arith.divf %exp3A_442, %add3A_444 : vector<2000x1xf32>
    %add3A_454 = arith.constant 0.000000e+00 : f32
    %add3A_455 = vector.broadcast %add3A_454 : f32 to vector<2000x1xf32>
    %add3A_456 = arith.addf %add3A_455, %div3A_453 : vector<2000x1xf32>
    %max3A_457 = arith.maximumf %mul3A_199, %mul3A_228 : vector<2000x1xf32>
    %max3A_458 = arith.maximumf %max3A_457, %mul3A_257 : vector<2000x1xf32>
    %sub3A_459 = arith.subf %mul3A_199, %max3A_458 : vector<2000x1xf32>
    %exp3A_460 = math.exp %sub3A_459 : vector<2000x1xf32>
    %sub3A_461 = arith.subf %mul3A_228, %max3A_458 : vector<2000x1xf32>
    %exp3A_462 = math.exp %sub3A_461 : vector<2000x1xf32>
    %sub3A_463 = arith.subf %mul3A_257, %max3A_458 : vector<2000x1xf32>
    %exp3A_464 = math.exp %sub3A_463 : vector<2000x1xf32>
    %add3A_465 = arith.addf %exp3A_460, %exp3A_462 : vector<2000x1xf32>
    %add3A_466 = arith.addf %add3A_465, %exp3A_464 : vector<2000x1xf32>
    %div3A_467 = arith.divf %exp3A_460, %add3A_466 : vector<2000x1xf32>
    %add3A_468 = arith.addf %add3A_448, %div3A_467 : vector<2000x1xf32>
    %div3A_469 = arith.divf %exp3A_462, %add3A_466 : vector<2000x1xf32>
    %add3A_470 = arith.addf %add3A_452, %div3A_469 : vector<2000x1xf32>
    %div3A_471 = arith.divf %exp3A_464, %add3A_466 : vector<2000x1xf32>
    %add3A_472 = arith.addf %add3A_456, %div3A_471 : vector<2000x1xf32>
    %max3A_473 = arith.maximumf %mul3A_206, %mul3A_235 : vector<2000x1xf32>
    %max3A_474 = arith.maximumf %max3A_473, %mul3A_264 : vector<2000x1xf32>
    %sub3A_475 = arith.subf %mul3A_206, %max3A_474 : vector<2000x1xf32>
    %exp3A_476 = math.exp %sub3A_475 : vector<2000x1xf32>
    %sub3A_477 = arith.subf %mul3A_235, %max3A_474 : vector<2000x1xf32>
    %exp3A_478 = math.exp %sub3A_477 : vector<2000x1xf32>
    %sub3A_479 = arith.subf %mul3A_264, %max3A_474 : vector<2000x1xf32>
    %exp3A_480 = math.exp %sub3A_479 : vector<2000x1xf32>
    %add3A_481 = arith.addf %exp3A_476, %exp3A_478 : vector<2000x1xf32>
    %add3A_482 = arith.addf %add3A_481, %exp3A_480 : vector<2000x1xf32>
    %div3A_483 = arith.divf %exp3A_476, %add3A_482 : vector<2000x1xf32>
    %add3A_484 = arith.addf %add3A_468, %div3A_483 : vector<2000x1xf32>
    %div3A_485 = arith.divf %exp3A_478, %add3A_482 : vector<2000x1xf32>
    %add3A_486 = arith.addf %add3A_470, %div3A_485 : vector<2000x1xf32>
    %div3A_487 = arith.divf %exp3A_480, %add3A_482 : vector<2000x1xf32>
    %add3A_488 = arith.addf %add3A_472, %div3A_487 : vector<2000x1xf32>
    %max3A_489 = arith.maximumf %mul3A_213, %mul3A_242 : vector<2000x1xf32>
    %max3A_490 = arith.maximumf %max3A_489, %mul3A_271 : vector<2000x1xf32>
    %sub3A_491 = arith.subf %mul3A_213, %max3A_490 : vector<2000x1xf32>
    %exp3A_492 = math.exp %sub3A_491 : vector<2000x1xf32>
    %sub3A_493 = arith.subf %mul3A_242, %max3A_490 : vector<2000x1xf32>
    %exp3A_494 = math.exp %sub3A_493 : vector<2000x1xf32>
    %sub3A_495 = arith.subf %mul3A_271, %max3A_490 : vector<2000x1xf32>
    %exp3A_496 = math.exp %sub3A_495 : vector<2000x1xf32>
    %add3A_497 = arith.addf %exp3A_492, %exp3A_494 : vector<2000x1xf32>
    %add3A_498 = arith.addf %add3A_497, %exp3A_496 : vector<2000x1xf32>
    %div3A_499 = arith.divf %exp3A_492, %add3A_498 : vector<2000x1xf32>
    %add3A_500 = arith.addf %add3A_484, %div3A_499 : vector<2000x1xf32>
    %div3A_501 = arith.divf %exp3A_494, %add3A_498 : vector<2000x1xf32>
    %add3A_502 = arith.addf %add3A_486, %div3A_501 : vector<2000x1xf32>
    %div3A_503 = arith.divf %exp3A_496, %add3A_498 : vector<2000x1xf32>
    %add3A_504 = arith.addf %add3A_488, %div3A_503 : vector<2000x1xf32>
    %mul3A_505 = arith.constant 2.500000e-01 : f32
    %mul3A_506 = vector.broadcast %mul3A_505 : f32 to vector<2000x1xf32>
    %mul3A_507 = arith.mulf %add3A_500, %mul3A_506 : vector<2000x1xf32>
    %mul3A_508 = arith.constant 2.500000e-01 : f32
    %mul3A_509 = vector.broadcast %mul3A_508 : f32 to vector<2000x1xf32>
    %mul3A_510 = arith.mulf %add3A_502, %mul3A_509 : vector<2000x1xf32>
    %mul3A_511 = arith.constant 2.500000e-01 : f32
    %mul3A_512 = vector.broadcast %mul3A_511 : f32 to vector<2000x1xf32>
    %mul3A_513 = arith.mulf %add3A_504, %mul3A_512 : vector<2000x1xf32>
    %max3A_514 = arith.maximumf %mul3A_279, %mul3A_308 : vector<2000x1xf32>
    %max3A_515 = arith.maximumf %max3A_514, %mul3A_337 : vector<2000x1xf32>
    %sub3A_516 = arith.subf %mul3A_279, %max3A_515 : vector<2000x1xf32>
    %exp3A_517 = math.exp %sub3A_516 : vector<2000x1xf32>
    %sub3A_518 = arith.subf %mul3A_308, %max3A_515 : vector<2000x1xf32>
    %exp3A_519 = math.exp %sub3A_518 : vector<2000x1xf32>
    %sub3A_520 = arith.subf %mul3A_337, %max3A_515 : vector<2000x1xf32>
    %exp3A_521 = math.exp %sub3A_520 : vector<2000x1xf32>
    %add3A_522 = arith.addf %exp3A_517, %exp3A_519 : vector<2000x1xf32>
    %add3A_523 = arith.addf %add3A_522, %exp3A_521 : vector<2000x1xf32>
    %div3A_524 = arith.divf %exp3A_517, %add3A_523 : vector<2000x1xf32>
    %add3A_525 = arith.constant 0.000000e+00 : f32
    %add3A_526 = vector.broadcast %add3A_525 : f32 to vector<2000x1xf32>
    %add3A_527 = arith.addf %add3A_526, %div3A_524 : vector<2000x1xf32>
    %div3A_528 = arith.divf %exp3A_519, %add3A_523 : vector<2000x1xf32>
    %add3A_529 = arith.constant 0.000000e+00 : f32
    %add3A_530 = vector.broadcast %add3A_529 : f32 to vector<2000x1xf32>
    %add3A_531 = arith.addf %add3A_530, %div3A_528 : vector<2000x1xf32>
    %div3A_532 = arith.divf %exp3A_521, %add3A_523 : vector<2000x1xf32>
    %add3A_533 = arith.constant 0.000000e+00 : f32
    %add3A_534 = vector.broadcast %add3A_533 : f32 to vector<2000x1xf32>
    %add3A_535 = arith.addf %add3A_534, %div3A_532 : vector<2000x1xf32>
    %max3A_536 = arith.maximumf %mul3A_286, %mul3A_315 : vector<2000x1xf32>
    %max3A_537 = arith.maximumf %max3A_536, %mul3A_344 : vector<2000x1xf32>
    %sub3A_538 = arith.subf %mul3A_286, %max3A_537 : vector<2000x1xf32>
    %exp3A_539 = math.exp %sub3A_538 : vector<2000x1xf32>
    %sub3A_540 = arith.subf %mul3A_315, %max3A_537 : vector<2000x1xf32>
    %exp3A_541 = math.exp %sub3A_540 : vector<2000x1xf32>
    %sub3A_542 = arith.subf %mul3A_344, %max3A_537 : vector<2000x1xf32>
    %exp3A_543 = math.exp %sub3A_542 : vector<2000x1xf32>
    %add3A_544 = arith.addf %exp3A_539, %exp3A_541 : vector<2000x1xf32>
    %add3A_545 = arith.addf %add3A_544, %exp3A_543 : vector<2000x1xf32>
    %div3A_546 = arith.divf %exp3A_539, %add3A_545 : vector<2000x1xf32>
    %add3A_547 = arith.addf %add3A_527, %div3A_546 : vector<2000x1xf32>
    %div3A_548 = arith.divf %exp3A_541, %add3A_545 : vector<2000x1xf32>
    %add3A_549 = arith.addf %add3A_531, %div3A_548 : vector<2000x1xf32>
    %div3A_550 = arith.divf %exp3A_543, %add3A_545 : vector<2000x1xf32>
    %add3A_551 = arith.addf %add3A_535, %div3A_550 : vector<2000x1xf32>
    %max3A_552 = arith.maximumf %mul3A_293, %mul3A_322 : vector<2000x1xf32>
    %max3A_553 = arith.maximumf %max3A_552, %mul3A_351 : vector<2000x1xf32>
    %sub3A_554 = arith.subf %mul3A_293, %max3A_553 : vector<2000x1xf32>
    %exp3A_555 = math.exp %sub3A_554 : vector<2000x1xf32>
    %sub3A_556 = arith.subf %mul3A_322, %max3A_553 : vector<2000x1xf32>
    %exp3A_557 = math.exp %sub3A_556 : vector<2000x1xf32>
    %sub3A_558 = arith.subf %mul3A_351, %max3A_553 : vector<2000x1xf32>
    %exp3A_559 = math.exp %sub3A_558 : vector<2000x1xf32>
    %add3A_560 = arith.addf %exp3A_555, %exp3A_557 : vector<2000x1xf32>
    %add3A_561 = arith.addf %add3A_560, %exp3A_559 : vector<2000x1xf32>
    %div3A_562 = arith.divf %exp3A_555, %add3A_561 : vector<2000x1xf32>
    %add3A_563 = arith.addf %add3A_547, %div3A_562 : vector<2000x1xf32>
    %div3A_564 = arith.divf %exp3A_557, %add3A_561 : vector<2000x1xf32>
    %add3A_565 = arith.addf %add3A_549, %div3A_564 : vector<2000x1xf32>
    %div3A_566 = arith.divf %exp3A_559, %add3A_561 : vector<2000x1xf32>
    %add3A_567 = arith.addf %add3A_551, %div3A_566 : vector<2000x1xf32>
    %max3A_568 = arith.maximumf %mul3A_300, %mul3A_329 : vector<2000x1xf32>
    %max3A_569 = arith.maximumf %max3A_568, %mul3A_358 : vector<2000x1xf32>
    %sub3A_570 = arith.subf %mul3A_300, %max3A_569 : vector<2000x1xf32>
    %exp3A_571 = math.exp %sub3A_570 : vector<2000x1xf32>
    %sub3A_572 = arith.subf %mul3A_329, %max3A_569 : vector<2000x1xf32>
    %exp3A_573 = math.exp %sub3A_572 : vector<2000x1xf32>
    %sub3A_574 = arith.subf %mul3A_358, %max3A_569 : vector<2000x1xf32>
    %exp3A_575 = math.exp %sub3A_574 : vector<2000x1xf32>
    %add3A_576 = arith.addf %exp3A_571, %exp3A_573 : vector<2000x1xf32>
    %add3A_577 = arith.addf %add3A_576, %exp3A_575 : vector<2000x1xf32>
    %div3A_578 = arith.divf %exp3A_571, %add3A_577 : vector<2000x1xf32>
    %add3A_579 = arith.addf %add3A_563, %div3A_578 : vector<2000x1xf32>
    %div3A_580 = arith.divf %exp3A_573, %add3A_577 : vector<2000x1xf32>
    %add3A_581 = arith.addf %add3A_565, %div3A_580 : vector<2000x1xf32>
    %div3A_582 = arith.divf %exp3A_575, %add3A_577 : vector<2000x1xf32>
    %add3A_583 = arith.addf %add3A_567, %div3A_582 : vector<2000x1xf32>
    %mul3A_584 = arith.constant 2.500000e-01 : f32
    %mul3A_585 = vector.broadcast %mul3A_584 : f32 to vector<2000x1xf32>
    %mul3A_586 = arith.mulf %add3A_579, %mul3A_585 : vector<2000x1xf32>
    %mul3A_587 = arith.constant 2.500000e-01 : f32
    %mul3A_588 = vector.broadcast %mul3A_587 : f32 to vector<2000x1xf32>
    %mul3A_589 = arith.mulf %add3A_581, %mul3A_588 : vector<2000x1xf32>
    %mul3A_590 = arith.constant 2.500000e-01 : f32
    %mul3A_591 = vector.broadcast %mul3A_590 : f32 to vector<2000x1xf32>
    %mul3A_592 = arith.mulf %add3A_583, %mul3A_591 : vector<2000x1xf32>
    %concatenate3A = tpu.concatenate %mul3A_428, %mul3A_431, %mul3A_434, %mul3A_507, %mul3A_510, %mul3A_513, %mul3A_586, %mul3A_589, %mul3A_592 in 1 : vector<2000x1xf32>, vector<2000x1xf32>, vector<2000x1xf32>, vector<2000x1xf32>, vector<2000x1xf32>, vector<2000x1xf32>, vector<2000x1xf32>, vector<2000x1xf32>, vector<2000x1xf32> -> vector<2000x9xf32>
    %swap3A_593 = arith.constant 0 : index
    %swap3A_594 = arith.constant 0 : index
    %swap3A_595 = vector.load %arg23[%swap3A_593, %swap3A_594] : memref<2000x9xf32, #tpu.memory_space<vmem>>, vector<2000x9xf32>
    tpu.vector_store %arg23[%swap3A_593, %swap3A_594], %concatenate3A {strides = array<i32>} : memref<2000x9xf32, #tpu.memory_space<vmem>>, vector<2000x9xf32>,
    %get3A_596 = arith.constant 0 : index
    %get3A_597 = arith.constant 0 : index
    %get3A_598 = vector.load %arg15[%get3A_596, %get3A_597] : memref<128x128xf32, #tpu.memory_space<vmem>>, vector<128x128xf32>
    %dot_general3A_599 = arith.constant dense<0.000000e+00> : vector<2000x128xf32>
    %dot_general3A_600 = tpu.matmul %get3A_49, %get3A_598, %dot_general3A_599 {dimension_numbers = #tpu.dot_dimension_numbers<[1], [0], [0], [1], [0, 0, 1, 1], [], []>, transpose_lhs_hint = false} : vector<2000x128xf32>, vector<128x128xf32>, vector<2000x128xf32> -> vector<2000x128xf32>
    %get3A_601 = arith.constant 0 : index
    %get3A_602 = arith.constant 0 : index
    %get3A_603 = vector.load %arg16[%get3A_601, %get3A_602] : memref<128x128xf32, #tpu.memory_space<vmem>>, vector<128x128xf32>
    %dot_general3A_604 = arith.constant dense<0.000000e+00> : vector<2000x128xf32>
    %dot_general3A_605 = tpu.matmul %get3A_52, %get3A_603, %dot_general3A_604 {dimension_numbers = #tpu.dot_dimension_numbers<[1], [0], [0], [1], [0, 0, 1, 1], [], []>, transpose_lhs_hint = false} : vector<2000x128xf32>, vector<128x128xf32>, vector<2000x128xf32> -> vector<2000x128xf32>
    %add3A_606 = arith.addf %dot_general3A_600, %dot_general3A_605 : vector<2000x128xf32>
    %get3A_607 = arith.constant 0 : index
    %get3A_608 = arith.constant 0 : index
    %get3A_609 = vector.load %arg17[%get3A_607, %get3A_608] : memref<128x128xf32, #tpu.memory_space<vmem>>, vector<128x128xf32>
    %dot_general3A_610 = arith.constant dense<0.000000e+00> : vector<2000x128xf32>
    %dot_general3A_611 = tpu.matmul %add3A_44, %get3A_609, %dot_general3A_610 {dimension_numbers = #tpu.dot_dimension_numbers<[1], [0], [0], [1], [0, 0, 1, 1], [], []>, transpose_lhs_hint = false} : vector<2000x128xf32>, vector<128x128xf32>, vector<2000x128xf32> -> vector<2000x128xf32>
    %add3A_612 = arith.addf %add3A_606, %dot_general3A_611 : vector<2000x128xf32>
    %get3A_613 = arith.constant 0 : index
    %get3A_614 = arith.constant 0 : index
    %get3A_615 = vector.load %arg18[%get3A_613, %get3A_614] : memref<1x128xf32, #tpu.memory_space<vmem>>, vector<1x128xf32>
    %add3A_616 = vector.broadcast %get3A_615 : vector<1x128xf32> to vector<2000x128xf32>
    %add3A_617 = arith.addf %add3A_612, %add3A_616 : vector<2000x128xf32>
    %reduce_sum3A_618 = arith.constant dense<0.000000e+00> : vector<2000xf32>
    %reduce_sum3A_619 = vector.multi_reduction <add>, %add3A_617, %reduce_sum3A_618 [1] : vector<2000x128xf32> to vector<2000xf32>
    %broadcast_in_dim3A_620 = vector.shape_cast %reduce_sum3A_619 : vector<2000xf32> to vector<2000x1xf32>
    %div3A_621 = arith.constant 1.280000e+02 : f32
    %div3A_622 = vector.broadcast %div3A_621 : f32 to vector<2000x1xf32>
    %div3A_623 = arith.divf %broadcast_in_dim3A_620, %div3A_622 : vector<2000x1xf32>
    %sub3A_624 = vector.broadcast %div3A_623 : vector<2000x1xf32> to vector<2000x128xf32>
    %sub3A_625 = arith.subf %add3A_617, %sub3A_624 : vector<2000x128xf32>
    %mul3A_626 = arith.mulf %sub3A_625, %sub3A_625 : vector<2000x128xf32>
    %reduce_sum3A_627 = arith.constant dense<0.000000e+00> : vector<2000xf32>
    %reduce_sum3A_628 = vector.multi_reduction <add>, %mul3A_626, %reduce_sum3A_627 [1] : vector<2000x128xf32> to vector<2000xf32>
    %broadcast_in_dim3A_629 = vector.shape_cast %reduce_sum3A_628 : vector<2000xf32> to vector<2000x1xf32>
    %div3A_630 = arith.constant 1.280000e+02 : f32
    %div3A_631 = vector.broadcast %div3A_630 : f32 to vector<2000x1xf32>
    %div3A_632 = arith.divf %broadcast_in_dim3A_629, %div3A_631 : vector<2000x1xf32>
    %add3A_633 = arith.constant 9.99999974E-6 : f32
    %add3A_634 = vector.broadcast %add3A_633 : f32 to vector<2000x1xf32>
    %add3A_635 = arith.addf %div3A_632, %add3A_634 : vector<2000x1xf32>
    %rsqrt3A = math.rsqrt %add3A_635 : vector<2000x1xf32>
    %mul3A_636 = vector.broadcast %rsqrt3A : vector<2000x1xf32> to vector<2000x128xf32>
    %mul3A_637 = arith.mulf %sub3A_625, %mul3A_636 : vector<2000x128xf32>
    %get3A_638 = arith.constant 0 : index
    %get3A_639 = arith.constant 0 : index
    %get3A_640 = vector.load %arg19[%get3A_638, %get3A_639] : memref<1x128xf32, #tpu.memory_space<vmem>>, vector<1x128xf32>
    %mul3A_641 = vector.broadcast %get3A_640 : vector<1x128xf32> to vector<2000x128xf32>
    %mul3A_642 = arith.mulf %mul3A_637, %mul3A_641 : vector<2000x128xf32>
    %get3A_643 = arith.constant 0 : index
    %get3A_644 = arith.constant 0 : index
    %get3A_645 = vector.load %arg20[%get3A_643, %get3A_644] : memref<1x128xf32, #tpu.memory_space<vmem>>, vector<1x128xf32>
    %add3A_646 = vector.broadcast %get3A_645 : vector<1x128xf32> to vector<2000x128xf32>
    %add3A_647 = arith.addf %mul3A_642, %add3A_646 : vector<2000x128xf32>
    %max3A_648 = arith.constant 0.000000e+00 : f32
    %max3A_649 = vector.broadcast %max3A_648 : f32 to vector<2000x128xf32>
    %max3A_650 = arith.maximumf %add3A_647, %max3A_649 : vector<2000x128xf32>
    %swap3A_651 = arith.constant 0 : index
    %swap3A_652 = arith.constant 0 : index
    %swap3A_653 = vector.load %arg22[%swap3A_651, %swap3A_652] : memref<2000x128xf32, #tpu.memory_space<vmem>>, vector<2000x128xf32>
    tpu.vector_store %arg22[%swap3A_651, %swap3A_652], %max3A_650 {strides = array<i32>} : memref<2000x128xf32, #tpu.memory_space<vmem>>, vector<2000x128xf32>,
    return
  }
  func.func @transform_0(%arg0: i32) -> (i32, i32) {
    %c0_i32 = arith.constant 0 : i32
    %c0_i32_0 = arith.constant 0 : i32
    return %arg0, %c0_i32 : i32, i32
  }
  func.func @transform_1(%arg0: i32) -> (i32, i32) {
    %c0_i32 = arith.constant 0 : i32
    %c0_i32_0 = arith.constant 0 : i32
    return %arg0, %c0_i32 : i32, i32
  }
  func.func @transform_2(%arg0: i32) -> (i32, i32) {
    %c0_i32 = arith.constant 0 : i32
    %c0_i32_0 = arith.constant 0 : i32
    return %arg0, %c0_i32 : i32, i32
  }
  func.func @transform_3(%arg0: i32) -> (i32, i32) {
    %c0_i32 = arith.constant 0 : i32
    %c0_i32_0 = arith.constant 0 : i32
    return %arg0, %c0_i32 : i32, i32
  }
  func.func @transform_4(%arg0: i32) -> (i32, i32) {
    %c0_i32 = arith.constant 0 : i32
    %c0_i32_0 = arith.constant 0 : i32
    return %arg0, %c0_i32 : i32, i32
  }
  func.func @transform_5(%arg0: i32) -> (i32, i32) {
    %c0_i32 = arith.constant 0 : i32
    %c0_i32_0 = arith.constant 0 : i32
    return %arg0, %c0_i32 : i32, i32
  }
  func.func @transform_6(%arg0: i32) -> (i32, i32) {
    %c0_i32 = arith.constant 0 : i32
    %c0_i32_0 = arith.constant 0 : i32
    %c0_i32_1 = arith.constant 0 : i32
    return %c0_i32, %c0_i32_0 : i32, i32
  }
  func.func @transform_7(%arg0: i32) -> (i32, i32) {
    %c0_i32 = arith.constant 0 : i32
    %c0_i32_0 = arith.constant 0 : i32
    %c0_i32_1 = arith.constant 0 : i32
    return %c0_i32, %c0_i32_0 : i32, i32
  }
  func.func @transform_8(%arg0: i32) -> (i32, i32) {
    %c0_i32 = arith.constant 0 : i32
    %c0_i32_0 = arith.constant 0 : i32
    %c0_i32_1 = arith.constant 0 : i32
    return %c0_i32, %c0_i32_0 : i32, i32
  }
  func.func @transform_9(%arg0: i32) -> (i32, i32) {
    %c0_i32 = arith.constant 0 : i32
    %c0_i32_0 = arith.constant 0 : i32
    %c0_i32_1 = arith.constant 0 : i32
    return %c0_i32, %c0_i32_0 : i32, i32
  }
  func.func @transform_10(%arg0: i32) -> (i32, i32) {
    %c0_i32 = arith.constant 0 : i32
    %c0_i32_0 = arith.constant 0 : i32
    %c0_i32_1 = arith.constant 0 : i32
    return %c0_i32, %c0_i32_0 : i32, i32
  }
  func.func @transform_11(%arg0: i32) -> (i32, i32) {
    %c0_i32 = arith.constant 0 : i32
    %c0_i32_0 = arith.constant 0 : i32
    %c0_i32_1 = arith.constant 0 : i32
    return %c0_i32, %c0_i32_0 : i32, i32
  }
  func.func @transform_12(%arg0: i32) -> (i32, i32) {
    %c0_i32 = arith.constant 0 : i32
    %c0_i32_0 = arith.constant 0 : i32
    %c0_i32_1 = arith.constant 0 : i32
    return %c0_i32, %c0_i32_0 : i32, i32
  }
  func.func @transform_13(%arg0: i32) -> (i32, i32) {
    %c0_i32 = arith.constant 0 : i32
    %c0_i32_0 = arith.constant 0 : i32
    %c0_i32_1 = arith.constant 0 : i32
    return %c0_i32, %c0_i32_0 : i32, i32
  }
  func.func @transform_14(%arg0: i32) -> (i32, i32) {
    %c0_i32 = arith.constant 0 : i32
    %c0_i32_0 = arith.constant 0 : i32
    %c0_i32_1 = arith.constant 0 : i32
    return %c0_i32, %c0_i32_0 : i32, i32
  }
  func.func @transform_15(%arg0: i32) -> (i32, i32) {
    %c0_i32 = arith.constant 0 : i32
    %c0_i32_0 = arith.constant 0 : i32
    %c0_i32_1 = arith.constant 0 : i32
    return %c0_i32, %c0_i32_0 : i32, i32
  }
  func.func @transform_16(%arg0: i32) -> (i32, i32) {
    %c0_i32 = arith.constant 0 : i32
    %c0_i32_0 = arith.constant 0 : i32
    %c0_i32_1 = arith.constant 0 : i32
    return %c0_i32, %c0_i32_0 : i32, i32
  }
  func.func @transform_17(%arg0: i32) -> (i32, i32) {
    %c0_i32 = arith.constant 0 : i32
    %c0_i32_0 = arith.constant 0 : i32
    %c0_i32_1 = arith.constant 0 : i32
    return %c0_i32, %c0_i32_0 : i32, i32
  }
  func.func @transform_18(%arg0: i32) -> (i32, i32) {
    %c0_i32 = arith.constant 0 : i32
    %c0_i32_0 = arith.constant 0 : i32
    %c0_i32_1 = arith.constant 0 : i32
    return %c0_i32, %c0_i32_0 : i32, i32
  }
  func.func @transform_19(%arg0: i32) -> (i32, i32) {
    %c0_i32 = arith.constant 0 : i32
    %c0_i32_0 = arith.constant 0 : i32
    %c0_i32_1 = arith.constant 0 : i32
    return %c0_i32, %c0_i32_0 : i32, i32
  }
  func.func @transform_20(%arg0: i32) -> (i32, i32) {
    %c0_i32 = arith.constant 0 : i32
    %c0_i32_0 = arith.constant 0 : i32
    return %arg0, %c0_i32 : i32, i32
  }
  func.func @transform_21(%arg0: i32) -> (i32, i32) {
    %c0_i32 = arith.constant 0 : i32
    %c0_i32_0 = arith.constant 0 : i32
    return %arg0, %c0_i32 : i32, i32
  }
  func.func @transform_22(%arg0: i32) -> (i32, i32) {
    %c0_i32 = arith.constant 0 : i32
    %c0_i32_0 = arith.constant 0 : i32
    return %arg0, %c0_i32 : i32, i32
  }
}

</mosaic_0001>

<sc_bundles>
// kernel: kernel.10.cloned.1.call-start
scs
__scs_entry_jumppad:
0x0: {  	(pc) =	sbr.rel $0x88, $3  }
0x1: {  	(tag) =	ssettag $0x0;
	lr =	simm.s32 $0x1  }
0x2: {  	[smem:$0x3F8B] =	sst lr;
	_ =	strace $0xD0000000  }
0x3: {  	_ = 	snop  }
0x4: {  	_ = 	snop  }
0x5: {  	_ = 	snop  }
0x6: {  	_ = 	snop  }
0x7: {  	_ = 	snop  }
__scs_overlays_trampoline_lowered:
0x8: {  	[smem:$0x3F9A] =	sst s0  }
0x9: {  	[smem:$0x3F9B] =	sst s1  }
0xa: {  	[smem:$0x3F9C] =	sst s2  }
0xb: {  	[smem:$0x3F9D] =	sst s3  }
0xc: {  	[smem:$0x3F9E] =	sst s4  }
0xd: {  	[smem:$0x3F9F] =	sst s5  }
0xe: {  	[smem:$0x3FA0] =	sst s6  }
0xf: {  	[smem:$0x3FA1] =	sst s7  }
0x10: {  	[smem:$0x3FA2] =	sst s8  }
0x11: {  	[smem:$0x3FA3] =	sst s9;
	s0 =	simm.s32 @!p0 $0x0  }
0x12: {  	s1 =	sld [smem:$0x3F89];
	s0 =	simm.s32 @p0 $0x1  }
0x13: {  	[smem:$0x3FA4] =	sst s0;
	s0 =	simm.s32 @!p1 $0x0  }
0x14: {  	s2 =	sld [smem:$0x3F88];
	s0 =	simm.s32 @p1 $0x1  }
0x15: {  	[smem:$0x3FA5] =	sst s0;
	s0 =	simm.s32 @!p2 $0x0  }
0x16: {  	s3 =	sld [smem:$0x3FDB];
	s0 =	simm.s32 @p2 $0x1  }
0x17: {  	s4 =	simm.s32 $0x1BF5;
	[smem:$0x3FA7] =	sst s0  }
0x18: {  	s0 =	sld [smem:$0x3F8A];
	_ =	swait.ge [sflag:s4], $0x0  }
0x19: {  	s7 =	sld [smem:$0x3F8B]  }
0x1a: {  	s8 =	sadd.s32 $0xFFFFE003, lr  }
0x1b: {  	s9 =	sadd.s32 $0xFFFFFEF7, lr;
	s5 =	simm.s32 $0xFFFFFFFF;
	p2 =	slt.u32 s8, $0xFFFFF086  }
0x1c: {  	p1 =	slt.u32 s9, $0xF7A;
	s5 =	simm.s32 @!p2 $0x0  }
0x1d: {  	s5 =	simm.s32 @p1 $0x1;
	p0 =	seq.s32 s7, s2  }
0x1e: {  	s7 =	smul.u32 @!p0 $0xF7A, s2;
	p2 =	seq.s32 @!p0 s5, $0x0  }
0x1f: {  	s9 =	smul.u32 $0xF7A, s1;
	s8 =	simm.s32 @!p0 $0x1BF5;
	p2 =	por !p2, p0  }
0x20: {  	[sflag:s8] =	ssyncset.s32 @!p0 $0xFFFFF086;
	s6 =	sadd.s32 @!p0 s3, s7;
	s7 =	simm.s32 @!p0 $0x108  }
0x21: {  	s3 =	sadd.s32 s3, s9;
	s6 =	sadd.s32 @!p0 $0x88, s6;
	s7 =	simm.s32 @p2 $0x1082  }
0x22: {  	[simem:s7], [sflag:s8] =	dma.local @!p0 [hbm:s6], $0xF7A  }
0x23: {  	s9 =	sor.u32 $0xD0000000, s2;
	s6 =	simm.s32 $0x108;
	_ =	swait.ge @!p0 [sflag:s8], $0x0  }
0x24: {  	s3 =	sadd.s32 $0x88, s3;
	s6 =	simm.s32 @!p1 $0x1082;
	[sflag:s4] =	ssyncset.s32 $0xFFFFF086  }
0x25: {  	[simem:s6], [sflag:s4] =	dma.local [hbm:s3], $0xF7A  }
0x26: {  	[smem:$0x3F8B] =	sst s1;
	(tag) =	ssettag s2;
	_ =	strace s9  }
0x27: {  	s1 =	sld [smem:$0x3F9B]  }
0x28: {  	s2 =	sld [smem:$0x3F9C]  }
0x29: {  	s4 =	sld [smem:$0x3F9E]  }
0x2a: {  	p0 =	seq.s32 s5, $0x0;
	s5 =	sld [smem:$0x3F9F]  }
0x2b: {  	s6 =	sld [smem:$0x3FA0]  }
0x2c: {  	s7 =	sld [smem:$0x3FA1]  }
0x2d: {  	s3 =	simm.s32 $0x108;
	s8 =	sld [smem:$0x3FA2]  }
0x2e: {  	s3 =	simm.s32 @!p0 $0x1082;
	s9 =	sld [smem:$0x3FA3]  }
0x2f: {  	lr =	sadd.s32 s0, s3;
	s0 =	sld [smem:$0x3F9A]  }
0x30: {  	s3 =	sld [smem:$0x3F9D]  }
0x31: {  	[smem:$0x3FA6] =	sst s10  }
0x32: {  	s10 =	sld [smem:$0x3FA4];
	_ =	sdelay $0x3  }
0x33: {  	p0 =	seq.s32 s10, $0x1;
	s10 =	sld [smem:$0x3FA6];
	_ =	sdelay $0x3  }
0x34: {  	[smem:$0x3FA6] =	sst s10  }
0x35: {  	s10 =	sld [smem:$0x3FA5];
	_ =	sdelay $0x3  }
0x36: {  	p1 =	seq.s32 s10, $0x1;
	s10 =	sld [smem:$0x3FA6];
	_ =	sdelay $0x3  }
0x37: {  	[smem:$0x3FA6] =	sst s10  }
0x38: {  	s10 =	sld [smem:$0x3FA7]  }
0x39: {  	_ = 	snop;
	(pc) =	sbr.ind lr, $3  }
0x3a: {  	_ = 	snop  }
0x3b: {  	_ = 	snop  }
0x3c: {  	p2 =	seq.s32 s10, $0x1;
	s10 =	sld [smem:$0x3FA6]  }
0x3d: {  	_ =	shalt  }
0x3e: {  	_ =	shalt  }
0x3f: {  	_ =	shalt  }
0x40: {  	_ =	shalt  }
0x41: {  	_ =	shalt  }
0x42: {  	_ =	shalt  }
0x43: {  	_ =	shalt  }
0x44: {  	_ =	shalt  }
0x45: {  	_ =	shalt  }
0x46: {  	_ =	shalt  }
0x47: {  	_ =	shalt  }
0x48: {  	_ =	shalt  }
0x49: {  	_ =	shalt  }
0x4a: {  	_ =	shalt  }
0x4b: {  	_ =	shalt  }
0x4c: {  	_ =	shalt  }
0x4d: {  	_ =	shalt  }
0x4e: {  	_ =	shalt  }
0x4f: {  	_ =	shalt  }
0x50: {  	_ =	shalt  }
0x51: {  	_ =	shalt  }
0x52: {  	_ =	shalt  }
0x53: {  	_ =	shalt  }
0x54: {  	_ =	shalt  }
0x55: {  	_ =	shalt  }
0x56: {  	_ =	shalt  }
0x57: {  	_ =	shalt  }
0x58: {  	_ =	shalt  }
0x59: {  	_ =	shalt  }
0x5a: {  	_ =	shalt  }
0x5b: {  	_ =	shalt  }
0x5c: {  	_ =	shalt  }
0x5d: {  	_ =	shalt  }
0x5e: {  	_ =	shalt  }
0x5f: {  	_ =	shalt  }
0x60: {  	_ =	shalt  }
0x61: {  	_ =	shalt  }
0x62: {  	_ =	shalt  }
0x63: {  	_ =	shalt  }
0x64: {  	_ =	shalt  }
0x65: {  	_ =	shalt  }
0x66: {  	_ =	shalt  }
0x67: {  	_ =	shalt  }
0x68: {  	_ =	shalt  }
0x69: {  	_ =	shalt  }
0x6a: {  	_ =	shalt  }
0x6b: {  	_ =	shalt  }
0x6c: {  	_ =	shalt  }
0x6d: {  	_ =	shalt  }
0x6e: {  	_ =	shalt  }
0x6f: {  	_ =	shalt  }
0x70: {  	_ =	shalt  }
0x71: {  	_ =	shalt  }
0x72: {  	_ =	shalt  }
0x73: {  	_ =	shalt  }
0x74: {  	_ =	shalt  }
0x75: {  	_ =	shalt  }
0x76: {  	_ =	shalt  }
0x77: {  	_ =	shalt  }
0x78: {  	_ =	shalt  }
0x79: {  	_ =	shalt  }
0x7a: {  	_ =	shalt  }
0x7b: {  	_ =	shalt  }
0x7c: {  	_ =	shalt  }
0x7d: {  	_ =	shalt  }
0x7e: {  	_ =	shalt  }
0x7f: {  	_ =	shalt  }
0x80: {  	_ =	shalt  }
0x81: {  	_ =	shalt  }
0x82: {  	_ =	shalt  }
0x83: {  	_ =	shalt  }
0x84: {  	_ =	shalt  }
0x85: {  	_ =	shalt  }
0x86: {  	_ =	shalt  }
0x87: {  	_ =	shalt  }
.Lfunc_end0:
.L_simem_size_0:
called_computation_lowered:
.L_overlay_start_0:
0x88: {  	s2 =	sld [smem:$0x3FD9]  }
0x89: {  	s3 =	sld [smem:$0x3FFE];
	_ =	sdelay $0x1  }
0x8a: {  	s1 =	srdreg.scid  }
0x8b: {  	s0 =	sand.u32 $0x1, s1  }
0x8c: {  	s14 =	sshll.u32 s0, $0xA;
	s2 =	sadd.s32 s3, s2  }
0x8d: {  	s2 =	sadd.s32 s2, s14  }
0x8e: {  	[smem:$0x3FB2] =	sst s2  }
0x8f: {  	_ = 	snop  }
0x90: {  	s2 =	sld [smem:$0x3FD0];
	_ =	sdelay $0x2  }
0x91: {  	s15 =	simm.s32 $0xA;
	s4 =	simm.s32 $0x10  }
0x92: {  	[smem:s4], [sflag:s15] =	dma.local [hbm:s2], $0x1  }
0x93: {  	_ =	swait.eq [sflag:s15], $0x1  }
0x94: {  	[sflag:s15] =	ssyncset.done $0x0  }
0x95: {  	s16 =	sld [smem:$0x10];
	[sflag:s15] =	ssyncadd.s32 $0xFFFFFFFF  }
0x96: {  	s17 =	sld [smem:$0x14];
	(tm) =	ssettm $0x1  }
0x97: {  	s18 =	sld [smem:$0x3FFB];
	_ =	sdelay $0x3  }
0x98: {  	_ =	strace s18  }
0x99: {  	s4 =	sld [smem:$0x3FFC];
	_ =	sdelay $0x3  }
0x9a: {  	_ =	strace s4  }
0x9b: {  	s4 =	sld [smem:$0x3FFD];
	_ =	sdelay $0x3  }
0x9c: {  	_ =	strace s4  }
0x9d: {  	_ =	strace $0x8FFFFFFF  }
0x9e: {  	s19 =	sld [smem:$0x3FDB];
	_ =	sdelay $0x1  }
0x9f: {  	s5 =	simm.s32 $_scs_section_size  }
0xa0: {  	s6 =	simm.s32 $_size__tile_overlayer_lowered;
	s7 =	simm.s32 $_tile_overlayer_lowered  }
0xa1: {  	s22 =	simm.s32 $0x1BFF;
	s21 =	sshll.u32 s7, $0x1;
	s4 =	sadd.s32 s5, s19  }
0xa2: {  	s8 =	simm.s32 $0x0;
	s20 =	sshll.u32 s6, $0x1;
	s6 =	sadd.s32 s21, s4  }
0xa3: {  	[timem:s8], [sflag:s22] =	dma.local [hbm:s6], s20  }
0xa4: {  	_ =	swait.ge [sflag:s22], s20  }
0xa5: {  	s5 =	ssub.s32 $0x0, s20;
	[sflag:s22] =	ssyncset.done $0x0  }
0xa6: {  	[sflag:s22] =	ssyncadd.s32 s5;
	_ =	sdelay $0x1  }
0xa7: {  	s23 =	simm.s32 $0x1B8B  }
0xa8: {  	_ =	swait.ge [sflag:s23], $0x1  }
0xa9: {  	[sflag:s23] =	ssyncset.done $0x0  }
0xaa: {  	s25 =	simm.s32 $0x1B8E;
	s24 =	sld [smem:$0x3FFE];
	[sflag:s23] =	ssyncadd.s32 $0xFFFFFFFF  }
0xab: {  	s26 =	simm.s32 $execute0_lowered;
	[smem:$0x3FD2] =	sst s25  }
0xac: {  	s6 =	sshll.u32 s26, $0x1;
	_ =	strace $0x80000046;
	[dreg:$0x1] =	wrdreg $0xFFFFFFFF  }
0xad: {  	s28 =	simm.s32 $_size_execute0_lowered;
	s4 =	sadd.s32 s4, s6;
	[dreg:$0x0] =	wrdreg $0x0  }
0xae: {  	s6 =	sshll.u32 s28, $0x1;
	[dreg:$0x2] =	wrdreg s4  }
0xaf: {  	[dreg:$0x3] =	wrdreg s6  }
0xb0: {  	[dreg:$0x4] =	wrdreg $0xC0  }
0xb1: {  	_ =	task [dreg:s8], $0x5FFFF  }
0xb2: {  	[dreg:$0x1] =	wrdreg $0xFFFFFFFF  }
0xb3: {  	[dreg:$0x0] =	wrdreg $0x60  }
0xb4: {  	[dreg:$0x2] =	wrdreg s24  }
0xb5: {  	[dreg:$0x3] =	wrdreg s16  }
0xb6: {  	[dreg:$0x4] =	wrdreg s17  }
0xb7: {  	[dreg:$0x5] =	wrdreg $0x1000  }
0xb8: {  	[dreg:$0x6] =	wrdreg $0x9  }
0xb9: {  	_ =	task.clear_ibuf [dreg:s8], $0x7FFFF;
	_ =	strace $0x90000046  }
0xba: {  	s29 =	simm.s32 $0x9;
	_ =	strace $0x80000048  }
0xbb: {  	_ =	swait.ge [sflag:s29], $0x1  }
0xbc: {  	[sflag:s29] =	ssyncadd.s32 $0xFFFFFFFF  }
0xbd: {  	_ =	strace $0x90000048  }
0xbe: {  	_ =	sfence  }
0xbf: {  	s30 =	sld [smem:$0x0];
	_ =	sdelay $0x2  }
0xc0: {  	s31 =	sshll.u32 s1, $0xD;
	s1 =	sshrl.u32 s1, $0x2  }
0xc1: {  	s3 =	sand.u32 $0x4000, s31;
	s1 =	sadd.s32 s1, s30  }
0xc2: {  	s0 =	sor.u32 s3, s0;
	s1 =	sshll.u32 s1, $0x11  }
0xc3: {  	s0 =	sor.u32 s1, s0  }
0xc4: {  	s0 =	sadd.s32 $0x8F2B, s0  }
0xc5: {  	[sflag:s0] =	ssyncadd.remote.s32 $0x1  }
0xc6: {  	_ =	sfence.sel $0xFFFF  }
0xc7: {  	[dreg:$0x0] =	wrdreg $0xFFFFFFFF;
	(pc) =	sbr.abs _section_cstart, $3  }
0xc8: {  	[dreg:$0x1] =	wrdreg $0xFFFFFFFF  }
0xc9: {  	_ =	task.clear_ibuf [dreg:s8], $0x2FFFF;
	_ =	strace $0x9FFFFFFF  }
0xca: {  	(tm) =	ssettm $0x7FFFFFFF  }
0xcb: {  	_ =	shalt  }
tec
execute0_lowered:
.L_overlay_start_1:
0x0: {  	(tag) =	ssettag $0x1  }
0x1: {  	s4 =	rddreg [dreg:$0x0]  }
0x2: {  	s5 =	rddreg [dreg:$0x1]  }
0x3: {  	s6 =	rddreg [dreg:$0x2]  }
0x4: {  	s2 =	rddreg [dreg:$0x3]  }
0x5: {  	s0 =	rddreg [dreg:$0x4]  }
0x6: {  	s1 =	stileid.u32;
	s7 =	srdreg.scid  }
0x7: {  	s3 =	simm.s32 $0x0;
	s13 =	simm.s32 $0x10;
	s8 =	smul.u32 $0x9E0, s1  }
0x8: {  	s14 =	simm.s32 $0x0;
	s7 =	sand.u32 $0x1, s7;
	s10 =	smul.u32 $0x280, s1  }
0x9: {  	[smem:$0x7FF] =	sst s3;
	s12 =	smul.u32 $0x500, s1;
	s31 =	sshll.u32 s1, $0x6  }
0xa: {  	s9 =	ssub.s32 $0x2, s7;
	_ =	strace $0x80000047;
	s30 =	sshll.u32 s7, $0x7  }
0xb: {  	s7 =	smul.u32 $0x4F0, s7;
	s8 =	sadd.s32 s8, s4;
	s28 =	sshrl.u32 s9, $0x1  }
0xc: {  	s11 =	sadd.s32 s10, s2;
	s29 =	sshrl.u32 s10, $0x3;
	s10 =	sor.u32 s30, s12  }
0xd: {  	s12 =	simm.s32 $0x20;
	s9 =	ssub.s32 s9, s28;
	s4 =	sadd.s32 s5, s29  }
0xe: {  	s5 =	sor.u32 $0x1C01, s31;
	s10 =	sshrl.u32 s10, $0x3;
	s8 =	sadd.s32 s7, s8  }
0xf: {  	s6 =	sadd.s32 s6, s10;
	s7 =	smax.u32 s9, $0x1;
	s8 =	sadd.s32 $0x6400, s8  }
0x10: {  	v0 =	vimm.f32 $1.000000000e+00;
	s9 =	sshrl.u32 s11, $0x3;
	s10 =	simm.s32 $0x1;
	s11 =	simm.s32 $0x80  }
.LBB2_1:
0x11: {  	[tilespmem:$0x80] =	vst v0  }
0x12: {  	[tilespmem:$0x90] =	vst v0  }
0x13: {  	[tilespmem:$0xA0] =	vst v0  }
0x14: {  	[tilespmem:$0xB0] =	vst v0  }
0x15: {  	[tilespmem:$0xC0] =	vst v0  }
0x16: {  	[tilespmem:$0xD0] =	vst v0  }
0x17: {  	[tilespmem:$0xE0] =	vst v0  }
0x18: {  	[tilespmem:$0xF0] =	vst v0  }
0x19: {  	[spmem:s9], [sflag:s5] =	dma.local [hbm:s4], $0x50  }
0x1a: {  	_ =	swait.ge [sflag:s10], $0x50  }
0x1b: {  	[sflag:s10] =	ssyncset.done $0x0  }
0x1c: {  	[sflag:s10] =	ssyncadd.s32 $0xFFFFFFB0  }
0x1d: {  	s15 =	sadd.s32 $0x0, s8;
	[bflag:$0x0] =	sbarrier.arrive $0xFFFF  }
0x1e: {  	[tilespmem:s3], [sflag:$0x1] =	stream.linear.gather [hbm4b:s15+s3], $0x80, $0x38;
	[tilespmem:$0x380] =	vst v63  }
0x1f: {  	_ =	swait.ge [sflag:s10], $0x80  }
0x20: {  	[sflag:s10] =	ssyncset.done $0x0  }
0x21: {  	[sflag:s10] =	ssyncadd.s32 $0xFFFFFF80  }
0x22: {  	[spmem:s2] =	stream.indirect.scatter.add.f32 [tilespmem:s11], [sflag:$0x1], $0x1, s3, s11, $0xb8;
	[tilespmem:$0x380] =	vst v63  }
0x23: {  	_ =	swait.ge [sflag:s10], $0x80  }
0x24: {  	s16 =	simm.s32 $0x20;
	s15 =	simm.s32 $0x10;
	[sflag:s10] =	ssyncset.done $0x0  }
.LBB2_2:
0x25: {  	s17 =	sadd.s32 s15, s8  }
0x26: {  	[sflag:s10] =	ssyncadd.s32 $0xFFFFFF80;
	s15 =	smov.u32 s16;
	s18 =	sadd.s32 $0x10, s16  }
0x27: {  	[tilespmem:s3], [sflag:$0x1] =	stream.linear.gather [hbm4b:s17+s3], $0x80, $0x38;
	[tilespmem:$0x380] =	vst v63  }
0x28: {  	p0 =	sne.s32 s16, $0x4E0;
	_ =	swait.ge [sflag:s10], $0x80  }
.Ltmp0:
0x29: {  	[sflag:s10] =	ssyncset.done $0x0;
	(pc) =	sbr.rel @p0 .LBB2_2-.Ltmp0, $4  }
0x2a: {  	[sflag:s10] =	ssyncadd.s32 $0xFFFFFF80  }
0x2b: {  	[spmem:s2] =	stream.indirect.scatter.add.f32 [tilespmem:s11], [sflag:$0x1], $0x1, s3, s11, $0xb8;
	[tilespmem:$0x380] =	vst v63  }
0x2c: {  	_ =	swait.ge [sflag:s10], $0x80  }
0x2d: {  	s16 =	smov.u32 s18;
	[sflag:s10] =	ssyncset.done $0x0  }
0x2e: {  	s15 =	sadd.s32 s15, s8;
	[sflag:s10] =	ssyncadd.s32 $0xFFFFFF80  }
0x2f: {  	[tilespmem:s3], [sflag:$0x1] =	stream.linear.gather [hbm4b:s15+s3], $0x80, $0x38;
	[tilespmem:$0x380] =	vst v63  }
0x30: {  	_ =	swait.ge [sflag:s10], $0x80  }
0x31: {  	[sflag:s10] =	ssyncset.done $0x0  }
0x32: {  	[sflag:s10] =	ssyncadd.s32 $0xFFFFFF80  }
0x33: {  	[spmem:s2] =	stream.indirect.scatter.add.f32 [tilespmem:s11], [sflag:$0x1], $0x1, s3, s11, $0xb8;
	[tilespmem:$0x380] =	vst v63  }
0x34: {  	_ =	swait.ge [sflag:s10], $0x80  }
0x35: {  	s14 =	sadd.s32 $0x1, s14;
	[sflag:s10] =	ssyncset.done $0x0  }
0x36: {  	p0 =	sne.s32 s14, s7;
	[sflag:s10] =	ssyncadd.s32 $0xFFFFFF80  }
.Ltmp1:
0x37: {  	[bflag:$0x0] =	sbarrier.arrive $0xFFFF;
	(pc) =	sbr.rel @p0 .LBB2_1-.Ltmp1, $4  }
0x38: {  	[hbm:s6@s12], [sflag:s5] =	dma.strided [spmem:s9@s13], $0x50, s10, $0x10   }
0x39: {  	_ =	swait.ge [sflag:s10], $0x50  }
0x3a: {  	[sflag:s10] =	ssyncset.done $0x0  }
0x3b: {  	[sflag:s10] =	ssyncadd.s32 $0xFFFFFFB0  }
0x3c: {  	_ =	sfence.sel $0x180000  }
0x3d: {  	[bflag:$0x0] =	sbarrier.arrive $0xFFFF  }
0x3e: {  	p0 =	sne.s32 s1, $0x0;
	_ =	strace $0x90000047  }
0x3f: {  	s0 =	sadd.s32 @!p0 $0x100000, s0;
	[bflag:$0x2] =	sbarrier.arrive $0xFFFF  }
0x40: {  	[sflag:s0] =	ssyncadd.tile.s32 @!p0 $0x1;
	_ =	shalt  }
.Lfunc_end2:
_tile_overlayer_lowered:
.L_overlay_start_2:
0x41: {  	(tag) =	ssettag $0x2  }
0x42: {  	s0 =	rddreg [dreg:$0x0];
	s2 =	stileid.u32  }
0x43: {  	s1 =	rddreg [dreg:$0x1];
	p0 =	sne.s32 s2, $0x0  }
0x44: {  	s3 =	rddreg [dreg:$0x2];
	[bflag:$0x3] =	sbarrier.arrive $0xFFFF;
	s2 =	simm.s32 @!p0 $0x1C01  }
0x45: {  	[timem:s3], [sflag:s2] =	dma.local @!p0 [hbm:s0], s1  }
0x46: {  	s0 =	simm.s32 @!p0 $0x1  }
0x47: {  	_ =	swait.ge @!p0 [sflag:s0], s1  }
0x48: {  	s1 =	ssub.s32 @!p0 $0x0, s1;
	[sflag:s0] =	ssyncset.done @!p0 $0x0  }
0x49: {  	[sflag:s0] =	ssyncadd.s32 @!p0 s1  }
0x4a: {  	[bflag:$0x3] =	sbarrier.arrive $0xFFFF  }
0x4b: {  	_ =	shalt  }

// kernel: kernel.13.cloned.1.call-start
scs
__scs_entry_jumppad:
0x0: {  	(pc) =	sbr.rel $0x88, $3  }
0x1: {  	(tag) =	ssettag $0x0;
	lr =	simm.s32 $0x1  }
0x2: {  	[smem:$0x3F8B] =	sst lr;
	_ =	strace $0xD0000000  }
0x3: {  	_ = 	snop  }
0x4: {  	_ = 	snop  }
0x5: {  	_ = 	snop  }
0x6: {  	_ = 	snop  }
0x7: {  	_ = 	snop  }
__scs_overlays_trampoline_lowered:
0x8: {  	[smem:$0x3F9A] =	sst s0  }
0x9: {  	[smem:$0x3F9B] =	sst s1  }
0xa: {  	[smem:$0x3F9C] =	sst s2  }
0xb: {  	[smem:$0x3F9D] =	sst s3  }
0xc: {  	[smem:$0x3F9E] =	sst s4  }
0xd: {  	[smem:$0x3F9F] =	sst s5  }
0xe: {  	[smem:$0x3FA0] =	sst s6  }
0xf: {  	[smem:$0x3FA1] =	sst s7  }
0x10: {  	[smem:$0x3FA2] =	sst s8  }
0x11: {  	[smem:$0x3FA3] =	sst s9;
	s0 =	simm.s32 @!p0 $0x0  }
0x12: {  	s1 =	sld [smem:$0x3F89];
	s0 =	simm.s32 @p0 $0x1  }
0x13: {  	[smem:$0x3FA4] =	sst s0;
	s0 =	simm.s32 @!p1 $0x0  }
0x14: {  	s2 =	sld [smem:$0x3F88];
	s0 =	simm.s32 @p1 $0x1  }
0x15: {  	[smem:$0x3FA5] =	sst s0;
	s0 =	simm.s32 @!p2 $0x0  }
0x16: {  	s3 =	sld [smem:$0x3FDB];
	s0 =	simm.s32 @p2 $0x1  }
0x17: {  	s4 =	simm.s32 $0x1BF5;
	[smem:$0x3FA7] =	sst s0  }
0x18: {  	s0 =	sld [smem:$0x3F8A];
	_ =	swait.ge [sflag:s4], $0x0  }
0x19: {  	s7 =	sld [smem:$0x3F8B]  }
0x1a: {  	s8 =	sadd.s32 $0xFFFFE003, lr  }
0x1b: {  	s9 =	sadd.s32 $0xFFFFFEF7, lr;
	s5 =	simm.s32 $0xFFFFFFFF;
	p2 =	slt.u32 s8, $0xFFFFF086  }
0x1c: {  	p1 =	slt.u32 s9, $0xF7A;
	s5 =	simm.s32 @!p2 $0x0  }
0x1d: {  	s5 =	simm.s32 @p1 $0x1;
	p0 =	seq.s32 s7, s2  }
0x1e: {  	s7 =	smul.u32 @!p0 $0xF7A, s2;
	p2 =	seq.s32 @!p0 s5, $0x0  }
0x1f: {  	s9 =	smul.u32 $0xF7A, s1;
	s8 =	simm.s32 @!p0 $0x1BF5;
	p2 =	por !p2, p0  }
0x20: {  	[sflag:s8] =	ssyncset.s32 @!p0 $0xFFFFF086;
	s6 =	sadd.s32 @!p0 s3, s7;
	s7 =	simm.s32 @!p0 $0x108  }
0x21: {  	s3 =	sadd.s32 s3, s9;
	s6 =	sadd.s32 @!p0 $0x88, s6;
	s7 =	simm.s32 @p2 $0x1082  }
0x22: {  	[simem:s7], [sflag:s8] =	dma.local @!p0 [hbm:s6], $0xF7A  }
0x23: {  	s9 =	sor.u32 $0xD0000000, s2;
	s6 =	simm.s32 $0x108;
	_ =	swait.ge @!p0 [sflag:s8], $0x0  }
0x24: {  	s3 =	sadd.s32 $0x88, s3;
	s6 =	simm.s32 @!p1 $0x1082;
	[sflag:s4] =	ssyncset.s32 $0xFFFFF086  }
0x25: {  	[simem:s6], [sflag:s4] =	dma.local [hbm:s3], $0xF7A  }
0x26: {  	[smem:$0x3F8B] =	sst s1;
	(tag) =	ssettag s2;
	_ =	strace s9  }
0x27: {  	s1 =	sld [smem:$0x3F9B]  }
0x28: {  	s2 =	sld [smem:$0x3F9C]  }
0x29: {  	s4 =	sld [smem:$0x3F9E]  }
0x2a: {  	p0 =	seq.s32 s5, $0x0;
	s5 =	sld [smem:$0x3F9F]  }
0x2b: {  	s6 =	sld [smem:$0x3FA0]  }
0x2c: {  	s7 =	sld [smem:$0x3FA1]  }
0x2d: {  	s3 =	simm.s32 $0x108;
	s8 =	sld [smem:$0x3FA2]  }
0x2e: {  	s3 =	simm.s32 @!p0 $0x1082;
	s9 =	sld [smem:$0x3FA3]  }
0x2f: {  	lr =	sadd.s32 s0, s3;
	s0 =	sld [smem:$0x3F9A]  }
0x30: {  	s3 =	sld [smem:$0x3F9D]  }
0x31: {  	[smem:$0x3FA6] =	sst s10  }
0x32: {  	s10 =	sld [smem:$0x3FA4];
	_ =	sdelay $0x3  }
0x33: {  	p0 =	seq.s32 s10, $0x1;
	s10 =	sld [smem:$0x3FA6];
	_ =	sdelay $0x3  }
0x34: {  	[smem:$0x3FA6] =	sst s10  }
0x35: {  	s10 =	sld [smem:$0x3FA5];
	_ =	sdelay $0x3  }
0x36: {  	p1 =	seq.s32 s10, $0x1;
	s10 =	sld [smem:$0x3FA6];
	_ =	sdelay $0x3  }
0x37: {  	[smem:$0x3FA6] =	sst s10  }
0x38: {  	s10 =	sld [smem:$0x3FA7]  }
0x39: {  	_ = 	snop;
	(pc) =	sbr.ind lr, $3  }
0x3a: {  	_ = 	snop  }
0x3b: {  	_ = 	snop  }
0x3c: {  	p2 =	seq.s32 s10, $0x1;
	s10 =	sld [smem:$0x3FA6]  }
0x3d: {  	_ =	shalt  }
0x3e: {  	_ =	shalt  }
0x3f: {  	_ =	shalt  }
0x40: {  	_ =	shalt  }
0x41: {  	_ =	shalt  }
0x42: {  	_ =	shalt  }
0x43: {  	_ =	shalt  }
0x44: {  	_ =	shalt  }
0x45: {  	_ =	shalt  }
0x46: {  	_ =	shalt  }
0x47: {  	_ =	shalt  }
0x48: {  	_ =	shalt  }
0x49: {  	_ =	shalt  }
0x4a: {  	_ =	shalt  }
0x4b: {  	_ =	shalt  }
0x4c: {  	_ =	shalt  }
0x4d: {  	_ =	shalt  }
0x4e: {  	_ =	shalt  }
0x4f: {  	_ =	shalt  }
0x50: {  	_ =	shalt  }
0x51: {  	_ =	shalt  }
0x52: {  	_ =	shalt  }
0x53: {  	_ =	shalt  }
0x54: {  	_ =	shalt  }
0x55: {  	_ =	shalt  }
0x56: {  	_ =	shalt  }
0x57: {  	_ =	shalt  }
0x58: {  	_ =	shalt  }
0x59: {  	_ =	shalt  }
0x5a: {  	_ =	shalt  }
0x5b: {  	_ =	shalt  }
0x5c: {  	_ =	shalt  }
0x5d: {  	_ =	shalt  }
0x5e: {  	_ =	shalt  }
0x5f: {  	_ =	shalt  }
0x60: {  	_ =	shalt  }
0x61: {  	_ =	shalt  }
0x62: {  	_ =	shalt  }
0x63: {  	_ =	shalt  }
0x64: {  	_ =	shalt  }
0x65: {  	_ =	shalt  }
0x66: {  	_ =	shalt  }
0x67: {  	_ =	shalt  }
0x68: {  	_ =	shalt  }
0x69: {  	_ =	shalt  }
0x6a: {  	_ =	shalt  }
0x6b: {  	_ =	shalt  }
0x6c: {  	_ =	shalt  }
0x6d: {  	_ =	shalt  }
0x6e: {  	_ =	shalt  }
0x6f: {  	_ =	shalt  }
0x70: {  	_ =	shalt  }
0x71: {  	_ =	shalt  }
0x72: {  	_ =	shalt  }
0x73: {  	_ =	shalt  }
0x74: {  	_ =	shalt  }
0x75: {  	_ =	shalt  }
0x76: {  	_ =	shalt  }
0x77: {  	_ =	shalt  }
0x78: {  	_ =	shalt  }
0x79: {  	_ =	shalt  }
0x7a: {  	_ =	shalt  }
0x7b: {  	_ =	shalt  }
0x7c: {  	_ =	shalt  }
0x7d: {  	_ =	shalt  }
0x7e: {  	_ =	shalt  }
0x7f: {  	_ =	shalt  }
0x80: {  	_ =	shalt  }
0x81: {  	_ =	shalt  }
0x82: {  	_ =	shalt  }
0x83: {  	_ =	shalt  }
0x84: {  	_ =	shalt  }
0x85: {  	_ =	shalt  }
0x86: {  	_ =	shalt  }
0x87: {  	_ =	shalt  }
.Lfunc_end0:
.L_simem_size_0:
called_computation.1_lowered:
.L_overlay_start_0:
0x88: {  	s2 =	sld [smem:$0x3FD9]  }
0x89: {  	s3 =	sld [smem:$0x3FFE];
	_ =	sdelay $0x1  }
0x8a: {  	s1 =	srdreg.scid  }
0x8b: {  	s0 =	sand.u32 $0x1, s1  }
0x8c: {  	s14 =	sshll.u32 s0, $0xA;
	s2 =	sadd.s32 s3, s2  }
0x8d: {  	s2 =	sadd.s32 s2, s14  }
0x8e: {  	[smem:$0x3FB2] =	sst s2  }
0x8f: {  	_ = 	snop  }
0x90: {  	s2 =	sld [smem:$0x3FD0];
	_ =	sdelay $0x2  }
0x91: {  	s15 =	simm.s32 $0xA;
	s4 =	simm.s32 $0x10  }
0x92: {  	[smem:s4], [sflag:s15] =	dma.local [hbm:s2], $0x1  }
0x93: {  	_ =	swait.eq [sflag:s15], $0x1  }
0x94: {  	[sflag:s15] =	ssyncset.done $0x0  }
0x95: {  	s16 =	sld [smem:$0x10];
	[sflag:s15] =	ssyncadd.s32 $0xFFFFFFFF  }
0x96: {  	s17 =	sld [smem:$0x13];
	(tm) =	ssettm $0x1  }
0x97: {  	s18 =	sld [smem:$0x3FFB];
	_ =	sdelay $0x3  }
0x98: {  	_ =	strace s18  }
0x99: {  	s4 =	sld [smem:$0x3FFC];
	_ =	sdelay $0x3  }
0x9a: {  	_ =	strace s4  }
0x9b: {  	s4 =	sld [smem:$0x3FFD];
	_ =	sdelay $0x3  }
0x9c: {  	_ =	strace s4  }
0x9d: {  	_ =	strace $0x8FFFFFFF  }
0x9e: {  	s19 =	sld [smem:$0x3FDB];
	_ =	sdelay $0x1  }
0x9f: {  	s5 =	simm.s32 $_scs_section_size  }
0xa0: {  	s6 =	simm.s32 $_size__tile_overlayer_lowered;
	s7 =	simm.s32 $_tile_overlayer_lowered  }
0xa1: {  	s22 =	simm.s32 $0x1BFF;
	s21 =	sshll.u32 s7, $0x1;
	s4 =	sadd.s32 s5, s19  }
0xa2: {  	s8 =	simm.s32 $0x0;
	s20 =	sshll.u32 s6, $0x1;
	s6 =	sadd.s32 s21, s4  }
0xa3: {  	[timem:s8], [sflag:s22] =	dma.local [hbm:s6], s20  }
0xa4: {  	_ =	swait.ge [sflag:s22], s20  }
0xa5: {  	s5 =	ssub.s32 $0x0, s20;
	[sflag:s22] =	ssyncset.done $0x0  }
0xa6: {  	[sflag:s22] =	ssyncadd.s32 s5;
	_ =	sdelay $0x1  }
0xa7: {  	s23 =	simm.s32 $0x1B8B  }
0xa8: {  	_ =	swait.ge [sflag:s23], $0x1  }
0xa9: {  	[sflag:s23] =	ssyncset.done $0x0  }
0xaa: {  	s25 =	simm.s32 $0x1B8E;
	s24 =	sld [smem:$0x3FFE];
	[sflag:s23] =	ssyncadd.s32 $0xFFFFFFFF  }
0xab: {  	s26 =	simm.s32 $execute0_lowered;
	[smem:$0x3FD2] =	sst s25  }
0xac: {  	s6 =	sshll.u32 s26, $0x1;
	_ =	strace $0x80000049;
	[dreg:$0x1] =	wrdreg $0xFFFFFFFF  }
0xad: {  	s28 =	simm.s32 $_size_execute0_lowered;
	s4 =	sadd.s32 s4, s6;
	[dreg:$0x0] =	wrdreg $0x0  }
0xae: {  	s6 =	sshll.u32 s28, $0x1;
	[dreg:$0x2] =	wrdreg s4  }
0xaf: {  	[dreg:$0x3] =	wrdreg s6  }
0xb0: {  	[dreg:$0x4] =	wrdreg $0xC0  }
0xb1: {  	_ =	task [dreg:s8], $0x5FFFF  }
0xb2: {  	[dreg:$0x1] =	wrdreg $0xFFFFFFFF  }
0xb3: {  	[dreg:$0x0] =	wrdreg $0x60  }
0xb4: {  	[dreg:$0x2] =	wrdreg s17  }
0xb5: {  	[dreg:$0x3] =	wrdreg s24  }
0xb6: {  	[dreg:$0x4] =	wrdreg s16  }
0xb7: {  	[dreg:$0x5] =	wrdreg $0x41000  }
0xb8: {  	[dreg:$0x6] =	wrdreg $0x9  }
0xb9: {  	_ =	task.clear_ibuf [dreg:s8], $0x7FFFF;
	_ =	strace $0x90000049  }
0xba: {  	s29 =	simm.s32 $0x9;
	_ =	strace $0x8000004B  }
0xbb: {  	_ =	swait.ge [sflag:s29], $0x1  }
0xbc: {  	[sflag:s29] =	ssyncadd.s32 $0xFFFFFFFF  }
0xbd: {  	_ =	strace $0x9000004B  }
0xbe: {  	_ =	sfence  }
0xbf: {  	s30 =	sld [smem:$0x0];
	_ =	sdelay $0x2  }
0xc0: {  	s31 =	sshll.u32 s1, $0xD;
	s1 =	sshrl.u32 s1, $0x2  }
0xc1: {  	s3 =	sand.u32 $0x4000, s31;
	s1 =	sadd.s32 s1, s30  }
0xc2: {  	s0 =	sor.u32 s3, s0;
	s1 =	sshll.u32 s1, $0x11  }
0xc3: {  	s0 =	sor.u32 s1, s0  }
0xc4: {  	s0 =	sadd.s32 $0x8F2B, s0  }
0xc5: {  	[sflag:s0] =	ssyncadd.remote.s32 $0x1  }
0xc6: {  	_ =	sfence.sel $0xFFFF  }
0xc7: {  	[dreg:$0x0] =	wrdreg $0xFFFFFFFF;
	(pc) =	sbr.abs _section_cstart, $3  }
0xc8: {  	[dreg:$0x1] =	wrdreg $0xFFFFFFFF  }
0xc9: {  	_ =	task.clear_ibuf [dreg:s8], $0x2FFFF;
	_ =	strace $0x9FFFFFFF  }
0xca: {  	(tm) =	ssettm $0x7FFFFFFF  }
0xcb: {  	_ =	shalt  }
tec
execute0_lowered:
.L_overlay_start_1:
0x0: {  	(tag) =	ssettag $0x1  }
0x1: {  	s11 =	rddreg [dreg:$0x0]  }
0x2: {  	s5 =	rddreg [dreg:$0x1]  }
0x3: {  	s2 =	rddreg [dreg:$0x2]  }
0x4: {  	s3 =	rddreg [dreg:$0x3]  }
0x5: {  	s0 =	rddreg [dreg:$0x4];
	s1 =	stileid.u32;
	s4 =	simm.s32 $0x0  }
0x6: {  	s6 =	srdreg.scid;
	s15 =	simm.s32 $0x100;
	s7 =	smul.u32 $0x3D, s1  }
0x7: {  	s16 =	simm.s32 $0x1;
	s17 =	simm.s32 $0x0;
	s8 =	smul.u32 $0x61, s1  }
0x8: {  	[smem:$0x7FF] =	sst s4;
	s6 =	sand.u32 $0x1, s6;
	s9 =	smul.u32 $0x14000, s1  }
0x9: {  	s28 =	smul.u32 $0x50000, s1;
	s31 =	sshll.u32 s1, $0x6;
	p0 =	seq.s32 s6, $0x0  }
0xa: {  	s25 =	smul.u32 $0x140000, s6;
	_ =	strace $0x8000004A;
	s6 =	ssub.s32 $0x2, s6  }
0xb: {  	s7 =	sadd.s32 $0x610, s7;
	s26 =	sshrl.u32 s9, $0x3;
	s29 =	sshrl.u32 s6, $0x1  }
0xc: {  	s30 =	sshrl.u32 s28, $0x2;
	s7 =	smov.u32 @p0 s8;
	s8 =	sadd.s32 s9, s25  }
0xd: {  	s13 =	ssub.s32 s6, s29;
	s14 =	sadd.s32 s30, s3;
	s12 =	sshll.u32 s7, $0x4  }
0xe: {  	s8 =	sshrl.u32 s8, $0x3;
	s7 =	sadd.s32 s26, s5;
	s9 =	smax.u32 s13, $0x1  }
0xf: {  	s13 =	simm.s32 $0x2;
	s10 =	sadd.s32 s12, s5;
	s8 =	sadd.s32 s8, s5  }
0x10: {  	s5 =	simm.s32 $0x61;
	s6 =	sadd.s32 $0x37400, s7;
	s7 =	sor.u32 $0x1C02, s31  }
0x11: {  	s11 =	sadd.s32 s12, s11;
	s12 =	sshrl.u32 s14, $0x3;
	s14 =	simm.s32 $0x80  }
0x12: {  	s5 =	simm.s32 @!p0 $0x3D;
	s8 =	sadd.s32 $0x5F400, s8;
	s10 =	sadd.s32 $0x6400, s10  }
.LBB2_1:
0x13: {  	[spmem:s12], [sflag:s7] =	dma.local [hbm:s6], $0x2800  }
0x14: {  	_ =	swait.ge [sflag:s13], $0x2800  }
0x15: {  	[sflag:s13] =	ssyncset.done $0x0  }
0x16: {  	[sflag:s13] =	ssyncadd.s32 $0xFFFFD800  }
0x17: {  	[bflag:$0x0] =	sbarrier.arrive $0xFFFF  }
0x18: {  	[tilespmem:s4], [sflag:$0x2] =	stream.linear.gather [hbm4b:s11+s4], $0x80, $0x38;
	[tilespmem:$0x18100] =	vst v63  }
0x19: {  	_ =	swait.ge [sflag:s13], $0x80  }
0x1a: {  	[sflag:s13] =	ssyncset.done $0x0  }
0x1b: {  	[sflag:s13] =	ssyncadd.s32 $0xFFFFFF80  }
0x1c: {  	[tilespmem:s14], [sflag:$0x2] =	stream.linear.gather [hbm4b:s10+s4], $0x80, $0x38;
	[tilespmem:$0x18100] =	vst v63  }
0x1d: {  	_ =	swait.ge [sflag:s13], $0x80  }
0x1e: {  	[sflag:s13] =	ssyncset.done $0x0  }
0x1f: {  	[sflag:s13] =	ssyncadd.s32 $0xFFFFFF80  }
0x20: {  	[tilespmem:s15], [sflag:$0x1] =	stream.indirect.gather [hbm4b:s2+s14], $0x80, s4, s14, $0xb8;
	[tilespmem:$0x18100] =	vst v63  }
0x21: {  	p0 =	sne.s32 s5, $0x1;
	_ =	swait.ge [sflag:s16], $0x4000  }
.Ltmp0:
0x22: {  	[sflag:s16] =	ssyncset.done $0x0;
	(pc) =	sbr.rel @!p0 .LBB2_3-.Ltmp0, $4  }
0x23: {  	[sflag:s16] =	ssyncadd.s32 $0xFFFFC000  }
0x24: {  	[spmem:s3] =	stream.indirect.scatter.add.f32 [tilespmem:s15], [sflag:$0x2], $0x80, s14, s14, $0xb8;
	[tilespmem:$0x18100] =	vst v63  }
0x25: {  	s18 =	sadd.s32 $0xFFFFFFFF, s5;
	_ =	swait.ge [sflag:s13], $0x4000  }
0x26: {  	s19 =	smov.u32 s10;
	s20 =	smov.u32 s11;
	[sflag:s13] =	ssyncset.done $0x0  }
.LBB2_2:
0x27: {  	[sflag:s13] =	ssyncadd.s32 $0xFFFFC000;
	s19 =	sadd.s32 $0x10, s19;
	s20 =	sadd.s32 $0x10, s20  }
0x28: {  	[tilespmem:s4], [sflag:$0x2] =	stream.linear.gather [hbm4b:s20+s4], $0x80, $0x38;
	[tilespmem:$0x18100] =	vst v63  }
0x29: {  	p0 =	sne.s32 s18, $0x1;
	s18 =	sadd.s32 $0xFFFFFFFF, s18;
	_ =	swait.ge [sflag:s13], $0x80  }
0x2a: {  	[sflag:s13] =	ssyncset.done $0x0  }
0x2b: {  	[sflag:s13] =	ssyncadd.s32 $0xFFFFFF80  }
0x2c: {  	[tilespmem:s14], [sflag:$0x2] =	stream.linear.gather [hbm4b:s19+s4], $0x80, $0x38;
	[tilespmem:$0x18100] =	vst v63  }
0x2d: {  	_ =	swait.ge [sflag:s13], $0x80  }
0x2e: {  	[sflag:s13] =	ssyncset.done $0x0  }
0x2f: {  	[sflag:s13] =	ssyncadd.s32 $0xFFFFFF80  }
0x30: {  	[tilespmem:s15], [sflag:$0x1] =	stream.indirect.gather [hbm4b:s2+s14], $0x80, s4, s14, $0xb8;
	[tilespmem:$0x18100] =	vst v63  }
0x31: {  	_ =	swait.ge [sflag:s16], $0x4000  }
.Ltmp1:
0x32: {  	[sflag:s16] =	ssyncset.done $0x0;
	(pc) =	sbr.rel @p0 .LBB2_2-.Ltmp1, $4  }
0x33: {  	[sflag:s16] =	ssyncadd.s32 $0xFFFFC000  }
0x34: {  	[spmem:s3] =	stream.indirect.scatter.add.f32 [tilespmem:s15], [sflag:$0x2], $0x80, s14, s14, $0xb8;
	[tilespmem:$0x18100] =	vst v63  }
0x35: {  	_ =	swait.ge [sflag:s13], $0x4000  }
0x36: {  	[sflag:s13] =	ssyncset.done $0x0  }
.LBB2_3:
0x37: {  	s17 =	sadd.s32 $0x1, s17  }
0x38: {  	[sflag:s13] =	ssyncadd.s32 $0xFFFFC000;
	p0 =	sne.s32 s17, s9  }
.Ltmp2:
0x39: {  	[bflag:$0x0] =	sbarrier.arrive $0xFFFF;
	(pc) =	sbr.rel @p0 .LBB2_1-.Ltmp2, $4  }
0x3a: {  	[hbm:s8], [sflag:s7] =	dma.local [spmem:s12], $0x2800  }
0x3b: {  	_ =	swait.ge [sflag:s13], $0x2800  }
0x3c: {  	[sflag:s13] =	ssyncset.done $0x0  }
0x3d: {  	[sflag:s13] =	ssyncadd.s32 $0xFFFFD800  }
0x3e: {  	_ =	sfence.sel $0x180000  }
0x3f: {  	[bflag:$0x0] =	sbarrier.arrive $0xFFFF  }
0x40: {  	p0 =	sne.s32 s1, $0x0;
	_ =	strace $0x9000004A  }
0x41: {  	s0 =	sadd.s32 @!p0 $0x100000, s0;
	[bflag:$0x2] =	sbarrier.arrive $0xFFFF  }
0x42: {  	[sflag:s0] =	ssyncadd.tile.s32 @!p0 $0x1;
	_ =	shalt  }
.Lfunc_end2:
_tile_overlayer_lowered:
.L_overlay_start_2:
0x43: {  	(tag) =	ssettag $0x2  }
0x44: {  	s0 =	rddreg [dreg:$0x0];
	s2 =	stileid.u32  }
0x45: {  	s1 =	rddreg [dreg:$0x1];
	p0 =	sne.s32 s2, $0x0  }
0x46: {  	s3 =	rddreg [dreg:$0x2];
	[bflag:$0x3] =	sbarrier.arrive $0xFFFF;
	s2 =	simm.s32 @!p0 $0x1C02  }
0x47: {  	[timem:s3], [sflag:s2] =	dma.local @!p0 [hbm:s0], s1  }
0x48: {  	s0 =	simm.s32 @!p0 $0x2  }
0x49: {  	_ =	swait.ge @!p0 [sflag:s0], s1  }
0x4a: {  	s1 =	ssub.s32 @!p0 $0x0, s1;
	[sflag:s0] =	ssyncset.done @!p0 $0x0  }
0x4b: {  	[sflag:s0] =	ssyncadd.s32 @!p0 s1  }
0x4c: {  	[bflag:$0x3] =	sbarrier.arrive $0xFFFF  }
0x4d: {  	_ =	shalt  }

// kernel: kernel.16.cloned.1.call-start
scs
__scs_entry_jumppad:
0x0: {  	(pc) =	sbr.rel $0x88, $3  }
0x1: {  	(tag) =	ssettag $0x0;
	lr =	simm.s32 $0x1  }
0x2: {  	[smem:$0x3F8B] =	sst lr;
	_ =	strace $0xD0000000  }
0x3: {  	_ = 	snop  }
0x4: {  	_ = 	snop  }
0x5: {  	_ = 	snop  }
0x6: {  	_ = 	snop  }
0x7: {  	_ = 	snop  }
__scs_overlays_trampoline_lowered:
0x8: {  	[smem:$0x3F9A] =	sst s0  }
0x9: {  	[smem:$0x3F9B] =	sst s1  }
0xa: {  	[smem:$0x3F9C] =	sst s2  }
0xb: {  	[smem:$0x3F9D] =	sst s3  }
0xc: {  	[smem:$0x3F9E] =	sst s4  }
0xd: {  	[smem:$0x3F9F] =	sst s5  }
0xe: {  	[smem:$0x3FA0] =	sst s6  }
0xf: {  	[smem:$0x3FA1] =	sst s7  }
0x10: {  	[smem:$0x3FA2] =	sst s8  }
0x11: {  	[smem:$0x3FA3] =	sst s9;
	s0 =	simm.s32 @!p0 $0x0  }
0x12: {  	s1 =	sld [smem:$0x3F89];
	s0 =	simm.s32 @p0 $0x1  }
0x13: {  	[smem:$0x3FA4] =	sst s0;
	s0 =	simm.s32 @!p1 $0x0  }
0x14: {  	s2 =	sld [smem:$0x3F88];
	s0 =	simm.s32 @p1 $0x1  }
0x15: {  	[smem:$0x3FA5] =	sst s0;
	s0 =	simm.s32 @!p2 $0x0  }
0x16: {  	s3 =	sld [smem:$0x3FDB];
	s0 =	simm.s32 @p2 $0x1  }
0x17: {  	s4 =	simm.s32 $0x1BF5;
	[smem:$0x3FA7] =	sst s0  }
0x18: {  	s0 =	sld [smem:$0x3F8A];
	_ =	swait.ge [sflag:s4], $0x0  }
0x19: {  	s7 =	sld [smem:$0x3F8B]  }
0x1a: {  	s8 =	sadd.s32 $0xFFFFE003, lr  }
0x1b: {  	s9 =	sadd.s32 $0xFFFFFEF7, lr;
	s5 =	simm.s32 $0xFFFFFFFF;
	p2 =	slt.u32 s8, $0xFFFFF086  }
0x1c: {  	p1 =	slt.u32 s9, $0xF7A;
	s5 =	simm.s32 @!p2 $0x0  }
0x1d: {  	s5 =	simm.s32 @p1 $0x1;
	p0 =	seq.s32 s7, s2  }
0x1e: {  	s7 =	smul.u32 @!p0 $0xF7A, s2;
	p2 =	seq.s32 @!p0 s5, $0x0  }
0x1f: {  	s9 =	smul.u32 $0xF7A, s1;
	s8 =	simm.s32 @!p0 $0x1BF5;
	p2 =	por !p2, p0  }
0x20: {  	[sflag:s8] =	ssyncset.s32 @!p0 $0xFFFFF086;
	s6 =	sadd.s32 @!p0 s3, s7;
	s7 =	simm.s32 @!p0 $0x108  }
0x21: {  	s3 =	sadd.s32 s3, s9;
	s6 =	sadd.s32 @!p0 $0x88, s6;
	s7 =	simm.s32 @p2 $0x1082  }
0x22: {  	[simem:s7], [sflag:s8] =	dma.local @!p0 [hbm:s6], $0xF7A  }
0x23: {  	s9 =	sor.u32 $0xD0000000, s2;
	s6 =	simm.s32 $0x108;
	_ =	swait.ge @!p0 [sflag:s8], $0x0  }
0x24: {  	s3 =	sadd.s32 $0x88, s3;
	s6 =	simm.s32 @!p1 $0x1082;
	[sflag:s4] =	ssyncset.s32 $0xFFFFF086  }
0x25: {  	[simem:s6], [sflag:s4] =	dma.local [hbm:s3], $0xF7A  }
0x26: {  	[smem:$0x3F8B] =	sst s1;
	(tag) =	ssettag s2;
	_ =	strace s9  }
0x27: {  	s1 =	sld [smem:$0x3F9B]  }
0x28: {  	s2 =	sld [smem:$0x3F9C]  }
0x29: {  	s4 =	sld [smem:$0x3F9E]  }
0x2a: {  	p0 =	seq.s32 s5, $0x0;
	s5 =	sld [smem:$0x3F9F]  }
0x2b: {  	s6 =	sld [smem:$0x3FA0]  }
0x2c: {  	s7 =	sld [smem:$0x3FA1]  }
0x2d: {  	s3 =	simm.s32 $0x108;
	s8 =	sld [smem:$0x3FA2]  }
0x2e: {  	s3 =	simm.s32 @!p0 $0x1082;
	s9 =	sld [smem:$0x3FA3]  }
0x2f: {  	lr =	sadd.s32 s0, s3;
	s0 =	sld [smem:$0x3F9A]  }
0x30: {  	s3 =	sld [smem:$0x3F9D]  }
0x31: {  	[smem:$0x3FA6] =	sst s10  }
0x32: {  	s10 =	sld [smem:$0x3FA4];
	_ =	sdelay $0x3  }
0x33: {  	p0 =	seq.s32 s10, $0x1;
	s10 =	sld [smem:$0x3FA6];
	_ =	sdelay $0x3  }
0x34: {  	[smem:$0x3FA6] =	sst s10  }
0x35: {  	s10 =	sld [smem:$0x3FA5];
	_ =	sdelay $0x3  }
0x36: {  	p1 =	seq.s32 s10, $0x1;
	s10 =	sld [smem:$0x3FA6];
	_ =	sdelay $0x3  }
0x37: {  	[smem:$0x3FA6] =	sst s10  }
0x38: {  	s10 =	sld [smem:$0x3FA7]  }
0x39: {  	_ = 	snop;
	(pc) =	sbr.ind lr, $3  }
0x3a: {  	_ = 	snop  }
0x3b: {  	_ = 	snop  }
0x3c: {  	p2 =	seq.s32 s10, $0x1;
	s10 =	sld [smem:$0x3FA6]  }
0x3d: {  	_ =	shalt  }
0x3e: {  	_ =	shalt  }
0x3f: {  	_ =	shalt  }
0x40: {  	_ =	shalt  }
0x41: {  	_ =	shalt  }
0x42: {  	_ =	shalt  }
0x43: {  	_ =	shalt  }
0x44: {  	_ =	shalt  }
0x45: {  	_ =	shalt  }
0x46: {  	_ =	shalt  }
0x47: {  	_ =	shalt  }
0x48: {  	_ =	shalt  }
0x49: {  	_ =	shalt  }
0x4a: {  	_ =	shalt  }
0x4b: {  	_ =	shalt  }
0x4c: {  	_ =	shalt  }
0x4d: {  	_ =	shalt  }
0x4e: {  	_ =	shalt  }
0x4f: {  	_ =	shalt  }
0x50: {  	_ =	shalt  }
0x51: {  	_ =	shalt  }
0x52: {  	_ =	shalt  }
0x53: {  	_ =	shalt  }
0x54: {  	_ =	shalt  }
0x55: {  	_ =	shalt  }
0x56: {  	_ =	shalt  }
0x57: {  	_ =	shalt  }
0x58: {  	_ =	shalt  }
0x59: {  	_ =	shalt  }
0x5a: {  	_ =	shalt  }
0x5b: {  	_ =	shalt  }
0x5c: {  	_ =	shalt  }
0x5d: {  	_ =	shalt  }
0x5e: {  	_ =	shalt  }
0x5f: {  	_ =	shalt  }
0x60: {  	_ =	shalt  }
0x61: {  	_ =	shalt  }
0x62: {  	_ =	shalt  }
0x63: {  	_ =	shalt  }
0x64: {  	_ =	shalt  }
0x65: {  	_ =	shalt  }
0x66: {  	_ =	shalt  }
0x67: {  	_ =	shalt  }
0x68: {  	_ =	shalt  }
0x69: {  	_ =	shalt  }
0x6a: {  	_ =	shalt  }
0x6b: {  	_ =	shalt  }
0x6c: {  	_ =	shalt  }
0x6d: {  	_ =	shalt  }
0x6e: {  	_ =	shalt  }
0x6f: {  	_ =	shalt  }
0x70: {  	_ =	shalt  }
0x71: {  	_ =	shalt  }
0x72: {  	_ =	shalt  }
0x73: {  	_ =	shalt  }
0x74: {  	_ =	shalt  }
0x75: {  	_ =	shalt  }
0x76: {  	_ =	shalt  }
0x77: {  	_ =	shalt  }
0x78: {  	_ =	shalt  }
0x79: {  	_ =	shalt  }
0x7a: {  	_ =	shalt  }
0x7b: {  	_ =	shalt  }
0x7c: {  	_ =	shalt  }
0x7d: {  	_ =	shalt  }
0x7e: {  	_ =	shalt  }
0x7f: {  	_ =	shalt  }
0x80: {  	_ =	shalt  }
0x81: {  	_ =	shalt  }
0x82: {  	_ =	shalt  }
0x83: {  	_ =	shalt  }
0x84: {  	_ =	shalt  }
0x85: {  	_ =	shalt  }
0x86: {  	_ =	shalt  }
0x87: {  	_ =	shalt  }
.Lfunc_end0:
.L_simem_size_0:
called_computation.2_lowered:
.L_overlay_start_0:
0x88: {  	s2 =	sld [smem:$0x3FD9]  }
0x89: {  	s3 =	sld [smem:$0x3FFE];
	_ =	sdelay $0x1  }
0x8a: {  	s1 =	srdreg.scid  }
0x8b: {  	s0 =	sand.u32 $0x1, s1  }
0x8c: {  	s14 =	sshll.u32 s0, $0xA;
	s2 =	sadd.s32 s3, s2  }
0x8d: {  	s2 =	sadd.s32 s2, s14  }
0x8e: {  	[smem:$0x3FB2] =	sst s2  }
0x8f: {  	_ = 	snop  }
0x90: {  	s2 =	sld [smem:$0x3FD0];
	_ =	sdelay $0x2  }
0x91: {  	s15 =	simm.s32 $0xA;
	s4 =	simm.s32 $0x10  }
0x92: {  	[smem:s4], [sflag:s15] =	dma.local [hbm:s2], $0x1  }
0x93: {  	_ =	swait.eq [sflag:s15], $0x1  }
0x94: {  	[sflag:s15] =	ssyncset.done $0x0  }
0x95: {  	s16 =	sld [smem:$0x10];
	[sflag:s15] =	ssyncadd.s32 $0xFFFFFFFF  }
0x96: {  	s17 =	sld [smem:$0x13];
	(tm) =	ssettm $0x1  }
0x97: {  	s18 =	sld [smem:$0x3FFB];
	_ =	sdelay $0x3  }
0x98: {  	_ =	strace s18  }
0x99: {  	s4 =	sld [smem:$0x3FFC];
	_ =	sdelay $0x3  }
0x9a: {  	_ =	strace s4  }
0x9b: {  	s4 =	sld [smem:$0x3FFD];
	_ =	sdelay $0x3  }
0x9c: {  	_ =	strace s4  }
0x9d: {  	_ =	strace $0x8FFFFFFF  }
0x9e: {  	s19 =	sld [smem:$0x3FDB];
	_ =	sdelay $0x1  }
0x9f: {  	s5 =	simm.s32 $_scs_section_size  }
0xa0: {  	s6 =	simm.s32 $_size__tile_overlayer_lowered;
	s7 =	simm.s32 $_tile_overlayer_lowered  }
0xa1: {  	s22 =	simm.s32 $0x1BFF;
	s21 =	sshll.u32 s7, $0x1;
	s4 =	sadd.s32 s5, s19  }
0xa2: {  	s8 =	simm.s32 $0x0;
	s20 =	sshll.u32 s6, $0x1;
	s6 =	sadd.s32 s21, s4  }
0xa3: {  	[timem:s8], [sflag:s22] =	dma.local [hbm:s6], s20  }
0xa4: {  	_ =	swait.ge [sflag:s22], s20  }
0xa5: {  	s5 =	ssub.s32 $0x0, s20;
	[sflag:s22] =	ssyncset.done $0x0  }
0xa6: {  	[sflag:s22] =	ssyncadd.s32 s5;
	_ =	sdelay $0x1  }
0xa7: {  	s23 =	simm.s32 $0x1B8B  }
0xa8: {  	_ =	swait.ge [sflag:s23], $0x1  }
0xa9: {  	[sflag:s23] =	ssyncset.done $0x0  }
0xaa: {  	s25 =	simm.s32 $0x1B8E;
	s24 =	sld [smem:$0x3FFE];
	[sflag:s23] =	ssyncadd.s32 $0xFFFFFFFF  }
0xab: {  	s26 =	simm.s32 $execute0_lowered;
	[smem:$0x3FD2] =	sst s25  }
0xac: {  	s6 =	sshll.u32 s26, $0x1;
	_ =	strace $0x8000004C;
	[dreg:$0x1] =	wrdreg $0xFFFFFFFF  }
0xad: {  	s28 =	simm.s32 $_size_execute0_lowered;
	s4 =	sadd.s32 s4, s6;
	[dreg:$0x0] =	wrdreg $0x0  }
0xae: {  	s6 =	sshll.u32 s28, $0x1;
	[dreg:$0x2] =	wrdreg s4  }
0xaf: {  	[dreg:$0x3] =	wrdreg s6  }
0xb0: {  	[dreg:$0x4] =	wrdreg $0xC0  }
0xb1: {  	_ =	task [dreg:s8], $0x5FFFF  }
0xb2: {  	[dreg:$0x1] =	wrdreg $0xFFFFFFFF  }
0xb3: {  	[dreg:$0x0] =	wrdreg $0x60  }
0xb4: {  	[dreg:$0x2] =	wrdreg s17  }
0xb5: {  	[dreg:$0x3] =	wrdreg s24  }
0xb6: {  	[dreg:$0x4] =	wrdreg s16  }
0xb7: {  	[dreg:$0x5] =	wrdreg $0x41000  }
0xb8: {  	[dreg:$0x6] =	wrdreg $0x9  }
0xb9: {  	_ =	task.clear_ibuf [dreg:s8], $0x7FFFF;
	_ =	strace $0x9000004C  }
0xba: {  	s29 =	simm.s32 $0x9;
	_ =	strace $0x8000004E  }
0xbb: {  	_ =	swait.ge [sflag:s29], $0x1  }
0xbc: {  	[sflag:s29] =	ssyncadd.s32 $0xFFFFFFFF  }
0xbd: {  	_ =	strace $0x9000004E  }
0xbe: {  	_ =	sfence  }
0xbf: {  	s30 =	sld [smem:$0x0];
	_ =	sdelay $0x2  }
0xc0: {  	s31 =	sshll.u32 s1, $0xD;
	s1 =	sshrl.u32 s1, $0x2  }
0xc1: {  	s3 =	sand.u32 $0x4000, s31;
	s1 =	sadd.s32 s1, s30  }
0xc2: {  	s0 =	sor.u32 s3, s0;
	s1 =	sshll.u32 s1, $0x11  }
0xc3: {  	s0 =	sor.u32 s1, s0  }
0xc4: {  	s0 =	sadd.s32 $0x8F2B, s0  }
0xc5: {  	[sflag:s0] =	ssyncadd.remote.s32 $0x1  }
0xc6: {  	_ =	sfence.sel $0xFFFF  }
0xc7: {  	[dreg:$0x0] =	wrdreg $0xFFFFFFFF;
	(pc) =	sbr.abs _section_cstart, $3  }
0xc8: {  	[dreg:$0x1] =	wrdreg $0xFFFFFFFF  }
0xc9: {  	_ =	task.clear_ibuf [dreg:s8], $0x2FFFF;
	_ =	strace $0x9FFFFFFF  }
0xca: {  	(tm) =	ssettm $0x7FFFFFFF  }
0xcb: {  	_ =	shalt  }
tec
execute0_lowered:
.L_overlay_start_1:
0x0: {  	(tag) =	ssettag $0x1  }
0x1: {  	s11 =	rddreg [dreg:$0x0]  }
0x2: {  	s5 =	rddreg [dreg:$0x1]  }
0x3: {  	s2 =	rddreg [dreg:$0x2]  }
0x4: {  	s3 =	rddreg [dreg:$0x3]  }
0x5: {  	s0 =	rddreg [dreg:$0x4];
	s1 =	stileid.u32;
	s4 =	simm.s32 $0x0  }
0x6: {  	s6 =	srdreg.scid;
	s15 =	simm.s32 $0x100;
	s7 =	smul.u32 $0x3D, s1  }
0x7: {  	s16 =	simm.s32 $0x1;
	s17 =	simm.s32 $0x0;
	s8 =	smul.u32 $0x61, s1  }
0x8: {  	[smem:$0x7FF] =	sst s4;
	s6 =	sand.u32 $0x1, s6;
	s9 =	smul.u32 $0x14000, s1  }
0x9: {  	s28 =	smul.u32 $0x50000, s1;
	s31 =	sshll.u32 s1, $0x6;
	p0 =	seq.s32 s6, $0x0  }
0xa: {  	s25 =	smul.u32 $0x140000, s6;
	_ =	strace $0x8000004D;
	s6 =	ssub.s32 $0x2, s6  }
0xb: {  	s7 =	sadd.s32 $0x610, s7;
	s26 =	sshrl.u32 s9, $0x3;
	s29 =	sshrl.u32 s6, $0x1  }
0xc: {  	s30 =	sshrl.u32 s28, $0x2;
	s7 =	smov.u32 @p0 s8;
	s8 =	sadd.s32 s9, s25  }
0xd: {  	s13 =	ssub.s32 s6, s29;
	s14 =	sadd.s32 s30, s3;
	s12 =	sshll.u32 s7, $0x4  }
0xe: {  	s8 =	sshrl.u32 s8, $0x3;
	s7 =	sadd.s32 s26, s5;
	s9 =	smax.u32 s13, $0x1  }
0xf: {  	s13 =	simm.s32 $0x2;
	s10 =	sadd.s32 s12, s5;
	s8 =	sadd.s32 s8, s5  }
0x10: {  	s5 =	simm.s32 $0x61;
	s6 =	sadd.s32 $0x37400, s7;
	s7 =	sor.u32 $0x1C02, s31  }
0x11: {  	s11 =	sadd.s32 s12, s11;
	s12 =	sshrl.u32 s14, $0x3;
	s14 =	simm.s32 $0x80  }
0x12: {  	s5 =	simm.s32 @!p0 $0x3D;
	s8 =	sadd.s32 $0x5F400, s8;
	s10 =	sadd.s32 $0x6400, s10  }
.LBB2_1:
0x13: {  	[spmem:s12], [sflag:s7] =	dma.local [hbm:s6], $0x2800  }
0x14: {  	_ =	swait.ge [sflag:s13], $0x2800  }
0x15: {  	[sflag:s13] =	ssyncset.done $0x0  }
0x16: {  	[sflag:s13] =	ssyncadd.s32 $0xFFFFD800  }
0x17: {  	[bflag:$0x0] =	sbarrier.arrive $0xFFFF  }
0x18: {  	[tilespmem:s4], [sflag:$0x2] =	stream.linear.gather [hbm4b:s11+s4], $0x80, $0x38;
	[tilespmem:$0x18100] =	vst v63  }
0x19: {  	_ =	swait.ge [sflag:s13], $0x80  }
0x1a: {  	[sflag:s13] =	ssyncset.done $0x0  }
0x1b: {  	[sflag:s13] =	ssyncadd.s32 $0xFFFFFF80  }
0x1c: {  	[tilespmem:s14], [sflag:$0x2] =	stream.linear.gather [hbm4b:s10+s4], $0x80, $0x38;
	[tilespmem:$0x18100] =	vst v63  }
0x1d: {  	_ =	swait.ge [sflag:s13], $0x80  }
0x1e: {  	[sflag:s13] =	ssyncset.done $0x0  }
0x1f: {  	[sflag:s13] =	ssyncadd.s32 $0xFFFFFF80  }
0x20: {  	[tilespmem:s15], [sflag:$0x1] =	stream.indirect.gather [hbm4b:s2+s14], $0x80, s4, s14, $0xb8;
	[tilespmem:$0x18100] =	vst v63  }
0x21: {  	p0 =	sne.s32 s5, $0x1;
	_ =	swait.ge [sflag:s16], $0x4000  }
.Ltmp0:
0x22: {  	[sflag:s16] =	ssyncset.done $0x0;
	(pc) =	sbr.rel @!p0 .LBB2_3-.Ltmp0, $4  }
0x23: {  	[sflag:s16] =	ssyncadd.s32 $0xFFFFC000  }
0x24: {  	[spmem:s3] =	stream.indirect.scatter.add.f32 [tilespmem:s15], [sflag:$0x2], $0x80, s14, s14, $0xb8;
	[tilespmem:$0x18100] =	vst v63  }
0x25: {  	s18 =	sadd.s32 $0xFFFFFFFF, s5;
	_ =	swait.ge [sflag:s13], $0x4000  }
0x26: {  	s19 =	smov.u32 s10;
	s20 =	smov.u32 s11;
	[sflag:s13] =	ssyncset.done $0x0  }
.LBB2_2:
0x27: {  	[sflag:s13] =	ssyncadd.s32 $0xFFFFC000;
	s19 =	sadd.s32 $0x10, s19;
	s20 =	sadd.s32 $0x10, s20  }
0x28: {  	[tilespmem:s4], [sflag:$0x2] =	stream.linear.gather [hbm4b:s20+s4], $0x80, $0x38;
	[tilespmem:$0x18100] =	vst v63  }
0x29: {  	p0 =	sne.s32 s18, $0x1;
	s18 =	sadd.s32 $0xFFFFFFFF, s18;
	_ =	swait.ge [sflag:s13], $0x80  }
0x2a: {  	[sflag:s13] =	ssyncset.done $0x0  }
0x2b: {  	[sflag:s13] =	ssyncadd.s32 $0xFFFFFF80  }
0x2c: {  	[tilespmem:s14], [sflag:$0x2] =	stream.linear.gather [hbm4b:s19+s4], $0x80, $0x38;
	[tilespmem:$0x18100] =	vst v63  }
0x2d: {  	_ =	swait.ge [sflag:s13], $0x80  }
0x2e: {  	[sflag:s13] =	ssyncset.done $0x0  }
0x2f: {  	[sflag:s13] =	ssyncadd.s32 $0xFFFFFF80  }
0x30: {  	[tilespmem:s15], [sflag:$0x1] =	stream.indirect.gather [hbm4b:s2+s14], $0x80, s4, s14, $0xb8;
	[tilespmem:$0x18100] =	vst v63  }
0x31: {  	_ =	swait.ge [sflag:s16], $0x4000  }
.Ltmp1:
0x32: {  	[sflag:s16] =	ssyncset.done $0x0;
	(pc) =	sbr.rel @p0 .LBB2_2-.Ltmp1, $4  }
0x33: {  	[sflag:s16] =	ssyncadd.s32 $0xFFFFC000  }
0x34: {  	[spmem:s3] =	stream.indirect.scatter.add.f32 [tilespmem:s15], [sflag:$0x2], $0x80, s14, s14, $0xb8;
	[tilespmem:$0x18100] =	vst v63  }
0x35: {  	_ =	swait.ge [sflag:s13], $0x4000  }
0x36: {  	[sflag:s13] =	ssyncset.done $0x0  }
.LBB2_3:
0x37: {  	s17 =	sadd.s32 $0x1, s17  }
0x38: {  	[sflag:s13] =	ssyncadd.s32 $0xFFFFC000;
	p0 =	sne.s32 s17, s9  }
.Ltmp2:
0x39: {  	[bflag:$0x0] =	sbarrier.arrive $0xFFFF;
	(pc) =	sbr.rel @p0 .LBB2_1-.Ltmp2, $4  }
0x3a: {  	[hbm:s8], [sflag:s7] =	dma.local [spmem:s12], $0x2800  }
0x3b: {  	_ =	swait.ge [sflag:s13], $0x2800  }
0x3c: {  	[sflag:s13] =	ssyncset.done $0x0  }
0x3d: {  	[sflag:s13] =	ssyncadd.s32 $0xFFFFD800  }
0x3e: {  	_ =	sfence.sel $0x180000  }
0x3f: {  	[bflag:$0x0] =	sbarrier.arrive $0xFFFF  }
0x40: {  	p0 =	sne.s32 s1, $0x0;
	_ =	strace $0x9000004D  }
0x41: {  	s0 =	sadd.s32 @!p0 $0x100000, s0;
	[bflag:$0x2] =	sbarrier.arrive $0xFFFF  }
0x42: {  	[sflag:s0] =	ssyncadd.tile.s32 @!p0 $0x1;
	_ =	shalt  }
.Lfunc_end2:
_tile_overlayer_lowered:
.L_overlay_start_2:
0x43: {  	(tag) =	ssettag $0x2  }
0x44: {  	s0 =	rddreg [dreg:$0x0];
	s2 =	stileid.u32  }
0x45: {  	s1 =	rddreg [dreg:$0x1];
	p0 =	sne.s32 s2, $0x0  }
0x46: {  	s3 =	rddreg [dreg:$0x2];
	[bflag:$0x3] =	sbarrier.arrive $0xFFFF;
	s2 =	simm.s32 @!p0 $0x1C02  }
0x47: {  	[timem:s3], [sflag:s2] =	dma.local @!p0 [hbm:s0], s1  }
0x48: {  	s0 =	simm.s32 @!p0 $0x2  }
0x49: {  	_ =	swait.ge @!p0 [sflag:s0], s1  }
0x4a: {  	s1 =	ssub.s32 @!p0 $0x0, s1;
	[sflag:s0] =	ssyncset.done @!p0 $0x0  }
0x4b: {  	[sflag:s0] =	ssyncadd.s32 @!p0 s1  }
0x4c: {  	[bflag:$0x3] =	sbarrier.arrive $0xFFFF  }
0x4d: {  	_ =	shalt  }

// kernel: kernel.19.cloned.1.call-start
scs
__scs_entry_jumppad:
0x0: {  	(pc) =	sbr.rel $0x88, $3  }
0x1: {  	(tag) =	ssettag $0x0;
	lr =	simm.s32 $0x1  }
0x2: {  	[smem:$0x3F8B] =	sst lr;
	_ =	strace $0xD0000000  }
0x3: {  	_ = 	snop  }
0x4: {  	_ = 	snop  }
0x5: {  	_ = 	snop  }
0x6: {  	_ = 	snop  }
0x7: {  	_ = 	snop  }
__scs_overlays_trampoline_lowered:
0x8: {  	[smem:$0x3F9A] =	sst s0  }
0x9: {  	[smem:$0x3F9B] =	sst s1  }
0xa: {  	[smem:$0x3F9C] =	sst s2  }
0xb: {  	[smem:$0x3F9D] =	sst s3  }
0xc: {  	[smem:$0x3F9E] =	sst s4  }
0xd: {  	[smem:$0x3F9F] =	sst s5  }
0xe: {  	[smem:$0x3FA0] =	sst s6  }
0xf: {  	[smem:$0x3FA1] =	sst s7  }
0x10: {  	[smem:$0x3FA2] =	sst s8  }
0x11: {  	[smem:$0x3FA3] =	sst s9;
	s0 =	simm.s32 @!p0 $0x0  }
0x12: {  	s1 =	sld [smem:$0x3F89];
	s0 =	simm.s32 @p0 $0x1  }
0x13: {  	[smem:$0x3FA4] =	sst s0;
	s0 =	simm.s32 @!p1 $0x0  }
0x14: {  	s2 =	sld [smem:$0x3F88];
	s0 =	simm.s32 @p1 $0x1  }
0x15: {  	[smem:$0x3FA5] =	sst s0;
	s0 =	simm.s32 @!p2 $0x0  }
0x16: {  	s3 =	sld [smem:$0x3FDB];
	s0 =	simm.s32 @p2 $0x1  }
0x17: {  	s4 =	simm.s32 $0x1BF5;
	[smem:$0x3FA7] =	sst s0  }
0x18: {  	s0 =	sld [smem:$0x3F8A];
	_ =	swait.ge [sflag:s4], $0x0  }
0x19: {  	s7 =	sld [smem:$0x3F8B]  }
0x1a: {  	s8 =	sadd.s32 $0xFFFFE003, lr  }
0x1b: {  	s9 =	sadd.s32 $0xFFFFFEF7, lr;
	s5 =	simm.s32 $0xFFFFFFFF;
	p2 =	slt.u32 s8, $0xFFFFF086  }
0x1c: {  	p1 =	slt.u32 s9, $0xF7A;
	s5 =	simm.s32 @!p2 $0x0  }
0x1d: {  	s5 =	simm.s32 @p1 $0x1;
	p0 =	seq.s32 s7, s2  }
0x1e: {  	s7 =	smul.u32 @!p0 $0xF7A, s2;
	p2 =	seq.s32 @!p0 s5, $0x0  }
0x1f: {  	s9 =	smul.u32 $0xF7A, s1;
	s8 =	simm.s32 @!p0 $0x1BF5;
	p2 =	por !p2, p0  }
0x20: {  	[sflag:s8] =	ssyncset.s32 @!p0 $0xFFFFF086;
	s6 =	sadd.s32 @!p0 s3, s7;
	s7 =	simm.s32 @!p0 $0x108  }
0x21: {  	s3 =	sadd.s32 s3, s9;
	s6 =	sadd.s32 @!p0 $0x88, s6;
	s7 =	simm.s32 @p2 $0x1082  }
0x22: {  	[simem:s7], [sflag:s8] =	dma.local @!p0 [hbm:s6], $0xF7A  }
0x23: {  	s9 =	sor.u32 $0xD0000000, s2;
	s6 =	simm.s32 $0x108;
	_ =	swait.ge @!p0 [sflag:s8], $0x0  }
0x24: {  	s3 =	sadd.s32 $0x88, s3;
	s6 =	simm.s32 @!p1 $0x1082;
	[sflag:s4] =	ssyncset.s32 $0xFFFFF086  }
0x25: {  	[simem:s6], [sflag:s4] =	dma.local [hbm:s3], $0xF7A  }
0x26: {  	[smem:$0x3F8B] =	sst s1;
	(tag) =	ssettag s2;
	_ =	strace s9  }
0x27: {  	s1 =	sld [smem:$0x3F9B]  }
0x28: {  	s2 =	sld [smem:$0x3F9C]  }
0x29: {  	s4 =	sld [smem:$0x3F9E]  }
0x2a: {  	p0 =	seq.s32 s5, $0x0;
	s5 =	sld [smem:$0x3F9F]  }
0x2b: {  	s6 =	sld [smem:$0x3FA0]  }
0x2c: {  	s7 =	sld [smem:$0x3FA1]  }
0x2d: {  	s3 =	simm.s32 $0x108;
	s8 =	sld [smem:$0x3FA2]  }
0x2e: {  	s3 =	simm.s32 @!p0 $0x1082;
	s9 =	sld [smem:$0x3FA3]  }
0x2f: {  	lr =	sadd.s32 s0, s3;
	s0 =	sld [smem:$0x3F9A]  }
0x30: {  	s3 =	sld [smem:$0x3F9D]  }
0x31: {  	[smem:$0x3FA6] =	sst s10  }
0x32: {  	s10 =	sld [smem:$0x3FA4];
	_ =	sdelay $0x3  }
0x33: {  	p0 =	seq.s32 s10, $0x1;
	s10 =	sld [smem:$0x3FA6];
	_ =	sdelay $0x3  }
0x34: {  	[smem:$0x3FA6] =	sst s10  }
0x35: {  	s10 =	sld [smem:$0x3FA5];
	_ =	sdelay $0x3  }
0x36: {  	p1 =	seq.s32 s10, $0x1;
	s10 =	sld [smem:$0x3FA6];
	_ =	sdelay $0x3  }
0x37: {  	[smem:$0x3FA6] =	sst s10  }
0x38: {  	s10 =	sld [smem:$0x3FA7]  }
0x39: {  	_ = 	snop;
	(pc) =	sbr.ind lr, $3  }
0x3a: {  	_ = 	snop  }
0x3b: {  	_ = 	snop  }
0x3c: {  	p2 =	seq.s32 s10, $0x1;
	s10 =	sld [smem:$0x3FA6]  }
0x3d: {  	_ =	shalt  }
0x3e: {  	_ =	shalt  }
0x3f: {  	_ =	shalt  }
0x40: {  	_ =	shalt  }
0x41: {  	_ =	shalt  }
0x42: {  	_ =	shalt  }
0x43: {  	_ =	shalt  }
0x44: {  	_ =	shalt  }
0x45: {  	_ =	shalt  }
0x46: {  	_ =	shalt  }
0x47: {  	_ =	shalt  }
0x48: {  	_ =	shalt  }
0x49: {  	_ =	shalt  }
0x4a: {  	_ =	shalt  }
0x4b: {  	_ =	shalt  }
0x4c: {  	_ =	shalt  }
0x4d: {  	_ =	shalt  }
0x4e: {  	_ =	shalt  }
0x4f: {  	_ =	shalt  }
0x50: {  	_ =	shalt  }
0x51: {  	_ =	shalt  }
0x52: {  	_ =	shalt  }
0x53: {  	_ =	shalt  }
0x54: {  	_ =	shalt  }
0x55: {  	_ =	shalt  }
0x56: {  	_ =	shalt  }
0x57: {  	_ =	shalt  }
0x58: {  	_ =	shalt  }
0x59: {  	_ =	shalt  }
0x5a: {  	_ =	shalt  }
0x5b: {  	_ =	shalt  }
0x5c: {  	_ =	shalt  }
0x5d: {  	_ =	shalt  }
0x5e: {  	_ =	shalt  }
0x5f: {  	_ =	shalt  }
0x60: {  	_ =	shalt  }
0x61: {  	_ =	shalt  }
0x62: {  	_ =	shalt  }
0x63: {  	_ =	shalt  }
0x64: {  	_ =	shalt  }
0x65: {  	_ =	shalt  }
0x66: {  	_ =	shalt  }
0x67: {  	_ =	shalt  }
0x68: {  	_ =	shalt  }
0x69: {  	_ =	shalt  }
0x6a: {  	_ =	shalt  }
0x6b: {  	_ =	shalt  }
0x6c: {  	_ =	shalt  }
0x6d: {  	_ =	shalt  }
0x6e: {  	_ =	shalt  }
0x6f: {  	_ =	shalt  }
0x70: {  	_ =	shalt  }
0x71: {  	_ =	shalt  }
0x72: {  	_ =	shalt  }
0x73: {  	_ =	shalt  }
0x74: {  	_ =	shalt  }
0x75: {  	_ =	shalt  }
0x76: {  	_ =	shalt  }
0x77: {  	_ =	shalt  }
0x78: {  	_ =	shalt  }
0x79: {  	_ =	shalt  }
0x7a: {  	_ =	shalt  }
0x7b: {  	_ =	shalt  }
0x7c: {  	_ =	shalt  }
0x7d: {  	_ =	shalt  }
0x7e: {  	_ =	shalt  }
0x7f: {  	_ =	shalt  }
0x80: {  	_ =	shalt  }
0x81: {  	_ =	shalt  }
0x82: {  	_ =	shalt  }
0x83: {  	_ =	shalt  }
0x84: {  	_ =	shalt  }
0x85: {  	_ =	shalt  }
0x86: {  	_ =	shalt  }
0x87: {  	_ =	shalt  }
.Lfunc_end0:
.L_simem_size_0:
called_computation.3_lowered:
.L_overlay_start_0:
0x88: {  	s2 =	sld [smem:$0x3FD9]  }
0x89: {  	s3 =	sld [smem:$0x3FFE];
	_ =	sdelay $0x1  }
0x8a: {  	s1 =	srdreg.scid  }
0x8b: {  	s0 =	sand.u32 $0x1, s1  }
0x8c: {  	s14 =	sshll.u32 s0, $0xA;
	s2 =	sadd.s32 s3, s2  }
0x8d: {  	s2 =	sadd.s32 s2, s14  }
0x8e: {  	[smem:$0x3FB2] =	sst s2  }
0x8f: {  	_ = 	snop  }
0x90: {  	s2 =	sld [smem:$0x3FD0];
	_ =	sdelay $0x2  }
0x91: {  	s15 =	simm.s32 $0xA;
	s4 =	simm.s32 $0x10  }
0x92: {  	[smem:s4], [sflag:s15] =	dma.local [hbm:s2], $0x1  }
0x93: {  	_ =	swait.eq [sflag:s15], $0x1  }
0x94: {  	[sflag:s15] =	ssyncset.done $0x0  }
0x95: {  	s16 =	sld [smem:$0x10];
	[sflag:s15] =	ssyncadd.s32 $0xFFFFFFFF  }
0x96: {  	s17 =	sld [smem:$0x13];
	(tm) =	ssettm $0x1  }
0x97: {  	s18 =	sld [smem:$0x3FFB];
	_ =	sdelay $0x3  }
0x98: {  	_ =	strace s18  }
0x99: {  	s4 =	sld [smem:$0x3FFC];
	_ =	sdelay $0x3  }
0x9a: {  	_ =	strace s4  }
0x9b: {  	s4 =	sld [smem:$0x3FFD];
	_ =	sdelay $0x3  }
0x9c: {  	_ =	strace s4  }
0x9d: {  	_ =	strace $0x8FFFFFFF  }
0x9e: {  	s19 =	sld [smem:$0x3FDB];
	_ =	sdelay $0x1  }
0x9f: {  	s5 =	simm.s32 $_scs_section_size  }
0xa0: {  	s6 =	simm.s32 $_size__tile_overlayer_lowered;
	s7 =	simm.s32 $_tile_overlayer_lowered  }
0xa1: {  	s22 =	simm.s32 $0x1BFF;
	s21 =	sshll.u32 s7, $0x1;
	s4 =	sadd.s32 s5, s19  }
0xa2: {  	s8 =	simm.s32 $0x0;
	s20 =	sshll.u32 s6, $0x1;
	s6 =	sadd.s32 s21, s4  }
0xa3: {  	[timem:s8], [sflag:s22] =	dma.local [hbm:s6], s20  }
0xa4: {  	_ =	swait.ge [sflag:s22], s20  }
0xa5: {  	s5 =	ssub.s32 $0x0, s20;
	[sflag:s22] =	ssyncset.done $0x0  }
0xa6: {  	[sflag:s22] =	ssyncadd.s32 s5;
	_ =	sdelay $0x1  }
0xa7: {  	s23 =	simm.s32 $0x1B8B  }
0xa8: {  	_ =	swait.ge [sflag:s23], $0x1  }
0xa9: {  	[sflag:s23] =	ssyncset.done $0x0  }
0xaa: {  	s25 =	simm.s32 $0x1B8E;
	s24 =	sld [smem:$0x3FFE];
	[sflag:s23] =	ssyncadd.s32 $0xFFFFFFFF  }
0xab: {  	s26 =	simm.s32 $execute0_lowered;
	[smem:$0x3FD2] =	sst s25  }
0xac: {  	s6 =	sshll.u32 s26, $0x1;
	_ =	strace $0x8000004F;
	[dreg:$0x1] =	wrdreg $0xFFFFFFFF  }
0xad: {  	s28 =	simm.s32 $_size_execute0_lowered;
	s4 =	sadd.s32 s4, s6;
	[dreg:$0x0] =	wrdreg $0x0  }
0xae: {  	s6 =	sshll.u32 s28, $0x1;
	[dreg:$0x2] =	wrdreg s4  }
0xaf: {  	[dreg:$0x3] =	wrdreg s6  }
0xb0: {  	[dreg:$0x4] =	wrdreg $0xC0  }
0xb1: {  	_ =	task [dreg:s8], $0x5FFFF  }
0xb2: {  	[dreg:$0x1] =	wrdreg $0xFFFFFFFF  }
0xb3: {  	[dreg:$0x0] =	wrdreg $0x60  }
0xb4: {  	[dreg:$0x2] =	wrdreg s17  }
0xb5: {  	[dreg:$0x3] =	wrdreg s24  }
0xb6: {  	[dreg:$0x4] =	wrdreg s16  }
0xb7: {  	[dreg:$0x5] =	wrdreg $0x41000  }
0xb8: {  	[dreg:$0x6] =	wrdreg $0x9  }
0xb9: {  	_ =	task.clear_ibuf [dreg:s8], $0x7FFFF;
	_ =	strace $0x9000004F  }
0xba: {  	s29 =	simm.s32 $0x9;
	_ =	strace $0x80000051  }
0xbb: {  	_ =	swait.ge [sflag:s29], $0x1  }
0xbc: {  	[sflag:s29] =	ssyncadd.s32 $0xFFFFFFFF  }
0xbd: {  	_ =	strace $0x90000051  }
0xbe: {  	_ =	sfence  }
0xbf: {  	s30 =	sld [smem:$0x0];
	_ =	sdelay $0x2  }
0xc0: {  	s31 =	sshll.u32 s1, $0xD;
	s1 =	sshrl.u32 s1, $0x2  }
0xc1: {  	s3 =	sand.u32 $0x4000, s31;
	s1 =	sadd.s32 s1, s30  }
0xc2: {  	s0 =	sor.u32 s3, s0;
	s1 =	sshll.u32 s1, $0x11  }
0xc3: {  	s0 =	sor.u32 s1, s0  }
0xc4: {  	s0 =	sadd.s32 $0x8F2B, s0  }
0xc5: {  	[sflag:s0] =	ssyncadd.remote.s32 $0x1  }
0xc6: {  	_ =	sfence.sel $0xFFFF  }
0xc7: {  	[dreg:$0x0] =	wrdreg $0xFFFFFFFF;
	(pc) =	sbr.abs _section_cstart, $3  }
0xc8: {  	[dreg:$0x1] =	wrdreg $0xFFFFFFFF  }
0xc9: {  	_ =	task.clear_ibuf [dreg:s8], $0x2FFFF;
	_ =	strace $0x9FFFFFFF  }
0xca: {  	(tm) =	ssettm $0x7FFFFFFF  }
0xcb: {  	_ =	shalt  }
tec
execute0_lowered:
.L_overlay_start_1:
0x0: {  	(tag) =	ssettag $0x1  }
0x1: {  	s11 =	rddreg [dreg:$0x0]  }
0x2: {  	s5 =	rddreg [dreg:$0x1]  }
0x3: {  	s2 =	rddreg [dreg:$0x2]  }
0x4: {  	s3 =	rddreg [dreg:$0x3]  }
0x5: {  	s0 =	rddreg [dreg:$0x4];
	s1 =	stileid.u32;
	s4 =	simm.s32 $0x0  }
0x6: {  	s6 =	srdreg.scid;
	s15 =	simm.s32 $0x100;
	s7 =	smul.u32 $0x3D, s1  }
0x7: {  	s16 =	simm.s32 $0x1;
	s17 =	simm.s32 $0x0;
	s8 =	smul.u32 $0x61, s1  }
0x8: {  	[smem:$0x7FF] =	sst s4;
	s6 =	sand.u32 $0x1, s6;
	s9 =	smul.u32 $0x14000, s1  }
0x9: {  	s28 =	smul.u32 $0x50000, s1;
	s31 =	sshll.u32 s1, $0x6;
	p0 =	seq.s32 s6, $0x0  }
0xa: {  	s25 =	smul.u32 $0x140000, s6;
	_ =	strace $0x80000050;
	s6 =	ssub.s32 $0x2, s6  }
0xb: {  	s7 =	sadd.s32 $0x610, s7;
	s26 =	sshrl.u32 s9, $0x3;
	s29 =	sshrl.u32 s6, $0x1  }
0xc: {  	s30 =	sshrl.u32 s28, $0x2;
	s7 =	smov.u32 @p0 s8;
	s8 =	sadd.s32 s9, s25  }
0xd: {  	s13 =	ssub.s32 s6, s29;
	s14 =	sadd.s32 s30, s3;
	s12 =	sshll.u32 s7, $0x4  }
0xe: {  	s8 =	sshrl.u32 s8, $0x3;
	s7 =	sadd.s32 s26, s5;
	s9 =	smax.u32 s13, $0x1  }
0xf: {  	s13 =	simm.s32 $0x2;
	s10 =	sadd.s32 s12, s5;
	s8 =	sadd.s32 s8, s5  }
0x10: {  	s5 =	simm.s32 $0x61;
	s6 =	sadd.s32 $0x37400, s7;
	s7 =	sor.u32 $0x1C02, s31  }
0x11: {  	s11 =	sadd.s32 s12, s11;
	s12 =	sshrl.u32 s14, $0x3;
	s14 =	simm.s32 $0x80  }
0x12: {  	s5 =	simm.s32 @!p0 $0x3D;
	s8 =	sadd.s32 $0x5F400, s8;
	s10 =	sadd.s32 $0x6400, s10  }
.LBB2_1:
0x13: {  	[spmem:s12], [sflag:s7] =	dma.local [hbm:s6], $0x2800  }
0x14: {  	_ =	swait.ge [sflag:s13], $0x2800  }
0x15: {  	[sflag:s13] =	ssyncset.done $0x0  }
0x16: {  	[sflag:s13] =	ssyncadd.s32 $0xFFFFD800  }
0x17: {  	[bflag:$0x0] =	sbarrier.arrive $0xFFFF  }
0x18: {  	[tilespmem:s4], [sflag:$0x2] =	stream.linear.gather [hbm4b:s11+s4], $0x80, $0x38;
	[tilespmem:$0x18100] =	vst v63  }
0x19: {  	_ =	swait.ge [sflag:s13], $0x80  }
0x1a: {  	[sflag:s13] =	ssyncset.done $0x0  }
0x1b: {  	[sflag:s13] =	ssyncadd.s32 $0xFFFFFF80  }
0x1c: {  	[tilespmem:s14], [sflag:$0x2] =	stream.linear.gather [hbm4b:s10+s4], $0x80, $0x38;
	[tilespmem:$0x18100] =	vst v63  }
0x1d: {  	_ =	swait.ge [sflag:s13], $0x80  }
0x1e: {  	[sflag:s13] =	ssyncset.done $0x0  }
0x1f: {  	[sflag:s13] =	ssyncadd.s32 $0xFFFFFF80  }
0x20: {  	[tilespmem:s15], [sflag:$0x1] =	stream.indirect.gather [hbm4b:s2+s14], $0x80, s4, s14, $0xb8;
	[tilespmem:$0x18100] =	vst v63  }
0x21: {  	p0 =	sne.s32 s5, $0x1;
	_ =	swait.ge [sflag:s16], $0x4000  }
.Ltmp0:
0x22: {  	[sflag:s16] =	ssyncset.done $0x0;
	(pc) =	sbr.rel @!p0 .LBB2_3-.Ltmp0, $4  }
0x23: {  	[sflag:s16] =	ssyncadd.s32 $0xFFFFC000  }
0x24: {  	[spmem:s3] =	stream.indirect.scatter.add.f32 [tilespmem:s15], [sflag:$0x2], $0x80, s14, s14, $0xb8;
	[tilespmem:$0x18100] =	vst v63  }
0x25: {  	s18 =	sadd.s32 $0xFFFFFFFF, s5;
	_ =	swait.ge [sflag:s13], $0x4000  }
0x26: {  	s19 =	smov.u32 s10;
	s20 =	smov.u32 s11;
	[sflag:s13] =	ssyncset.done $0x0  }
.LBB2_2:
0x27: {  	[sflag:s13] =	ssyncadd.s32 $0xFFFFC000;
	s19 =	sadd.s32 $0x10, s19;
	s20 =	sadd.s32 $0x10, s20  }
0x28: {  	[tilespmem:s4], [sflag:$0x2] =	stream.linear.gather [hbm4b:s20+s4], $0x80, $0x38;
	[tilespmem:$0x18100] =	vst v63  }
0x29: {  	p0 =	sne.s32 s18, $0x1;
	s18 =	sadd.s32 $0xFFFFFFFF, s18;
	_ =	swait.ge [sflag:s13], $0x80  }
0x2a: {  	[sflag:s13] =	ssyncset.done $0x0  }
0x2b: {  	[sflag:s13] =	ssyncadd.s32 $0xFFFFFF80  }
0x2c: {  	[tilespmem:s14], [sflag:$0x2] =	stream.linear.gather [hbm4b:s19+s4], $0x80, $0x38;
	[tilespmem:$0x18100] =	vst v63  }
0x2d: {  	_ =	swait.ge [sflag:s13], $0x80  }
0x2e: {  	[sflag:s13] =	ssyncset.done $0x0  }
0x2f: {  	[sflag:s13] =	ssyncadd.s32 $0xFFFFFF80  }
0x30: {  	[tilespmem:s15], [sflag:$0x1] =	stream.indirect.gather [hbm4b:s2+s14], $0x80, s4, s14, $0xb8;
	[tilespmem:$0x18100] =	vst v63  }
0x31: {  	_ =	swait.ge [sflag:s16], $0x4000  }
.Ltmp1:
0x32: {  	[sflag:s16] =	ssyncset.done $0x0;
	(pc) =	sbr.rel @p0 .LBB2_2-.Ltmp1, $4  }
0x33: {  	[sflag:s16] =	ssyncadd.s32 $0xFFFFC000  }
0x34: {  	[spmem:s3] =	stream.indirect.scatter.add.f32 [tilespmem:s15], [sflag:$0x2], $0x80, s14, s14, $0xb8;
	[tilespmem:$0x18100] =	vst v63  }
0x35: {  	_ =	swait.ge [sflag:s13], $0x4000  }
0x36: {  	[sflag:s13] =	ssyncset.done $0x0  }
.LBB2_3:
0x37: {  	s17 =	sadd.s32 $0x1, s17  }
0x38: {  	[sflag:s13] =	ssyncadd.s32 $0xFFFFC000;
	p0 =	sne.s32 s17, s9  }
.Ltmp2:
0x39: {  	[bflag:$0x0] =	sbarrier.arrive $0xFFFF;
	(pc) =	sbr.rel @p0 .LBB2_1-.Ltmp2, $4  }
0x3a: {  	[hbm:s8], [sflag:s7] =	dma.local [spmem:s12], $0x2800  }
0x3b: {  	_ =	swait.ge [sflag:s13], $0x2800  }
0x3c: {  	[sflag:s13] =	ssyncset.done $0x0  }
0x3d: {  	[sflag:s13] =	ssyncadd.s32 $0xFFFFD800  }
0x3e: {  	_ =	sfence.sel $0x180000  }
0x3f: {  	[bflag:$0x0] =	sbarrier.arrive $0xFFFF  }
0x40: {  	p0 =	sne.s32 s1, $0x0;
	_ =	strace $0x90000050  }
0x41: {  	s0 =	sadd.s32 @!p0 $0x100000, s0;
	[bflag:$0x2] =	sbarrier.arrive $0xFFFF  }
0x42: {  	[sflag:s0] =	ssyncadd.tile.s32 @!p0 $0x1;
	_ =	shalt  }
.Lfunc_end2:
_tile_overlayer_lowered:
.L_overlay_start_2:
0x43: {  	(tag) =	ssettag $0x2  }
0x44: {  	s0 =	rddreg [dreg:$0x0];
	s2 =	stileid.u32  }
0x45: {  	s1 =	rddreg [dreg:$0x1];
	p0 =	sne.s32 s2, $0x0  }
0x46: {  	s3 =	rddreg [dreg:$0x2];
	[bflag:$0x3] =	sbarrier.arrive $0xFFFF;
	s2 =	simm.s32 @!p0 $0x1C02  }
0x47: {  	[timem:s3], [sflag:s2] =	dma.local @!p0 [hbm:s0], s1  }
0x48: {  	s0 =	simm.s32 @!p0 $0x2  }
0x49: {  	_ =	swait.ge @!p0 [sflag:s0], s1  }
0x4a: {  	s1 =	ssub.s32 @!p0 $0x0, s1;
	[sflag:s0] =	ssyncset.done @!p0 $0x0  }
0x4b: {  	[sflag:s0] =	ssyncadd.s32 @!p0 s1  }
0x4c: {  	[bflag:$0x3] =	sbarrier.arrive $0xFFFF  }
0x4d: {  	_ =	shalt  }

</sc_bundles>
